<compile_context>
chip_gen: v7x
topology: tpu7x:2x2x1
jax: 0.10.2.dev20260603
libtpu: 0.0.44.dev20260713+nightly
codegen_flags: <defaults>
</compile_context>

<pallas_src>
import functools

import jax
import jax.numpy as jnp
from jax import lax
from jax.experimental import pallas as pl
from jax.experimental.pallas import tpu as pltpu
from jax.experimental.pallas import tpu_sc as plsc

BETA = 0.5

N = 10000
NH = N // 2
E = 160000
EP = 163840
E_BLK = 2048
N_BLK = 1000
AGG_ROWS = 10112
ROWS_PER_TILE = 632
CHUNK = 128
CHUNKS_PER_TILE = EP // 16 // CHUNK
G_CHUNKS = EP // 32 // CHUNK
PK_ROWS_PER_TILE = 320
PK_LAST = NH - 15 * PK_ROWS_PER_TILE


def _unpack(words, parity):
    lo = lax.bitcast_convert_type(words << 16, jnp.float32)
    hi = lax.bitcast_convert_type(words & jnp.int32(-65536), jnp.float32)
    return jnp.where(parity == 1, hi, lo)


def _edge_mlp_body(xr, xc, dm,
                   w1a, w1b, b1c, w20, w21, b20, b21, out):
    bits = lax.bitcast_convert_type(dm[...], jnp.int32)
    pr = bits & 1
    pc = (bits >> 1) & 1
    d = lax.bitcast_convert_type(bits & jnp.int32(-4), jnp.float32)
    bf = jnp.bfloat16
    xrf = _unpack(xr[...], pr).astype(bf)
    xcf = _unpack(xc[...], pc).astype(bf)
    h = jnp.dot(xrf, w1a[...].astype(bf), preferred_element_type=jnp.float32)
    h += jnp.dot(xcf, w1b[...].astype(bf), preferred_element_type=jnp.float32)
    h = jnp.maximum(h + b1c[...], 0.0).astype(bf)
    m0 = jnp.dot(h[:, :256], w20[...].astype(bf),
                 preferred_element_type=jnp.float32)
    m0 = jnp.maximum(m0 + b20[...], 0.0)
    m1 = jnp.dot(h[:, 256:], w21[...].astype(bf),
                 preferred_element_type=jnp.float32)
    m1 = jnp.maximum(m1 + b21[...], 0.0)
    p0 = 1.0 / (1.0 + jnp.exp(-BETA * d))
    msg = m0 * p0 + m1 * (1.0 - p0)
    out[0] = msg[:, :128]
    out[1] = msg[:, 128:]


def _edge_mlp(xr, xc, dm, w1a, w1b, b1c, w20, w21, b20, b21):
    e = xr.shape[0]
    grid = (e // E_BLK,)
    blk = lambda r, c: pl.BlockSpec((r, c), lambda i: (i, 0))
    full = lambda r, c: pl.BlockSpec((r, c), lambda i: (0, 0))
    return pl.pallas_call(
        _edge_mlp_body,
        grid=grid,
        in_specs=[
            blk(E_BLK, 128), blk(E_BLK, 128), blk(E_BLK, 1),
            full(128, 512), full(128, 512), full(1, 512),
            full(256, 256), full(256, 256), full(1, 256), full(1, 256),
        ],
        out_specs=pl.BlockSpec((2, E_BLK, 128), lambda i: (0, i, 0)),
        out_shape=jax.ShapeDtypeStruct((2, e, 128), jnp.float32),
    )(xr, xc, dm, w1a, w1b, b1c, w20, w21, b20, b21)


def _sc_gather_body(xpk_hbm, rowg_hbm, colg_hbm, xr_hbm, xc_hbm,
                    idx_r, idx_c, bufr, bufc, x_sp,
                    gsr0, gsr1, gsc0, gsc1, osr0, osr1, osc0, osc1):
    c = lax.axis_index("c")
    s = lax.axis_index("s")
    wid = s * 2 + c
    base = wid * (G_CHUNKS * CHUNK)
    @pl.when(s < 15)
    def _():
        pltpu.sync_copy(
            xpk_hbm.at[pl.ds(s * PK_ROWS_PER_TILE, PK_ROWS_PER_TILE), :],
            x_sp.at[pl.ds(s * PK_ROWS_PER_TILE, PK_ROWS_PER_TILE), :])

    @pl.when(s == 15)
    def _():
        pltpu.sync_copy(
            xpk_hbm.at[pl.ds(15 * PK_ROWS_PER_TILE, PK_LAST), :],
            x_sp.at[pl.ds(15 * PK_ROWS_PER_TILE, PK_LAST), :])

    pltpu.sync_copy(rowg_hbm.at[wid], idx_r)
    pltpu.sync_copy(colg_hbm.at[wid], idx_c)
    plsc.subcore_barrier()

    gsems_r = (gsr0, gsr1)
    gsems_c = (gsc0, gsc1)
    osems_r = (osr0, osr1)
    osems_c = (osc0, osc1)

    def out_r(j, p):
        return pltpu.make_async_copy(
            bufr.at[p], xr_hbm.at[pl.ds(base + j * CHUNK, CHUNK), :],
            osems_r[p])

    def out_c(j, p):
        return pltpu.make_async_copy(
            bufc.at[p], xc_hbm.at[pl.ds(base + j * CHUNK, CHUNK), :],
            osems_c[p])

    for p in (0, 1):
        pltpu.async_copy(x_sp.at[idx_r.at[p]], bufr.at[p], gsems_r[p])
        pltpu.async_copy(x_sp.at[idx_c.at[p]], bufc.at[p], gsems_c[p])

    def pair_body(g, carry):
        for p in (0, 1):
            j = 2 * g + p
            pltpu.make_async_copy(x_sp.at[idx_r.at[0]], bufr.at[p],
                                  gsems_r[p]).wait()
            out_r(j, p).start()
            pltpu.make_async_copy(x_sp.at[idx_c.at[0]], bufc.at[p],
                                  gsems_c[p]).wait()
            out_c(j, p).start()

            @pl.when(j + 2 < G_CHUNKS)
            def _():
                out_r(j, p).wait()
                pltpu.async_copy(x_sp.at[idx_r.at[j + 2]], bufr.at[p],
                                 gsems_r[p])
                out_c(j, p).wait()
                pltpu.async_copy(x_sp.at[idx_c.at[j + 2]], bufc.at[p],
                                 gsems_c[p])
        return carry

    lax.fori_loop(0, G_CHUNKS // 2, pair_body, 0, unroll=False)
    for p in (0, 1):
        out_r(0, p).wait()
        out_c(0, p).wait()


def _sc_gather(xpk, rowg, colg):
    mesh = plsc.VectorSubcoreMesh(core_axis_name="c", subcore_axis_name="s")
    f = pl.kernel(
        _sc_gather_body,
        out_type=(jax.ShapeDtypeStruct((EP, 128), jnp.int32),
                  jax.ShapeDtypeStruct((EP, 128), jnp.int32)),
        mesh=mesh,
        scratch_types=[
            pltpu.VMEM((G_CHUNKS, CHUNK), jnp.int32),
            pltpu.VMEM((G_CHUNKS, CHUNK), jnp.int32),
            pltpu.VMEM((2, CHUNK, 128), jnp.int32),
            pltpu.VMEM((2, CHUNK, 128), jnp.int32),
            pltpu.VMEM_SHARED((NH, 128), jnp.int32),
        ] + [pltpu.SemaphoreType.DMA] * 8,
    )
    return f(xpk, rowg, colg)


def _sc_scatter_body(msg_hbm, idx_hbm, zeros_hbm, out_hbm,
                     idx_v, buf, agg_sh, sem):
    c = lax.axis_index("c")
    s = lax.axis_index("s")
    pltpu.sync_copy(zeros_hbm.at[pl.ds(s * ROWS_PER_TILE, ROWS_PER_TILE), :],
                    agg_sh.at[pl.ds(s * ROWS_PER_TILE, ROWS_PER_TILE), :])
    pltpu.sync_copy(idx_hbm.at[s], idx_v)
    plsc.subcore_barrier()

    base = s * (CHUNKS_PER_TILE * CHUNK)

    def body(j, carry):
        pltpu.sync_copy(msg_hbm.at[c, pl.ds(base + j * CHUNK, CHUNK), :], buf)
        pltpu.sync_copy(buf, agg_sh.at[idx_v.at[j]], add=True)
        return carry

    lax.fori_loop(0, CHUNKS_PER_TILE, body, 0, unroll=False)
    plsc.subcore_barrier()

    @pl.when(s < 15)
    def _():
        pltpu.sync_copy(agg_sh.at[pl.ds(s * ROWS_PER_TILE, ROWS_PER_TILE), :],
                        out_hbm.at[c, pl.ds(s * ROWS_PER_TILE, ROWS_PER_TILE), :])

    @pl.when(s == 15)
    def _():
        pltpu.sync_copy(agg_sh.at[pl.ds(15 * ROWS_PER_TILE, N - 15 * ROWS_PER_TILE), :],
                        out_hbm.at[c, pl.ds(15 * ROWS_PER_TILE, N - 15 * ROWS_PER_TILE), :])


def _sc_scatter(msg2, idx3, zeros):
    mesh = plsc.VectorSubcoreMesh(core_axis_name="c", subcore_axis_name="s")
    f = pl.kernel(
        _sc_scatter_body,
        out_type=jax.ShapeDtypeStruct((2, N, 128), jnp.float32),
        mesh=mesh,
        scratch_types=[
            pltpu.VMEM((CHUNKS_PER_TILE, CHUNK), jnp.int32),
            pltpu.VMEM((CHUNK, 128), jnp.float32),
            pltpu.VMEM_SHARED((AGG_ROWS, 128), jnp.float32),
            pltpu.SemaphoreType.DMA,
        ],
    )
    return f(msg2, idx3, zeros)


def _node_mlp_body(x, agg0, agg1, wo1x, wo1a0, wo1a1, bo1, wo2, bo2, wo3, bo3, out):
    h1 = jnp.dot(x[...], wo1x[...], preferred_element_type=jnp.float32)
    h1 += jnp.dot(agg0[...], wo1a0[...], preferred_element_type=jnp.float32)
    h1 += jnp.dot(agg1[...], wo1a1[...], preferred_element_type=jnp.float32)
    h1 = jnp.maximum(h1 + bo1[...], 0.0)
    h2 = jnp.dot(h1, wo2[...], preferred_element_type=jnp.float32)
    h2 = jnp.maximum(h2 + bo2[...], 0.0)
    out[...] = x[...] + jnp.dot(h2, wo3[...], preferred_element_type=jnp.float32) + bo3[...]


def _node_mlp(x, agg0, agg1, wo1x, wo1a0, wo1a1, bo1, wo2, bo2, wo3, bo3):
    n = x.shape[0]
    grid = (n // N_BLK,)
    blk = lambda r, c: pl.BlockSpec((r, c), lambda i: (i, 0))
    full = lambda r, c: pl.BlockSpec((r, c), lambda i: (0, 0))
    return pl.pallas_call(
        _node_mlp_body,
        grid=grid,
        in_specs=[
            blk(N_BLK, 128), blk(N_BLK, 128), blk(N_BLK, 128),
            full(128, 256), full(128, 256), full(128, 256), full(1, 256),
            full(256, 256), full(1, 256),
            full(256, 128), full(1, 128),
        ],
        out_specs=blk(N_BLK, 128),
        out_shape=jax.ShapeDtypeStruct((n, 128), jnp.float32),
    )(x, agg0, agg1, wo1x, wo1a0, wo1a1, bo1, wo2, bo2, wo3, bo3)


def kernel(inputs, edge_index, logits, W1, b1, W2, b2, Wo1, bo1, Wo2, bo2, Wo3, bo3):
    row = edge_index[0]
    col = edge_index[1]

    w1a = jnp.concatenate([W1[0, :128, :], W1[1, :128, :]], axis=1)
    w1b = jnp.concatenate([W1[0, 128:, :], W1[1, 128:, :]], axis=1)
    b1c = jnp.concatenate([b1[0], b1[1]])[None, :]
    w20, w21 = W2[0], W2[1]
    b20, b21 = b2[0][None, :], b2[1][None, :]
    wo1x = Wo1[:128, :]
    wo1a0, wo1a1 = Wo1[128:256, :], Wo1[256:, :]
    bo1r, bo2r, bo3r = bo1[None, :], bo2[None, :], bo3[None, :]

    pad = EP - E
    rp = jnp.pad(row, (0, pad))
    cp = jnp.pad(col, (0, pad))
    prf = (rp >= NH).astype(jnp.int32)
    pcf = (cp >= NH).astype(jnp.int32)
    row_g = (rp - NH * prf).reshape(32, G_CHUNKS, CHUNK)
    col_g = (cp - NH * pcf).reshape(32, G_CHUNKS, CHUNK)
    d = jnp.pad(logits[0] - logits[1], (0, pad))
    dbits = lax.bitcast_convert_type(d, jnp.int32)
    dm = lax.bitcast_convert_type(
        (dbits & jnp.int32(-4)) | prf | (pcf << 1), jnp.float32)[:, None]
    idx3 = jnp.pad(row, (0, pad), constant_values=N).reshape(16, CHUNKS_PER_TILE, CHUNK)
    zeros = jnp.zeros((AGG_ROWS, 128), jnp.float32)

    def step(x):
        lo = lax.bitcast_convert_type(
            x[:NH].astype(jnp.bfloat16), jnp.uint16).astype(jnp.int32)
        hi = lax.bitcast_convert_type(
            x[NH:].astype(jnp.bfloat16), jnp.uint16).astype(jnp.int32)
        xpk = jnp.bitwise_or(jnp.left_shift(hi, 16), lo)
        xr, xc = _sc_gather(xpk, row_g, col_g)
        msg2 = _edge_mlp(xr, xc, dm, w1a, w1b, b1c, w20, w21, b20, b21)
        agg2 = _sc_scatter(msg2, idx3, zeros)
        return _node_mlp(x, agg2[0], agg2[1], wo1x, wo1a0, wo1a1, bo1r,
                         Wo2, bo2r, Wo3, bo3r)

    x = inputs[0, :, :, 0]
    x1 = step(x)
    x2 = step(x1)
    return jnp.stack([x1, x2], axis=-1)[None]

# --- scband reference (transcript-rebuilt; emitter-appended) ---
"""Pipeline reference for scband-mlpdecoder-50714973831729 (READ-ONLY COPY).

The authoritative reference and input builder live on the scoring server;
editing this copy changes nothing except your own understanding.
"""

import jax, jax.numpy as jnp
import numpy as np

B, N, C, T, E, H = 1, 10000, 128, 3, 160000, 256
PREDS = T - 1
BETA = 0.5

def setup_inputs(seed: int = 0) -> dict:
    key = jax.random.key(seed)
    ks = jax.random.split(key, 10)
    s = 0.02
    inputs = jax.random.normal(ks[0], (B, N, C, T), dtype=jnp.float32)
    edge_index = jax.random.randint(ks[1], (2, E), 0, N, dtype=jnp.int32)
    logits = jax.random.normal(ks[2], (2, E), dtype=jnp.float32)
    W1 = jax.random.normal(ks[3], (2, 2 * C, H), dtype=jnp.float32) * s
    b1 = jnp.zeros((2, H), dtype=jnp.float32)
    W2 = jax.random.normal(ks[4], (2, H, H), dtype=jnp.float32) * s
    b2 = jnp.zeros((2, H), dtype=jnp.float32)
    Wo1 = jax.random.normal(ks[5], (C + H, H), dtype=jnp.float32) * s
    bo1 = jnp.zeros((H,), dtype=jnp.float32)
    Wo2 = jax.random.normal(ks[6], (H, H), dtype=jnp.float32) * s
    bo2 = jnp.zeros((H,), dtype=jnp.float32)
    Wo3 = jax.random.normal(ks[7], (H, C), dtype=jnp.float32) * s
    bo3 = jnp.zeros((C,), dtype=jnp.float32)
    return {"inputs": inputs, "edge_index": edge_index, "logits": logits,
            "W1": W1, "b1": b1, "W2": W2, "b2": b2,
            "Wo1": Wo1, "bo1": bo1, "Wo2": Wo2, "bo2": bo2, "Wo3": Wo3, "bo3": bo3}


def reference(inputs, edge_index, logits, W1, b1, W2, b2, Wo1, bo1, Wo2, bo2, Wo3, bo3):
    # gumbel_noise=False, dropout=0.0 (eval), skip_first_edge_type=False
    edge_prob = jax.nn.softmax(BETA * logits, axis=0)  # [2, E]
    row = edge_index[0]
    col = edge_index[1]
    n_nodes = inputs.shape[1]

    def single_step(x):
        x0 = x
        pre_msg = jnp.concatenate((x[:, row, :], x[:, col, :]), axis=-1)  # [B, E, 2C]
        all_msgs = None
        for i in range(2):
            msg = jax.nn.relu(pre_msg @ W1[i] + b1[i])
            msg = jax.nn.relu(msg @ W2[i] + b2[i])
            msg = msg * edge_prob[i][None, :, None]  # einsum('bec,e->bec')
            all_msgs = msg if all_msgs is None else all_msgs + msg
        agg_msgs = jnp.zeros((x.shape[0], n_nodes, all_msgs.shape[-1]), dtype=x.dtype).at[:, row, :].add(all_msgs)
        aug = jnp.concatenate((x0, agg_msgs), axis=-1)
        pred = jax.nn.relu(aug @ Wo1 + bo1)
        pred = jax.nn.relu(pred @ Wo2 + bo2)
        pred = pred @ Wo3 + bo3
        return x0 + pred

    last_pred = inputs[..., 0]
    preds = []
    for _ in range(PREDS):
        last_pred = single_step(last_pred)
        preds.append(last_pred[..., None])
    return jnp.concatenate(preds, axis=-1)

if __name__ == "__main__":
    import jax
    _d = setup_inputs()
    print(jax.jit(kernel)(*tuple(_d.values())))

</pallas_src>

<mosaic_0001>
#map = affine_map<(d0, d1) -> (0, 0)>
#map1 = affine_map<(d0, d1) -> (0, 0, 0)>
module attributes {stable_mosaic.version = 14 : i64} {
  func.func @_sc_gather_body(%arg0: i32, %arg1: i32, %arg2: memref<5000x128xi32, #tpu.memory_space<hbm>>, %arg3: memref<32x40x128xi32, #tpu.memory_space<hbm>>, %arg4: memref<32x40x128xi32, #tpu.memory_space<hbm>>, %arg5: memref<163840x128xi32, #tpu.memory_space<hbm>>, %arg6: memref<163840x128xi32, #tpu.memory_space<hbm>>, %arg7: memref<40x128xi32, #tpu.memory_space<vmem>>, %arg8: memref<40x128xi32, #tpu.memory_space<vmem>>, %arg9: memref<2x128x128xi32, #tpu.memory_space<vmem>>, %arg10: memref<2x128x128xi32, #tpu.memory_space<vmem>>, %arg11: memref<5000x128xi32, #tpu.memory_space<vmem_shared>>, %arg12: memref<!tpu.dma_semaphore, #tpu.memory_space<semaphore_mem>>, %arg13: memref<!tpu.dma_semaphore, #tpu.memory_space<semaphore_mem>>, %arg14: memref<!tpu.dma_semaphore, #tpu.memory_space<semaphore_mem>>, %arg15: memref<!tpu.dma_semaphore, #tpu.memory_space<semaphore_mem>>, %arg16: memref<!tpu.dma_semaphore, #tpu.memory_space<semaphore_mem>>, %arg17: memref<!tpu.dma_semaphore, #tpu.memory_space<semaphore_mem>>, %arg18: memref<!tpu.dma_semaphore, #tpu.memory_space<semaphore_mem>>, %arg19: memref<!tpu.dma_semaphore, #tpu.memory_space<semaphore_mem>>) attributes {dimension_semantics = [#tpu.dimension_semantics<core_parallel>, #tpu.dimension_semantics<subcore_parallel>], iteration_bounds = array<i64: 2, 16>, scalar_prefetch = 0 : i64, scratch_operands = 13 : i64, tpu.core_type = #tpu.core_type<sc_vector_subcore>, window_params = [{transform_indices = #map}, {transform_indices = #map1}, {transform_indices = #map1}, {transform_indices = #map}, {transform_indices = #map}]} {
    %mul3A = arith.constant 2 : i32
    %mul3A_0 = arith.muli %arg1, %mul3A : i32
    %add3A = arith.addi %mul3A_0, %arg0 : i32
    %mul3A_1 = arith.constant 5120 : i32
    %mul3A_2 = arith.muli %add3A, %mul3A_1 : i32
    %lt3A = arith.constant 15 : i32
    %lt3A_3 = arith.cmpi slt, %arg1, %lt3A : i32
    %convert_element_type3A = arith.extui %lt3A_3 : i1 to i32
    %cond3A = arith.constant 0 : i32
    %cond3A_4 = arith.cmpi ne, %convert_element_type3A, %cond3A : i32
    scf.if %cond3A_4 {
      %mul3A_120 = arith.constant 320 : i32
      %mul3A_121 = arith.muli %arg1, %mul3A_120 : i32
      %mul3A_122 = arith.constant 320 : i32
      %mul3A_123 = arith.muli %arg1, %mul3A_122 : i32
      "tpu.region"() ({
        %run_scoped3A = tpu.sem_alloc : memref<!tpu.dma_semaphore, #tpu.memory_space<semaphore_mem>>
        %dma_start3A_124 = arith.constant 0 : i32
        %dma_start3A_125 = tpu.memref_slice %arg11[%mul3A_123, %dma_start3A_124] : memref<5000x128xi32, #tpu.memory_space<vmem_shared>> -> memref<320x128xi32, #tpu.memory_space<vmem_shared>>
        %dma_start3A_126 = arith.constant 0 : i32
        %dma_start3A_127 = tpu.memref_slice %arg2[%mul3A_121, %dma_start3A_126] : memref<5000x128xi32, #tpu.memory_space<hbm>> -> memref<320x128xi32, #tpu.memory_space<hbm>>
        tpu.enqueue_dma source(%dma_start3A_127 : memref<320x128xi32, #tpu.memory_space<hbm>>) target(%dma_start3A_125 : memref<320x128xi32, #tpu.memory_space<vmem_shared>>) target_semaphore(%run_scoped3A : memref<!tpu.dma_semaphore, #tpu.memory_space<semaphore_mem>>)
        %dma_wait3A_128 = arith.constant 0 : i32
        %dma_wait3A_129 = tpu.memref_slice %arg11[%mul3A_123, %dma_wait3A_128] : memref<5000x128xi32, #tpu.memory_space<vmem_shared>> -> memref<320x128xi32, #tpu.memory_space<vmem_shared>>
        %dma_wait3A_130 = arith.constant 0 : i32
        %dma_wait3A_131 = tpu.memref_slice %arg2[%mul3A_121, %dma_wait3A_130] : memref<5000x128xi32, #tpu.memory_space<hbm>> -> memref<320x128xi32, #tpu.memory_space<hbm>>
        tpu.wait_dma2 semaphore(%run_scoped3A : memref<!tpu.dma_semaphore, #tpu.memory_space<semaphore_mem>>) src(%dma_wait3A_131 : memref<320x128xi32, #tpu.memory_space<hbm>>) dst(%dma_wait3A_129 : memref<320x128xi32, #tpu.memory_space<vmem_shared>>)
        tpu.yield
      }) : () -> ()
    } else {
    }
    %eq3A = arith.constant 15 : i32
    %eq3A_5 = arith.cmpi eq, %arg1, %eq3A : i32
    %convert_element_type3A_6 = arith.extui %eq3A_5 : i1 to i32
    %cond3A_7 = arith.constant 0 : i32
    %cond3A_8 = arith.cmpi ne, %convert_element_type3A_6, %cond3A_7 : i32
    scf.if %cond3A_8 {
      "tpu.region"() ({
        %run_scoped3A = tpu.sem_alloc : memref<!tpu.dma_semaphore, #tpu.memory_space<semaphore_mem>>
        %dma_start3A_120 = arith.constant 4800 : i32
        %dma_start3A_121 = arith.constant 0 : i32
        %dma_start3A_122 = tpu.memref_slice %arg11[%dma_start3A_120, %dma_start3A_121] : memref<5000x128xi32, #tpu.memory_space<vmem_shared>> -> memref<200x128xi32, #tpu.memory_space<vmem_shared>>
        %dma_start3A_123 = arith.constant 4800 : i32
        %dma_start3A_124 = arith.constant 0 : i32
        %dma_start3A_125 = tpu.memref_slice %arg2[%dma_start3A_123, %dma_start3A_124] : memref<5000x128xi32, #tpu.memory_space<hbm>> -> memref<200x128xi32, #tpu.memory_space<hbm>>
        tpu.enqueue_dma source(%dma_start3A_125 : memref<200x128xi32, #tpu.memory_space<hbm>>) target(%dma_start3A_122 : memref<200x128xi32, #tpu.memory_space<vmem_shared>>) target_semaphore(%run_scoped3A : memref<!tpu.dma_semaphore, #tpu.memory_space<semaphore_mem>>)
        %dma_wait3A_126 = arith.constant 4800 : i32
        %dma_wait3A_127 = arith.constant 0 : i32
        %dma_wait3A_128 = tpu.memref_slice %arg11[%dma_wait3A_126, %dma_wait3A_127] : memref<5000x128xi32, #tpu.memory_space<vmem_shared>> -> memref<200x128xi32, #tpu.memory_space<vmem_shared>>
        %dma_wait3A_129 = arith.constant 4800 : i32
        %dma_wait3A_130 = arith.constant 0 : i32
        %dma_wait3A_131 = tpu.memref_slice %arg2[%dma_wait3A_129, %dma_wait3A_130] : memref<5000x128xi32, #tpu.memory_space<hbm>> -> memref<200x128xi32, #tpu.memory_space<hbm>>
        tpu.wait_dma2 semaphore(%run_scoped3A : memref<!tpu.dma_semaphore, #tpu.memory_space<semaphore_mem>>) src(%dma_wait3A_131 : memref<200x128xi32, #tpu.memory_space<hbm>>) dst(%dma_wait3A_128 : memref<200x128xi32, #tpu.memory_space<vmem_shared>>)
        tpu.yield
      }) : () -> ()
    } else {
    }
    "tpu.region"() ({
      %run_scoped3A = tpu.sem_alloc : memref<!tpu.dma_semaphore, #tpu.memory_space<semaphore_mem>>
      %dma_start3A_120 = arith.constant 0 : i32
      %dma_start3A_121 = arith.constant 0 : i32
      %dma_start3A_122 = tpu.memref_slice %arg3[%add3A, %dma_start3A_120, %dma_start3A_121] : memref<32x40x128xi32, #tpu.memory_space<hbm>> -> memref<1x40x128xi32, #tpu.memory_space<hbm>>
      %dma_start3A_123 = tpu.memref_squeeze %dma_start3A_122 : memref<1x40x128xi32, #tpu.memory_space<hbm>> -> memref<40x128xi32, #tpu.memory_space<hbm>>
      %dma_start3A_124 = arith.constant 0 : i32
      %dma_start3A_125 = arith.constant 0 : i32
      %dma_start3A_126 = tpu.memref_slice %arg3[%add3A, %dma_start3A_124, %dma_start3A_125] : memref<32x40x128xi32, #tpu.memory_space<hbm>> -> memref<1x40x128xi32, #tpu.memory_space<hbm>>
      %dma_start3A_127 = tpu.memref_squeeze %dma_start3A_126 : memref<1x40x128xi32, #tpu.memory_space<hbm>> -> memref<40x128xi32, #tpu.memory_space<hbm>>
      tpu.enqueue_dma source(%dma_start3A_127 : memref<40x128xi32, #tpu.memory_space<hbm>>) target(%arg7 : memref<40x128xi32, #tpu.memory_space<vmem>>) target_semaphore(%run_scoped3A : memref<!tpu.dma_semaphore, #tpu.memory_space<semaphore_mem>>)
      %dma_wait3A_128 = arith.constant 0 : i32
      %dma_wait3A_129 = arith.constant 0 : i32
      %dma_wait3A_130 = tpu.memref_slice %arg3[%add3A, %dma_wait3A_128, %dma_wait3A_129] : memref<32x40x128xi32, #tpu.memory_space<hbm>> -> memref<1x40x128xi32, #tpu.memory_space<hbm>>
      %dma_wait3A_131 = tpu.memref_squeeze %dma_wait3A_130 : memref<1x40x128xi32, #tpu.memory_space<hbm>> -> memref<40x128xi32, #tpu.memory_space<hbm>>
      %dma_wait3A_132 = arith.constant 0 : i32
      %dma_wait3A_133 = arith.constant 0 : i32
      %dma_wait3A_134 = tpu.memref_slice %arg3[%add3A, %dma_wait3A_132, %dma_wait3A_133] : memref<32x40x128xi32, #tpu.memory_space<hbm>> -> memref<1x40x128xi32, #tpu.memory_space<hbm>>
      %dma_wait3A_135 = tpu.memref_squeeze %dma_wait3A_134 : memref<1x40x128xi32, #tpu.memory_space<hbm>> -> memref<40x128xi32, #tpu.memory_space<hbm>>
      tpu.wait_dma2 semaphore(%run_scoped3A : memref<!tpu.dma_semaphore, #tpu.memory_space<semaphore_mem>>) src(%dma_wait3A_135 : memref<40x128xi32, #tpu.memory_space<hbm>>) dst(%arg7 : memref<40x128xi32, #tpu.memory_space<vmem>>)
      tpu.yield
    }) : () -> ()
    "tpu.region"() ({
      %run_scoped3A = tpu.sem_alloc : memref<!tpu.dma_semaphore, #tpu.memory_space<semaphore_mem>>
      %dma_start3A_120 = arith.constant 0 : i32
      %dma_start3A_121 = arith.constant 0 : i32
      %dma_start3A_122 = tpu.memref_slice %arg4[%add3A, %dma_start3A_120, %dma_start3A_121] : memref<32x40x128xi32, #tpu.memory_space<hbm>> -> memref<1x40x128xi32, #tpu.memory_space<hbm>>
      %dma_start3A_123 = tpu.memref_squeeze %dma_start3A_122 : memref<1x40x128xi32, #tpu.memory_space<hbm>> -> memref<40x128xi32, #tpu.memory_space<hbm>>
      %dma_start3A_124 = arith.constant 0 : i32
      %dma_start3A_125 = arith.constant 0 : i32
      %dma_start3A_126 = tpu.memref_slice %arg4[%add3A, %dma_start3A_124, %dma_start3A_125] : memref<32x40x128xi32, #tpu.memory_space<hbm>> -> memref<1x40x128xi32, #tpu.memory_space<hbm>>
      %dma_start3A_127 = tpu.memref_squeeze %dma_start3A_126 : memref<1x40x128xi32, #tpu.memory_space<hbm>> -> memref<40x128xi32, #tpu.memory_space<hbm>>
      tpu.enqueue_dma source(%dma_start3A_127 : memref<40x128xi32, #tpu.memory_space<hbm>>) target(%arg8 : memref<40x128xi32, #tpu.memory_space<vmem>>) target_semaphore(%run_scoped3A : memref<!tpu.dma_semaphore, #tpu.memory_space<semaphore_mem>>)
      %dma_wait3A_128 = arith.constant 0 : i32
      %dma_wait3A_129 = arith.constant 0 : i32
      %dma_wait3A_130 = tpu.memref_slice %arg4[%add3A, %dma_wait3A_128, %dma_wait3A_129] : memref<32x40x128xi32, #tpu.memory_space<hbm>> -> memref<1x40x128xi32, #tpu.memory_space<hbm>>
      %dma_wait3A_131 = tpu.memref_squeeze %dma_wait3A_130 : memref<1x40x128xi32, #tpu.memory_space<hbm>> -> memref<40x128xi32, #tpu.memory_space<hbm>>
      %dma_wait3A_132 = arith.constant 0 : i32
      %dma_wait3A_133 = arith.constant 0 : i32
      %dma_wait3A_134 = tpu.memref_slice %arg4[%add3A, %dma_wait3A_132, %dma_wait3A_133] : memref<32x40x128xi32, #tpu.memory_space<hbm>> -> memref<1x40x128xi32, #tpu.memory_space<hbm>>
      %dma_wait3A_135 = tpu.memref_squeeze %dma_wait3A_134 : memref<1x40x128xi32, #tpu.memory_space<hbm>> -> memref<40x128xi32, #tpu.memory_space<hbm>>
      tpu.wait_dma2 semaphore(%run_scoped3A : memref<!tpu.dma_semaphore, #tpu.memory_space<semaphore_mem>>) src(%dma_wait3A_135 : memref<40x128xi32, #tpu.memory_space<hbm>>) dst(%arg8 : memref<40x128xi32, #tpu.memory_space<vmem>>)
      tpu.yield
    }) : () -> ()
    %barrier3A = arith.constant 0 : index
    tpu.barrier barrier_id(%barrier3A)
    %dma_start3A = arith.constant 0 : i32
    %dma_start3A_9 = arith.constant 0 : i32
    %dma_start3A_10 = arith.constant 0 : i32
    %dma_start3A_11 = arith.constant 0 : i32
    %dma_start3A_12 = tpu.memref_slice %arg9[%dma_start3A_9, %dma_start3A_10, %dma_start3A_11] : memref<2x128x128xi32, #tpu.memory_space<vmem>> -> memref<1x128x128xi32, #tpu.memory_space<vmem>>
    %dma_start3A_13 = tpu.memref_squeeze %dma_start3A_12 : memref<1x128x128xi32, #tpu.memory_space<vmem>> -> memref<128x128xi32, #tpu.memory_space<vmem>>
    %dma_start3A_14 = arith.constant 0 : i32
    %dma_start3A_15 = tpu.memref_slice %arg7[%dma_start3A, %dma_start3A_14] : memref<40x128xi32, #tpu.memory_space<vmem>> -> memref<1x128xi32, #tpu.memory_space<vmem>>
    %dma_start3A_16 = tpu.memref_squeeze %dma_start3A_15 : memref<1x128xi32, #tpu.memory_space<vmem>> -> memref<128xi32, #tpu.memory_space<vmem>>
    %dma_start3A_17 = arith.constant 0 : i32
    %dma_start3A_18 = arith.constant 0 : i32
    %dma_start3A_19 = tpu.memref_slice %arg11[%dma_start3A_17, %dma_start3A_18] : memref<5000x128xi32, #tpu.memory_space<vmem_shared>> -> memref<5000x128xi32, #tpu.memory_space<vmem_shared>>
    tpu.enqueue_indirect_dma source(%dma_start3A_19 : memref<5000x128xi32, #tpu.memory_space<vmem_shared>>) target(%dma_start3A_13 : memref<128x128xi32, #tpu.memory_space<vmem>>) offsets(%dma_start3A_16 : memref<128xi32, #tpu.memory_space<vmem>>) semaphore(%arg12 : memref<!tpu.dma_semaphore, #tpu.memory_space<semaphore_mem>>)
    %dma_start3A_20 = arith.constant 0 : i32
    %dma_start3A_21 = arith.constant 0 : i32
    %dma_start3A_22 = arith.constant 0 : i32
    %dma_start3A_23 = arith.constant 0 : i32
    %dma_start3A_24 = tpu.memref_slice %arg10[%dma_start3A_21, %dma_start3A_22, %dma_start3A_23] : memref<2x128x128xi32, #tpu.memory_space<vmem>> -> memref<1x128x128xi32, #tpu.memory_space<vmem>>
    %dma_start3A_25 = tpu.memref_squeeze %dma_start3A_24 : memref<1x128x128xi32, #tpu.memory_space<vmem>> -> memref<128x128xi32, #tpu.memory_space<vmem>>
    %dma_start3A_26 = arith.constant 0 : i32
    %dma_start3A_27 = tpu.memref_slice %arg8[%dma_start3A_20, %dma_start3A_26] : memref<40x128xi32, #tpu.memory_space<vmem>> -> memref<1x128xi32, #tpu.memory_space<vmem>>
    %dma_start3A_28 = tpu.memref_squeeze %dma_start3A_27 : memref<1x128xi32, #tpu.memory_space<vmem>> -> memref<128xi32, #tpu.memory_space<vmem>>
    %dma_start3A_29 = arith.constant 0 : i32
    %dma_start3A_30 = arith.constant 0 : i32
    %dma_start3A_31 = tpu.memref_slice %arg11[%dma_start3A_29, %dma_start3A_30] : memref<5000x128xi32, #tpu.memory_space<vmem_shared>> -> memref<5000x128xi32, #tpu.memory_space<vmem_shared>>
    tpu.enqueue_indirect_dma source(%dma_start3A_31 : memref<5000x128xi32, #tpu.memory_space<vmem_shared>>) target(%dma_start3A_25 : memref<128x128xi32, #tpu.memory_space<vmem>>) offsets(%dma_start3A_28 : memref<128xi32, #tpu.memory_space<vmem>>) semaphore(%arg14 : memref<!tpu.dma_semaphore, #tpu.memory_space<semaphore_mem>>)
    %dma_start3A_32 = arith.constant 1 : i32
    %dma_start3A_33 = arith.constant 1 : i32
    %dma_start3A_34 = arith.constant 0 : i32
    %dma_start3A_35 = arith.constant 0 : i32
    %dma_start3A_36 = tpu.memref_slice %arg9[%dma_start3A_33, %dma_start3A_34, %dma_start3A_35] : memref<2x128x128xi32, #tpu.memory_space<vmem>> -> memref<1x128x128xi32, #tpu.memory_space<vmem>>
    %dma_start3A_37 = tpu.memref_squeeze %dma_start3A_36 : memref<1x128x128xi32, #tpu.memory_space<vmem>> -> memref<128x128xi32, #tpu.memory_space<vmem>>
    %dma_start3A_38 = arith.constant 0 : i32
    %dma_start3A_39 = tpu.memref_slice %arg7[%dma_start3A_32, %dma_start3A_38] : memref<40x128xi32, #tpu.memory_space<vmem>> -> memref<1x128xi32, #tpu.memory_space<vmem>>
    %dma_start3A_40 = tpu.memref_squeeze %dma_start3A_39 : memref<1x128xi32, #tpu.memory_space<vmem>> -> memref<128xi32, #tpu.memory_space<vmem>>
    %dma_start3A_41 = arith.constant 0 : i32
    %dma_start3A_42 = arith.constant 0 : i32
    %dma_start3A_43 = tpu.memref_slice %arg11[%dma_start3A_41, %dma_start3A_42] : memref<5000x128xi32, #tpu.memory_space<vmem_shared>> -> memref<5000x128xi32, #tpu.memory_space<vmem_shared>>
    tpu.enqueue_indirect_dma source(%dma_start3A_43 : memref<5000x128xi32, #tpu.memory_space<vmem_shared>>) target(%dma_start3A_37 : memref<128x128xi32, #tpu.memory_space<vmem>>) offsets(%dma_start3A_40 : memref<128xi32, #tpu.memory_space<vmem>>) semaphore(%arg13 : memref<!tpu.dma_semaphore, #tpu.memory_space<semaphore_mem>>)
    %dma_start3A_44 = arith.constant 1 : i32
    %dma_start3A_45 = arith.constant 1 : i32
    %dma_start3A_46 = arith.constant 0 : i32
    %dma_start3A_47 = arith.constant 0 : i32
    %dma_start3A_48 = tpu.memref_slice %arg10[%dma_start3A_45, %dma_start3A_46, %dma_start3A_47] : memref<2x128x128xi32, #tpu.memory_space<vmem>> -> memref<1x128x128xi32, #tpu.memory_space<vmem>>
    %dma_start3A_49 = tpu.memref_squeeze %dma_start3A_48 : memref<1x128x128xi32, #tpu.memory_space<vmem>> -> memref<128x128xi32, #tpu.memory_space<vmem>>
    %dma_start3A_50 = arith.constant 0 : i32
    %dma_start3A_51 = tpu.memref_slice %arg8[%dma_start3A_44, %dma_start3A_50] : memref<40x128xi32, #tpu.memory_space<vmem>> -> memref<1x128xi32, #tpu.memory_space<vmem>>
    %dma_start3A_52 = tpu.memref_squeeze %dma_start3A_51 : memref<1x128xi32, #tpu.memory_space<vmem>> -> memref<128xi32, #tpu.memory_space<vmem>>
    %dma_start3A_53 = arith.constant 0 : i32
    %dma_start3A_54 = arith.constant 0 : i32
    %dma_start3A_55 = tpu.memref_slice %arg11[%dma_start3A_53, %dma_start3A_54] : memref<5000x128xi32, #tpu.memory_space<vmem_shared>> -> memref<5000x128xi32, #tpu.memory_space<vmem_shared>>
    tpu.enqueue_indirect_dma source(%dma_start3A_55 : memref<5000x128xi32, #tpu.memory_space<vmem_shared>>) target(%dma_start3A_49 : memref<128x128xi32, #tpu.memory_space<vmem>>) offsets(%dma_start3A_52 : memref<128xi32, #tpu.memory_space<vmem>>) semaphore(%arg15 : memref<!tpu.dma_semaphore, #tpu.memory_space<semaphore_mem>>)
    %scan3A = arith.constant 0 : i32
    %scan3A_56 = arith.constant 0 : i32
    %scan3A_57 = arith.constant 20 : i32
    %scan3A_58 = arith.addi %scan3A_56, %scan3A_57 : i32
    %scan3A_59 = arith.constant 1 : i32
    scf.for %scan3A_120 = %scan3A_56 to %scan3A_58 step %scan3A_59  : i32 {
      %mul3A_121 = arith.constant 2 : i32
      %mul3A_122 = arith.muli %mul3A_121, %scan3A_120 : i32
      %add3A_123 = arith.constant 0 : i32
      %add3A_124 = arith.addi %mul3A_122, %add3A_123 : i32
      %dma_wait3A_125 = arith.constant 0 : i32
      %dma_wait3A_126 = arith.constant 0 : i32
      %dma_wait3A_127 = arith.constant 0 : i32
      %dma_wait3A_128 = arith.constant 0 : i32
      %dma_wait3A_129 = tpu.memref_slice %arg9[%dma_wait3A_126, %dma_wait3A_127, %dma_wait3A_128] : memref<2x128x128xi32, #tpu.memory_space<vmem>> -> memref<1x128x128xi32, #tpu.memory_space<vmem>>
      %dma_wait3A_130 = tpu.memref_squeeze %dma_wait3A_129 : memref<1x128x128xi32, #tpu.memory_space<vmem>> -> memref<128x128xi32, #tpu.memory_space<vmem>>
      %dma_wait3A_131 = arith.constant 0 : i32
      %dma_wait3A_132 = tpu.memref_slice %arg7[%dma_wait3A_125, %dma_wait3A_131] : memref<40x128xi32, #tpu.memory_space<vmem>> -> memref<1x128xi32, #tpu.memory_space<vmem>>
      %dma_wait3A_133 = tpu.memref_squeeze %dma_wait3A_132 : memref<1x128xi32, #tpu.memory_space<vmem>> -> memref<128xi32, #tpu.memory_space<vmem>>
      %dma_wait3A_134 = arith.constant 0 : i32
      %dma_wait3A_135 = arith.constant 0 : i32
      %dma_wait3A_136 = tpu.memref_slice %arg11[%dma_wait3A_134, %dma_wait3A_135] : memref<5000x128xi32, #tpu.memory_space<vmem_shared>> -> memref<5000x128xi32, #tpu.memory_space<vmem_shared>>
      tpu.wait_indirect_dma semaphore(%arg12 : memref<!tpu.dma_semaphore, #tpu.memory_space<semaphore_mem>>) src(%dma_wait3A_136 : memref<5000x128xi32, #tpu.memory_space<vmem_shared>>) dst(%dma_wait3A_130 : memref<128x128xi32, #tpu.memory_space<vmem>>)
      %mul3A_137 = arith.constant 128 : i32
      %mul3A_138 = arith.muli %add3A_124, %mul3A_137 : i32
      %add3A_139 = arith.addi %mul3A_2, %mul3A_138 : i32
      %dma_start3A_140 = arith.constant 0 : i32
      %dma_start3A_141 = arith.constant 0 : i32
      %dma_start3A_142 = arith.constant 0 : i32
      %dma_start3A_143 = tpu.memref_slice %arg9[%dma_start3A_140, %dma_start3A_141, %dma_start3A_142] : memref<2x128x128xi32, #tpu.memory_space<vmem>> -> memref<1x128x128xi32, #tpu.memory_space<vmem>>
      %dma_start3A_144 = tpu.memref_squeeze %dma_start3A_143 : memref<1x128x128xi32, #tpu.memory_space<vmem>> -> memref<128x128xi32, #tpu.memory_space<vmem>>
      %dma_start3A_145 = arith.constant 0 : i32
      %dma_start3A_146 = tpu.memref_slice %arg5[%add3A_139, %dma_start3A_145] : memref<163840x128xi32, #tpu.memory_space<hbm>> -> memref<128x128xi32, #tpu.memory_space<hbm>>
      %dma_start3A_147 = arith.constant 0 : i32
      %dma_start3A_148 = tpu.memref_slice %arg5[%add3A_139, %dma_start3A_147] : memref<163840x128xi32, #tpu.memory_space<hbm>> -> memref<128x128xi32, #tpu.memory_space<hbm>>
      %dma_start3A_149 = arith.constant 0 : i32
      %dma_start3A_150 = arith.constant 0 : i32
      %dma_start3A_151 = tpu.memref_slice %arg9[%dma_start3A_140, %dma_start3A_149, %dma_start3A_150] : memref<2x128x128xi32, #tpu.memory_space<vmem>> -> memref<1x128x128xi32, #tpu.memory_space<vmem>>
      %dma_start3A_152 = tpu.memref_squeeze %dma_start3A_151 : memref<1x128x128xi32, #tpu.memory_space<vmem>> -> memref<128x128xi32, #tpu.memory_space<vmem>>
      tpu.enqueue_dma source(%dma_start3A_152 : memref<128x128xi32, #tpu.memory_space<vmem>>) target(%dma_start3A_148 : memref<128x128xi32, #tpu.memory_space<hbm>>) target_semaphore(%arg16 : memref<!tpu.dma_semaphore, #tpu.memory_space<semaphore_mem>>)
      %dma_wait3A_153 = arith.constant 0 : i32
      %dma_wait3A_154 = arith.constant 0 : i32
      %dma_wait3A_155 = arith.constant 0 : i32
      %dma_wait3A_156 = arith.constant 0 : i32
      %dma_wait3A_157 = tpu.memref_slice %arg10[%dma_wait3A_154, %dma_wait3A_155, %dma_wait3A_156] : memref<2x128x128xi32, #tpu.memory_space<vmem>> -> memref<1x128x128xi32, #tpu.memory_space<vmem>>
      %dma_wait3A_158 = tpu.memref_squeeze %dma_wait3A_157 : memref<1x128x128xi32, #tpu.memory_space<vmem>> -> memref<128x128xi32, #tpu.memory_space<vmem>>
      %dma_wait3A_159 = arith.constant 0 : i32
      %dma_wait3A_160 = tpu.memref_slice %arg8[%dma_wait3A_153, %dma_wait3A_159] : memref<40x128xi32, #tpu.memory_space<vmem>> -> memref<1x128xi32, #tpu.memory_space<vmem>>
      %dma_wait3A_161 = tpu.memref_squeeze %dma_wait3A_160 : memref<1x128xi32, #tpu.memory_space<vmem>> -> memref<128xi32, #tpu.memory_space<vmem>>
      %dma_wait3A_162 = arith.constant 0 : i32
      %dma_wait3A_163 = arith.constant 0 : i32
      %dma_wait3A_164 = tpu.memref_slice %arg11[%dma_wait3A_162, %dma_wait3A_163] : memref<5000x128xi32, #tpu.memory_space<vmem_shared>> -> memref<5000x128xi32, #tpu.memory_space<vmem_shared>>
      tpu.wait_indirect_dma semaphore(%arg14 : memref<!tpu.dma_semaphore, #tpu.memory_space<semaphore_mem>>) src(%dma_wait3A_164 : memref<5000x128xi32, #tpu.memory_space<vmem_shared>>) dst(%dma_wait3A_158 : memref<128x128xi32, #tpu.memory_space<vmem>>)
      %mul3A_165 = arith.constant 128 : i32
      %mul3A_166 = arith.muli %add3A_124, %mul3A_165 : i32
      %add3A_167 = arith.addi %mul3A_2, %mul3A_166 : i32
      %dma_start3A_168 = arith.constant 0 : i32
      %dma_start3A_169 = arith.constant 0 : i32
      %dma_start3A_170 = arith.constant 0 : i32
      %dma_start3A_171 = tpu.memref_slice %arg10[%dma_start3A_168, %dma_start3A_169, %dma_start3A_170] : memref<2x128x128xi32, #tpu.memory_space<vmem>> -> memref<1x128x128xi32, #tpu.memory_space<vmem>>
      %dma_start3A_172 = tpu.memref_squeeze %dma_start3A_171 : memref<1x128x128xi32, #tpu.memory_space<vmem>> -> memref<128x128xi32, #tpu.memory_space<vmem>>
      %dma_start3A_173 = arith.constant 0 : i32
      %dma_start3A_174 = tpu.memref_slice %arg6[%add3A_167, %dma_start3A_173] : memref<163840x128xi32, #tpu.memory_space<hbm>> -> memref<128x128xi32, #tpu.memory_space<hbm>>
      %dma_start3A_175 = arith.constant 0 : i32
      %dma_start3A_176 = tpu.memref_slice %arg6[%add3A_167, %dma_start3A_175] : memref<163840x128xi32, #tpu.memory_space<hbm>> -> memref<128x128xi32, #tpu.memory_space<hbm>>
      %dma_start3A_177 = arith.constant 0 : i32
      %dma_start3A_178 = arith.constant 0 : i32
      %dma_start3A_179 = tpu.memref_slice %arg10[%dma_start3A_168, %dma_start3A_177, %dma_start3A_178] : memref<2x128x128xi32, #tpu.memory_space<vmem>> -> memref<1x128x128xi32, #tpu.memory_space<vmem>>
      %dma_start3A_180 = tpu.memref_squeeze %dma_start3A_179 : memref<1x128x128xi32, #tpu.memory_space<vmem>> -> memref<128x128xi32, #tpu.memory_space<vmem>>
      tpu.enqueue_dma source(%dma_start3A_180 : memref<128x128xi32, #tpu.memory_space<vmem>>) target(%dma_start3A_176 : memref<128x128xi32, #tpu.memory_space<hbm>>) target_semaphore(%arg18 : memref<!tpu.dma_semaphore, #tpu.memory_space<semaphore_mem>>)
      %add3A_181 = arith.constant 2 : i32
      %add3A_182 = arith.addi %add3A_124, %add3A_181 : i32
      %lt3A_183 = arith.constant 40 : i32
      %lt3A_184 = arith.cmpi slt, %add3A_182, %lt3A_183 : i32
      %convert_element_type3A_185 = arith.extui %lt3A_184 : i1 to i32
      %cond3A_186 = arith.constant 0 : i32
      %cond3A_187 = arith.cmpi ne, %convert_element_type3A_185, %cond3A_186 : i32
      scf.if %cond3A_187 {
        %mul3A_255 = arith.constant 128 : i32
        %mul3A_256 = arith.muli %add3A_124, %mul3A_255 : i32
        %add3A_257 = arith.addi %mul3A_2, %mul3A_256 : i32
        %dma_wait3A_258 = arith.constant 0 : i32
        %dma_wait3A_259 = arith.constant 0 : i32
        %dma_wait3A_260 = arith.constant 0 : i32
        %dma_wait3A_261 = tpu.memref_slice %arg9[%dma_wait3A_258, %dma_wait3A_259, %dma_wait3A_260] : memref<2x128x128xi32, #tpu.memory_space<vmem>> -> memref<1x128x128xi32, #tpu.memory_space<vmem>>
        %dma_wait3A_262 = tpu.memref_squeeze %dma_wait3A_261 : memref<1x128x128xi32, #tpu.memory_space<vmem>> -> memref<128x128xi32, #tpu.memory_space<vmem>>
        %dma_wait3A_263 = arith.constant 0 : i32
        %dma_wait3A_264 = tpu.memref_slice %arg5[%add3A_257, %dma_wait3A_263] : memref<163840x128xi32, #tpu.memory_space<hbm>> -> memref<128x128xi32, #tpu.memory_space<hbm>>
        %dma_wait3A_265 = arith.constant 0 : i32
        %dma_wait3A_266 = tpu.memref_slice %arg5[%add3A_257, %dma_wait3A_265] : memref<163840x128xi32, #tpu.memory_space<hbm>> -> memref<128x128xi32, #tpu.memory_space<hbm>>
        %dma_wait3A_267 = arith.constant 0 : i32
        %dma_wait3A_268 = arith.constant 0 : i32
        %dma_wait3A_269 = tpu.memref_slice %arg9[%dma_wait3A_258, %dma_wait3A_267, %dma_wait3A_268] : memref<2x128x128xi32, #tpu.memory_space<vmem>> -> memref<1x128x128xi32, #tpu.memory_space<vmem>>
        %dma_wait3A_270 = tpu.memref_squeeze %dma_wait3A_269 : memref<1x128x128xi32, #tpu.memory_space<vmem>> -> memref<128x128xi32, #tpu.memory_space<vmem>>
        tpu.wait_dma2 semaphore(%arg16 : memref<!tpu.dma_semaphore, #tpu.memory_space<semaphore_mem>>) src(%dma_wait3A_270 : memref<128x128xi32, #tpu.memory_space<vmem>>) dst(%dma_wait3A_266 : memref<128x128xi32, #tpu.memory_space<hbm>>)
        %add3A_271 = arith.constant 2 : i32
        %add3A_272 = arith.addi %add3A_124, %add3A_271 : i32
        %dma_start3A_273 = arith.constant 0 : i32
        %dma_start3A_274 = arith.constant 0 : i32
        %dma_start3A_275 = arith.constant 0 : i32
        %dma_start3A_276 = tpu.memref_slice %arg9[%dma_start3A_273, %dma_start3A_274, %dma_start3A_275] : memref<2x128x128xi32, #tpu.memory_space<vmem>> -> memref<1x128x128xi32, #tpu.memory_space<vmem>>
        %dma_start3A_277 = tpu.memref_squeeze %dma_start3A_276 : memref<1x128x128xi32, #tpu.memory_space<vmem>> -> memref<128x128xi32, #tpu.memory_space<vmem>>
        %dma_start3A_278 = arith.constant 0 : i32
        %dma_start3A_279 = tpu.memref_slice %arg7[%add3A_272, %dma_start3A_278] : memref<40x128xi32, #tpu.memory_space<vmem>> -> memref<1x128xi32, #tpu.memory_space<vmem>>
        %dma_start3A_280 = tpu.memref_squeeze %dma_start3A_279 : memref<1x128xi32, #tpu.memory_space<vmem>> -> memref<128xi32, #tpu.memory_space<vmem>>
        %dma_start3A_281 = arith.constant 0 : i32
        %dma_start3A_282 = arith.constant 0 : i32
        %dma_start3A_283 = tpu.memref_slice %arg11[%dma_start3A_281, %dma_start3A_282] : memref<5000x128xi32, #tpu.memory_space<vmem_shared>> -> memref<5000x128xi32, #tpu.memory_space<vmem_shared>>
        tpu.enqueue_indirect_dma source(%dma_start3A_283 : memref<5000x128xi32, #tpu.memory_space<vmem_shared>>) target(%dma_start3A_277 : memref<128x128xi32, #tpu.memory_space<vmem>>) offsets(%dma_start3A_280 : memref<128xi32, #tpu.memory_space<vmem>>) semaphore(%arg12 : memref<!tpu.dma_semaphore, #tpu.memory_space<semaphore_mem>>)
        %mul3A_284 = arith.constant 128 : i32
        %mul3A_285 = arith.muli %add3A_124, %mul3A_284 : i32
        %add3A_286 = arith.addi %mul3A_2, %mul3A_285 : i32
        %dma_wait3A_287 = arith.constant 0 : i32
        %dma_wait3A_288 = arith.constant 0 : i32
        %dma_wait3A_289 = arith.constant 0 : i32
        %dma_wait3A_290 = tpu.memref_slice %arg10[%dma_wait3A_287, %dma_wait3A_288, %dma_wait3A_289] : memref<2x128x128xi32, #tpu.memory_space<vmem>> -> memref<1x128x128xi32, #tpu.memory_space<vmem>>
        %dma_wait3A_291 = tpu.memref_squeeze %dma_wait3A_290 : memref<1x128x128xi32, #tpu.memory_space<vmem>> -> memref<128x128xi32, #tpu.memory_space<vmem>>
        %dma_wait3A_292 = arith.constant 0 : i32
        %dma_wait3A_293 = tpu.memref_slice %arg6[%add3A_286, %dma_wait3A_292] : memref<163840x128xi32, #tpu.memory_space<hbm>> -> memref<128x128xi32, #tpu.memory_space<hbm>>
        %dma_wait3A_294 = arith.constant 0 : i32
        %dma_wait3A_295 = tpu.memref_slice %arg6[%add3A_286, %dma_wait3A_294] : memref<163840x128xi32, #tpu.memory_space<hbm>> -> memref<128x128xi32, #tpu.memory_space<hbm>>
        %dma_wait3A_296 = arith.constant 0 : i32
        %dma_wait3A_297 = arith.constant 0 : i32
        %dma_wait3A_298 = tpu.memref_slice %arg10[%dma_wait3A_287, %dma_wait3A_296, %dma_wait3A_297] : memref<2x128x128xi32, #tpu.memory_space<vmem>> -> memref<1x128x128xi32, #tpu.memory_space<vmem>>
        %dma_wait3A_299 = tpu.memref_squeeze %dma_wait3A_298 : memref<1x128x128xi32, #tpu.memory_space<vmem>> -> memref<128x128xi32, #tpu.memory_space<vmem>>
        tpu.wait_dma2 semaphore(%arg18 : memref<!tpu.dma_semaphore, #tpu.memory_space<semaphore_mem>>) src(%dma_wait3A_299 : memref<128x128xi32, #tpu.memory_space<vmem>>) dst(%dma_wait3A_295 : memref<128x128xi32, #tpu.memory_space<hbm>>)
        %add3A_300 = arith.constant 2 : i32
        %add3A_301 = arith.addi %add3A_124, %add3A_300 : i32
        %dma_start3A_302 = arith.constant 0 : i32
        %dma_start3A_303 = arith.constant 0 : i32
        %dma_start3A_304 = arith.constant 0 : i32
        %dma_start3A_305 = tpu.memref_slice %arg10[%dma_start3A_302, %dma_start3A_303, %dma_start3A_304] : memref<2x128x128xi32, #tpu.memory_space<vmem>> -> memref<1x128x128xi32, #tpu.memory_space<vmem>>
        %dma_start3A_306 = tpu.memref_squeeze %dma_start3A_305 : memref<1x128x128xi32, #tpu.memory_space<vmem>> -> memref<128x128xi32, #tpu.memory_space<vmem>>
        %dma_start3A_307 = arith.constant 0 : i32
        %dma_start3A_308 = tpu.memref_slice %arg8[%add3A_301, %dma_start3A_307] : memref<40x128xi32, #tpu.memory_space<vmem>> -> memref<1x128xi32, #tpu.memory_space<vmem>>
        %dma_start3A_309 = tpu.memref_squeeze %dma_start3A_308 : memref<1x128xi32, #tpu.memory_space<vmem>> -> memref<128xi32, #tpu.memory_space<vmem>>
        %dma_start3A_310 = arith.constant 0 : i32
        %dma_start3A_311 = arith.constant 0 : i32
        %dma_start3A_312 = tpu.memref_slice %arg11[%dma_start3A_310, %dma_start3A_311] : memref<5000x128xi32, #tpu.memory_space<vmem_shared>> -> memref<5000x128xi32, #tpu.memory_space<vmem_shared>>
        tpu.enqueue_indirect_dma source(%dma_start3A_312 : memref<5000x128xi32, #tpu.memory_space<vmem_shared>>) target(%dma_start3A_306 : memref<128x128xi32, #tpu.memory_space<vmem>>) offsets(%dma_start3A_309 : memref<128xi32, #tpu.memory_space<vmem>>) semaphore(%arg14 : memref<!tpu.dma_semaphore, #tpu.memory_space<semaphore_mem>>)
      } else {
      }
      %mul3A_188 = arith.constant 2 : i32
      %mul3A_189 = arith.muli %mul3A_188, %scan3A_120 : i32
      %add3A_190 = arith.constant 1 : i32
      %add3A_191 = arith.addi %mul3A_189, %add3A_190 : i32
      %dma_wait3A_192 = arith.constant 0 : i32
      %dma_wait3A_193 = arith.constant 1 : i32
      %dma_wait3A_194 = arith.constant 0 : i32
      %dma_wait3A_195 = arith.constant 0 : i32
      %dma_wait3A_196 = tpu.memref_slice %arg9[%dma_wait3A_193, %dma_wait3A_194, %dma_wait3A_195] : memref<2x128x128xi32, #tpu.memory_space<vmem>> -> memref<1x128x128xi32, #tpu.memory_space<vmem>>
      %dma_wait3A_197 = tpu.memref_squeeze %dma_wait3A_196 : memref<1x128x128xi32, #tpu.memory_space<vmem>> -> memref<128x128xi32, #tpu.memory_space<vmem>>
      %dma_wait3A_198 = arith.constant 0 : i32
      %dma_wait3A_199 = tpu.memref_slice %arg7[%dma_wait3A_192, %dma_wait3A_198] : memref<40x128xi32, #tpu.memory_space<vmem>> -> memref<1x128xi32, #tpu.memory_space<vmem>>
      %dma_wait3A_200 = tpu.memref_squeeze %dma_wait3A_199 : memref<1x128xi32, #tpu.memory_space<vmem>> -> memref<128xi32, #tpu.memory_space<vmem>>
      %dma_wait3A_201 = arith.constant 0 : i32
      %dma_wait3A_202 = arith.constant 0 : i32
      %dma_wait3A_203 = tpu.memref_slice %arg11[%dma_wait3A_201, %dma_wait3A_202] : memref<5000x128xi32, #tpu.memory_space<vmem_shared>> -> memref<5000x128xi32, #tpu.memory_space<vmem_shared>>
      tpu.wait_indirect_dma semaphore(%arg13 : memref<!tpu.dma_semaphore, #tpu.memory_space<semaphore_mem>>) src(%dma_wait3A_203 : memref<5000x128xi32, #tpu.memory_space<vmem_shared>>) dst(%dma_wait3A_197 : memref<128x128xi32, #tpu.memory_space<vmem>>)
      %mul3A_204 = arith.constant 128 : i32
      %mul3A_205 = arith.muli %add3A_191, %mul3A_204 : i32
      %add3A_206 = arith.addi %mul3A_2, %mul3A_205 : i32
      %dma_start3A_207 = arith.constant 1 : i32
      %dma_start3A_208 = arith.constant 0 : i32
      %dma_start3A_209 = arith.constant 0 : i32
      %dma_start3A_210 = tpu.memref_slice %arg9[%dma_start3A_207, %dma_start3A_208, %dma_start3A_209] : memref<2x128x128xi32, #tpu.memory_space<vmem>> -> memref<1x128x128xi32, #tpu.memory_space<vmem>>
      %dma_start3A_211 = tpu.memref_squeeze %dma_start3A_210 : memref<1x128x128xi32, #tpu.memory_space<vmem>> -> memref<128x128xi32, #tpu.memory_space<vmem>>
      %dma_start3A_212 = arith.constant 0 : i32
      %dma_start3A_213 = tpu.memref_slice %arg5[%add3A_206, %dma_start3A_212] : memref<163840x128xi32, #tpu.memory_space<hbm>> -> memref<128x128xi32, #tpu.memory_space<hbm>>
      %dma_start3A_214 = arith.constant 0 : i32
      %dma_start3A_215 = tpu.memref_slice %arg5[%add3A_206, %dma_start3A_214] : memref<163840x128xi32, #tpu.memory_space<hbm>> -> memref<128x128xi32, #tpu.memory_space<hbm>>
      %dma_start3A_216 = arith.constant 0 : i32
      %dma_start3A_217 = arith.constant 0 : i32
      %dma_start3A_218 = tpu.memref_slice %arg9[%dma_start3A_207, %dma_start3A_216, %dma_start3A_217] : memref<2x128x128xi32, #tpu.memory_space<vmem>> -> memref<1x128x128xi32, #tpu.memory_space<vmem>>
      %dma_start3A_219 = tpu.memref_squeeze %dma_start3A_218 : memref<1x128x128xi32, #tpu.memory_space<vmem>> -> memref<128x128xi32, #tpu.memory_space<vmem>>
      tpu.enqueue_dma source(%dma_start3A_219 : memref<128x128xi32, #tpu.memory_space<vmem>>) target(%dma_start3A_215 : memref<128x128xi32, #tpu.memory_space<hbm>>) target_semaphore(%arg17 : memref<!tpu.dma_semaphore, #tpu.memory_space<semaphore_mem>>)
      %dma_wait3A_220 = arith.constant 0 : i32
      %dma_wait3A_221 = arith.constant 1 : i32
      %dma_wait3A_222 = arith.constant 0 : i32
      %dma_wait3A_223 = arith.constant 0 : i32
      %dma_wait3A_224 = tpu.memref_slice %arg10[%dma_wait3A_221, %dma_wait3A_222, %dma_wait3A_223] : memref<2x128x128xi32, #tpu.memory_space<vmem>> -> memref<1x128x128xi32, #tpu.memory_space<vmem>>
      %dma_wait3A_225 = tpu.memref_squeeze %dma_wait3A_224 : memref<1x128x128xi32, #tpu.memory_space<vmem>> -> memref<128x128xi32, #tpu.memory_space<vmem>>
      %dma_wait3A_226 = arith.constant 0 : i32
      %dma_wait3A_227 = tpu.memref_slice %arg8[%dma_wait3A_220, %dma_wait3A_226] : memref<40x128xi32, #tpu.memory_space<vmem>> -> memref<1x128xi32, #tpu.memory_space<vmem>>
      %dma_wait3A_228 = tpu.memref_squeeze %dma_wait3A_227 : memref<1x128xi32, #tpu.memory_space<vmem>> -> memref<128xi32, #tpu.memory_space<vmem>>
      %dma_wait3A_229 = arith.constant 0 : i32
      %dma_wait3A_230 = arith.constant 0 : i32
      %dma_wait3A_231 = tpu.memref_slice %arg11[%dma_wait3A_229, %dma_wait3A_230] : memref<5000x128xi32, #tpu.memory_space<vmem_shared>> -> memref<5000x128xi32, #tpu.memory_space<vmem_shared>>
      tpu.wait_indirect_dma semaphore(%arg15 : memref<!tpu.dma_semaphore, #tpu.memory_space<semaphore_mem>>) src(%dma_wait3A_231 : memref<5000x128xi32, #tpu.memory_space<vmem_shared>>) dst(%dma_wait3A_225 : memref<128x128xi32, #tpu.memory_space<vmem>>)
      %mul3A_232 = arith.constant 128 : i32
      %mul3A_233 = arith.muli %add3A_191, %mul3A_232 : i32
      %add3A_234 = arith.addi %mul3A_2, %mul3A_233 : i32
      %dma_start3A_235 = arith.constant 1 : i32
      %dma_start3A_236 = arith.constant 0 : i32
      %dma_start3A_237 = arith.constant 0 : i32
      %dma_start3A_238 = tpu.memref_slice %arg10[%dma_start3A_235, %dma_start3A_236, %dma_start3A_237] : memref<2x128x128xi32, #tpu.memory_space<vmem>> -> memref<1x128x128xi32, #tpu.memory_space<vmem>>
      %dma_start3A_239 = tpu.memref_squeeze %dma_start3A_238 : memref<1x128x128xi32, #tpu.memory_space<vmem>> -> memref<128x128xi32, #tpu.memory_space<vmem>>
      %dma_start3A_240 = arith.constant 0 : i32
      %dma_start3A_241 = tpu.memref_slice %arg6[%add3A_234, %dma_start3A_240] : memref<163840x128xi32, #tpu.memory_space<hbm>> -> memref<128x128xi32, #tpu.memory_space<hbm>>
      %dma_start3A_242 = arith.constant 0 : i32
      %dma_start3A_243 = tpu.memref_slice %arg6[%add3A_234, %dma_start3A_242] : memref<163840x128xi32, #tpu.memory_space<hbm>> -> memref<128x128xi32, #tpu.memory_space<hbm>>
      %dma_start3A_244 = arith.constant 0 : i32
      %dma_start3A_245 = arith.constant 0 : i32
      %dma_start3A_246 = tpu.memref_slice %arg10[%dma_start3A_235, %dma_start3A_244, %dma_start3A_245] : memref<2x128x128xi32, #tpu.memory_space<vmem>> -> memref<1x128x128xi32, #tpu.memory_space<vmem>>
      %dma_start3A_247 = tpu.memref_squeeze %dma_start3A_246 : memref<1x128x128xi32, #tpu.memory_space<vmem>> -> memref<128x128xi32, #tpu.memory_space<vmem>>
      tpu.enqueue_dma source(%dma_start3A_247 : memref<128x128xi32, #tpu.memory_space<vmem>>) target(%dma_start3A_243 : memref<128x128xi32, #tpu.memory_space<hbm>>) target_semaphore(%arg19 : memref<!tpu.dma_semaphore, #tpu.memory_space<semaphore_mem>>)
      %add3A_248 = arith.constant 2 : i32
      %add3A_249 = arith.addi %add3A_191, %add3A_248 : i32
      %lt3A_250 = arith.constant 40 : i32
      %lt3A_251 = arith.cmpi slt, %add3A_249, %lt3A_250 : i32
      %convert_element_type3A_252 = arith.extui %lt3A_251 : i1 to i32
      %cond3A_253 = arith.constant 0 : i32
      %cond3A_254 = arith.cmpi ne, %convert_element_type3A_252, %cond3A_253 : i32
      scf.if %cond3A_254 {
        %mul3A_255 = arith.constant 128 : i32
        %mul3A_256 = arith.muli %add3A_191, %mul3A_255 : i32
        %add3A_257 = arith.addi %mul3A_2, %mul3A_256 : i32
        %dma_wait3A_258 = arith.constant 1 : i32
        %dma_wait3A_259 = arith.constant 0 : i32
        %dma_wait3A_260 = arith.constant 0 : i32
        %dma_wait3A_261 = tpu.memref_slice %arg9[%dma_wait3A_258, %dma_wait3A_259, %dma_wait3A_260] : memref<2x128x128xi32, #tpu.memory_space<vmem>> -> memref<1x128x128xi32, #tpu.memory_space<vmem>>
        %dma_wait3A_262 = tpu.memref_squeeze %dma_wait3A_261 : memref<1x128x128xi32, #tpu.memory_space<vmem>> -> memref<128x128xi32, #tpu.memory_space<vmem>>
        %dma_wait3A_263 = arith.constant 0 : i32
        %dma_wait3A_264 = tpu.memref_slice %arg5[%add3A_257, %dma_wait3A_263] : memref<163840x128xi32, #tpu.memory_space<hbm>> -> memref<128x128xi32, #tpu.memory_space<hbm>>
        %dma_wait3A_265 = arith.constant 0 : i32
        %dma_wait3A_266 = tpu.memref_slice %arg5[%add3A_257, %dma_wait3A_265] : memref<163840x128xi32, #tpu.memory_space<hbm>> -> memref<128x128xi32, #tpu.memory_space<hbm>>
        %dma_wait3A_267 = arith.constant 0 : i32
        %dma_wait3A_268 = arith.constant 0 : i32
        %dma_wait3A_269 = tpu.memref_slice %arg9[%dma_wait3A_258, %dma_wait3A_267, %dma_wait3A_268] : memref<2x128x128xi32, #tpu.memory_space<vmem>> -> memref<1x128x128xi32, #tpu.memory_space<vmem>>
        %dma_wait3A_270 = tpu.memref_squeeze %dma_wait3A_269 : memref<1x128x128xi32, #tpu.memory_space<vmem>> -> memref<128x128xi32, #tpu.memory_space<vmem>>
        tpu.wait_dma2 semaphore(%arg17 : memref<!tpu.dma_semaphore, #tpu.memory_space<semaphore_mem>>) src(%dma_wait3A_270 : memref<128x128xi32, #tpu.memory_space<vmem>>) dst(%dma_wait3A_266 : memref<128x128xi32, #tpu.memory_space<hbm>>)
        %add3A_271 = arith.constant 2 : i32
        %add3A_272 = arith.addi %add3A_191, %add3A_271 : i32
        %dma_start3A_273 = arith.constant 1 : i32
        %dma_start3A_274 = arith.constant 0 : i32
        %dma_start3A_275 = arith.constant 0 : i32
        %dma_start3A_276 = tpu.memref_slice %arg9[%dma_start3A_273, %dma_start3A_274, %dma_start3A_275] : memref<2x128x128xi32, #tpu.memory_space<vmem>> -> memref<1x128x128xi32, #tpu.memory_space<vmem>>
        %dma_start3A_277 = tpu.memref_squeeze %dma_start3A_276 : memref<1x128x128xi32, #tpu.memory_space<vmem>> -> memref<128x128xi32, #tpu.memory_space<vmem>>
        %dma_start3A_278 = arith.constant 0 : i32
        %dma_start3A_279 = tpu.memref_slice %arg7[%add3A_272, %dma_start3A_278] : memref<40x128xi32, #tpu.memory_space<vmem>> -> memref<1x128xi32, #tpu.memory_space<vmem>>
        %dma_start3A_280 = tpu.memref_squeeze %dma_start3A_279 : memref<1x128xi32, #tpu.memory_space<vmem>> -> memref<128xi32, #tpu.memory_space<vmem>>
        %dma_start3A_281 = arith.constant 0 : i32
        %dma_start3A_282 = arith.constant 0 : i32
        %dma_start3A_283 = tpu.memref_slice %arg11[%dma_start3A_281, %dma_start3A_282] : memref<5000x128xi32, #tpu.memory_space<vmem_shared>> -> memref<5000x128xi32, #tpu.memory_space<vmem_shared>>
        tpu.enqueue_indirect_dma source(%dma_start3A_283 : memref<5000x128xi32, #tpu.memory_space<vmem_shared>>) target(%dma_start3A_277 : memref<128x128xi32, #tpu.memory_space<vmem>>) offsets(%dma_start3A_280 : memref<128xi32, #tpu.memory_space<vmem>>) semaphore(%arg13 : memref<!tpu.dma_semaphore, #tpu.memory_space<semaphore_mem>>)
        %mul3A_284 = arith.constant 128 : i32
        %mul3A_285 = arith.muli %add3A_191, %mul3A_284 : i32
        %add3A_286 = arith.addi %mul3A_2, %mul3A_285 : i32
        %dma_wait3A_287 = arith.constant 1 : i32
        %dma_wait3A_288 = arith.constant 0 : i32
        %dma_wait3A_289 = arith.constant 0 : i32
        %dma_wait3A_290 = tpu.memref_slice %arg10[%dma_wait3A_287, %dma_wait3A_288, %dma_wait3A_289] : memref<2x128x128xi32, #tpu.memory_space<vmem>> -> memref<1x128x128xi32, #tpu.memory_space<vmem>>
        %dma_wait3A_291 = tpu.memref_squeeze %dma_wait3A_290 : memref<1x128x128xi32, #tpu.memory_space<vmem>> -> memref<128x128xi32, #tpu.memory_space<vmem>>
        %dma_wait3A_292 = arith.constant 0 : i32
        %dma_wait3A_293 = tpu.memref_slice %arg6[%add3A_286, %dma_wait3A_292] : memref<163840x128xi32, #tpu.memory_space<hbm>> -> memref<128x128xi32, #tpu.memory_space<hbm>>
        %dma_wait3A_294 = arith.constant 0 : i32
        %dma_wait3A_295 = tpu.memref_slice %arg6[%add3A_286, %dma_wait3A_294] : memref<163840x128xi32, #tpu.memory_space<hbm>> -> memref<128x128xi32, #tpu.memory_space<hbm>>
        %dma_wait3A_296 = arith.constant 0 : i32
        %dma_wait3A_297 = arith.constant 0 : i32
        %dma_wait3A_298 = tpu.memref_slice %arg10[%dma_wait3A_287, %dma_wait3A_296, %dma_wait3A_297] : memref<2x128x128xi32, #tpu.memory_space<vmem>> -> memref<1x128x128xi32, #tpu.memory_space<vmem>>
        %dma_wait3A_299 = tpu.memref_squeeze %dma_wait3A_298 : memref<1x128x128xi32, #tpu.memory_space<vmem>> -> memref<128x128xi32, #tpu.memory_space<vmem>>
        tpu.wait_dma2 semaphore(%arg19 : memref<!tpu.dma_semaphore, #tpu.memory_space<semaphore_mem>>) src(%dma_wait3A_299 : memref<128x128xi32, #tpu.memory_space<vmem>>) dst(%dma_wait3A_295 : memref<128x128xi32, #tpu.memory_space<hbm>>)
        %add3A_300 = arith.constant 2 : i32
        %add3A_301 = arith.addi %add3A_191, %add3A_300 : i32
        %dma_start3A_302 = arith.constant 1 : i32
        %dma_start3A_303 = arith.constant 0 : i32
        %dma_start3A_304 = arith.constant 0 : i32
        %dma_start3A_305 = tpu.memref_slice %arg10[%dma_start3A_302, %dma_start3A_303, %dma_start3A_304] : memref<2x128x128xi32, #tpu.memory_space<vmem>> -> memref<1x128x128xi32, #tpu.memory_space<vmem>>
        %dma_start3A_306 = tpu.memref_squeeze %dma_start3A_305 : memref<1x128x128xi32, #tpu.memory_space<vmem>> -> memref<128x128xi32, #tpu.memory_space<vmem>>
        %dma_start3A_307 = arith.constant 0 : i32
        %dma_start3A_308 = tpu.memref_slice %arg8[%add3A_301, %dma_start3A_307] : memref<40x128xi32, #tpu.memory_space<vmem>> -> memref<1x128xi32, #tpu.memory_space<vmem>>
        %dma_start3A_309 = tpu.memref_squeeze %dma_start3A_308 : memref<1x128xi32, #tpu.memory_space<vmem>> -> memref<128xi32, #tpu.memory_space<vmem>>
        %dma_start3A_310 = arith.constant 0 : i32
        %dma_start3A_311 = arith.constant 0 : i32
        %dma_start3A_312 = tpu.memref_slice %arg11[%dma_start3A_310, %dma_start3A_311] : memref<5000x128xi32, #tpu.memory_space<vmem_shared>> -> memref<5000x128xi32, #tpu.memory_space<vmem_shared>>
        tpu.enqueue_indirect_dma source(%dma_start3A_312 : memref<5000x128xi32, #tpu.memory_space<vmem_shared>>) target(%dma_start3A_306 : memref<128x128xi32, #tpu.memory_space<vmem>>) offsets(%dma_start3A_309 : memref<128xi32, #tpu.memory_space<vmem>>) semaphore(%arg15 : memref<!tpu.dma_semaphore, #tpu.memory_space<semaphore_mem>>)
      } else {
      }
    }
    %scan3A_60 = arith.constant 20 : i32
    %add3A_61 = arith.constant 0 : i32
    %add3A_62 = arith.addi %mul3A_2, %add3A_61 : i32
    %dma_wait3A = arith.constant 0 : i32
    %dma_wait3A_63 = arith.constant 0 : i32
    %dma_wait3A_64 = arith.constant 0 : i32
    %dma_wait3A_65 = tpu.memref_slice %arg9[%dma_wait3A, %dma_wait3A_63, %dma_wait3A_64] : memref<2x128x128xi32, #tpu.memory_space<vmem>> -> memref<1x128x128xi32, #tpu.memory_space<vmem>>
    %dma_wait3A_66 = tpu.memref_squeeze %dma_wait3A_65 : memref<1x128x128xi32, #tpu.memory_space<vmem>> -> memref<128x128xi32, #tpu.memory_space<vmem>>
    %dma_wait3A_67 = arith.constant 0 : i32
    %dma_wait3A_68 = tpu.memref_slice %arg5[%add3A_62, %dma_wait3A_67] : memref<163840x128xi32, #tpu.memory_space<hbm>> -> memref<128x128xi32, #tpu.memory_space<hbm>>
    %dma_wait3A_69 = arith.constant 0 : i32
    %dma_wait3A_70 = tpu.memref_slice %arg5[%add3A_62, %dma_wait3A_69] : memref<163840x128xi32, #tpu.memory_space<hbm>> -> memref<128x128xi32, #tpu.memory_space<hbm>>
    %dma_wait3A_71 = arith.constant 0 : i32
    %dma_wait3A_72 = arith.constant 0 : i32
    %dma_wait3A_73 = tpu.memref_slice %arg9[%dma_wait3A, %dma_wait3A_71, %dma_wait3A_72] : memref<2x128x128xi32, #tpu.memory_space<vmem>> -> memref<1x128x128xi32, #tpu.memory_space<vmem>>
    %dma_wait3A_74 = tpu.memref_squeeze %dma_wait3A_73 : memref<1x128x128xi32, #tpu.memory_space<vmem>> -> memref<128x128xi32, #tpu.memory_space<vmem>>
    tpu.wait_dma2 semaphore(%arg16 : memref<!tpu.dma_semaphore, #tpu.memory_space<semaphore_mem>>) src(%dma_wait3A_74 : memref<128x128xi32, #tpu.memory_space<vmem>>) dst(%dma_wait3A_70 : memref<128x128xi32, #tpu.memory_space<hbm>>)
    %add3A_75 = arith.constant 0 : i32
    %add3A_76 = arith.addi %mul3A_2, %add3A_75 : i32
    %dma_wait3A_77 = arith.constant 0 : i32
    %dma_wait3A_78 = arith.constant 0 : i32
    %dma_wait3A_79 = arith.constant 0 : i32
    %dma_wait3A_80 = tpu.memref_slice %arg10[%dma_wait3A_77, %dma_wait3A_78, %dma_wait3A_79] : memref<2x128x128xi32, #tpu.memory_space<vmem>> -> memref<1x128x128xi32, #tpu.memory_space<vmem>>
    %dma_wait3A_81 = tpu.memref_squeeze %dma_wait3A_80 : memref<1x128x128xi32, #tpu.memory_space<vmem>> -> memref<128x128xi32, #tpu.memory_space<vmem>>
    %dma_wait3A_82 = arith.constant 0 : i32
    %dma_wait3A_83 = tpu.memref_slice %arg6[%add3A_76, %dma_wait3A_82] : memref<163840x128xi32, #tpu.memory_space<hbm>> -> memref<128x128xi32, #tpu.memory_space<hbm>>
    %dma_wait3A_84 = arith.constant 0 : i32
    %dma_wait3A_85 = tpu.memref_slice %arg6[%add3A_76, %dma_wait3A_84] : memref<163840x128xi32, #tpu.memory_space<hbm>> -> memref<128x128xi32, #tpu.memory_space<hbm>>
    %dma_wait3A_86 = arith.constant 0 : i32
    %dma_wait3A_87 = arith.constant 0 : i32
    %dma_wait3A_88 = tpu.memref_slice %arg10[%dma_wait3A_77, %dma_wait3A_86, %dma_wait3A_87] : memref<2x128x128xi32, #tpu.memory_space<vmem>> -> memref<1x128x128xi32, #tpu.memory_space<vmem>>
    %dma_wait3A_89 = tpu.memref_squeeze %dma_wait3A_88 : memref<1x128x128xi32, #tpu.memory_space<vmem>> -> memref<128x128xi32, #tpu.memory_space<vmem>>
    tpu.wait_dma2 semaphore(%arg18 : memref<!tpu.dma_semaphore, #tpu.memory_space<semaphore_mem>>) src(%dma_wait3A_89 : memref<128x128xi32, #tpu.memory_space<vmem>>) dst(%dma_wait3A_85 : memref<128x128xi32, #tpu.memory_space<hbm>>)
    %add3A_90 = arith.constant 0 : i32
    %add3A_91 = arith.addi %mul3A_2, %add3A_90 : i32
    %dma_wait3A_92 = arith.constant 1 : i32
    %dma_wait3A_93 = arith.constant 0 : i32
    %dma_wait3A_94 = arith.constant 0 : i32
    %dma_wait3A_95 = tpu.memref_slice %arg9[%dma_wait3A_92, %dma_wait3A_93, %dma_wait3A_94] : memref<2x128x128xi32, #tpu.memory_space<vmem>> -> memref<1x128x128xi32, #tpu.memory_space<vmem>>
    %dma_wait3A_96 = tpu.memref_squeeze %dma_wait3A_95 : memref<1x128x128xi32, #tpu.memory_space<vmem>> -> memref<128x128xi32, #tpu.memory_space<vmem>>
    %dma_wait3A_97 = arith.constant 0 : i32
    %dma_wait3A_98 = tpu.memref_slice %arg5[%add3A_91, %dma_wait3A_97] : memref<163840x128xi32, #tpu.memory_space<hbm>> -> memref<128x128xi32, #tpu.memory_space<hbm>>
    %dma_wait3A_99 = arith.constant 0 : i32
    %dma_wait3A_100 = tpu.memref_slice %arg5[%add3A_91, %dma_wait3A_99] : memref<163840x128xi32, #tpu.memory_space<hbm>> -> memref<128x128xi32, #tpu.memory_space<hbm>>
    %dma_wait3A_101 = arith.constant 0 : i32
    %dma_wait3A_102 = arith.constant 0 : i32
    %dma_wait3A_103 = tpu.memref_slice %arg9[%dma_wait3A_92, %dma_wait3A_101, %dma_wait3A_102] : memref<2x128x128xi32, #tpu.memory_space<vmem>> -> memref<1x128x128xi32, #tpu.memory_space<vmem>>
    %dma_wait3A_104 = tpu.memref_squeeze %dma_wait3A_103 : memref<1x128x128xi32, #tpu.memory_space<vmem>> -> memref<128x128xi32, #tpu.memory_space<vmem>>
    tpu.wait_dma2 semaphore(%arg17 : memref<!tpu.dma_semaphore, #tpu.memory_space<semaphore_mem>>) src(%dma_wait3A_104 : memref<128x128xi32, #tpu.memory_space<vmem>>) dst(%dma_wait3A_100 : memref<128x128xi32, #tpu.memory_space<hbm>>)
    %add3A_105 = arith.constant 0 : i32
    %add3A_106 = arith.addi %mul3A_2, %add3A_105 : i32
    %dma_wait3A_107 = arith.constant 1 : i32
    %dma_wait3A_108 = arith.constant 0 : i32
    %dma_wait3A_109 = arith.constant 0 : i32
    %dma_wait3A_110 = tpu.memref_slice %arg10[%dma_wait3A_107, %dma_wait3A_108, %dma_wait3A_109] : memref<2x128x128xi32, #tpu.memory_space<vmem>> -> memref<1x128x128xi32, #tpu.memory_space<vmem>>
    %dma_wait3A_111 = tpu.memref_squeeze %dma_wait3A_110 : memref<1x128x128xi32, #tpu.memory_space<vmem>> -> memref<128x128xi32, #tpu.memory_space<vmem>>
    %dma_wait3A_112 = arith.constant 0 : i32
    %dma_wait3A_113 = tpu.memref_slice %arg6[%add3A_106, %dma_wait3A_112] : memref<163840x128xi32, #tpu.memory_space<hbm>> -> memref<128x128xi32, #tpu.memory_space<hbm>>
    %dma_wait3A_114 = arith.constant 0 : i32
    %dma_wait3A_115 = tpu.memref_slice %arg6[%add3A_106, %dma_wait3A_114] : memref<163840x128xi32, #tpu.memory_space<hbm>> -> memref<128x128xi32, #tpu.memory_space<hbm>>
    %dma_wait3A_116 = arith.constant 0 : i32
    %dma_wait3A_117 = arith.constant 0 : i32
    %dma_wait3A_118 = tpu.memref_slice %arg10[%dma_wait3A_107, %dma_wait3A_116, %dma_wait3A_117] : memref<2x128x128xi32, #tpu.memory_space<vmem>> -> memref<1x128x128xi32, #tpu.memory_space<vmem>>
    %dma_wait3A_119 = tpu.memref_squeeze %dma_wait3A_118 : memref<1x128x128xi32, #tpu.memory_space<vmem>> -> memref<128x128xi32, #tpu.memory_space<vmem>>
    tpu.wait_dma2 semaphore(%arg19 : memref<!tpu.dma_semaphore, #tpu.memory_space<semaphore_mem>>) src(%dma_wait3A_119 : memref<128x128xi32, #tpu.memory_space<vmem>>) dst(%dma_wait3A_115 : memref<128x128xi32, #tpu.memory_space<hbm>>)
    return
  }
}

#map = affine_map<(d0, d1) -> (0, 0, 0)>
#map1 = affine_map<(d0, d1) -> (0, 0)>
module attributes {stable_mosaic.version = 14 : i64} {
  func.func @_sc_scatter_body(%arg0: i32, %arg1: i32, %arg2: memref<2x163840x128xf32, #tpu.memory_space<hbm>>, %arg3: memref<16x80x128xi32, #tpu.memory_space<hbm>>, %arg4: memref<10112x128xf32, #tpu.memory_space<hbm>>, %arg5: memref<2x10000x128xf32, #tpu.memory_space<hbm>>, %arg6: memref<80x128xi32, #tpu.memory_space<vmem>>, %arg7: memref<128x128xf32, #tpu.memory_space<vmem>>, %arg8: memref<10112x128xf32, #tpu.memory_space<vmem_shared>>, %arg9: memref<!tpu.dma_semaphore, #tpu.memory_space<semaphore_mem>>) attributes {dimension_semantics = [#tpu.dimension_semantics<core_parallel>, #tpu.dimension_semantics<subcore_parallel>], iteration_bounds = array<i64: 2, 16>, scalar_prefetch = 0 : i64, scratch_operands = 4 : i64, tpu.core_type = #tpu.core_type<sc_vector_subcore>, window_params = [{transform_indices = #map}, {transform_indices = #map}, {transform_indices = #map1}, {transform_indices = #map}]} {
    %mul3A = arith.constant 632 : i32
    %mul3A_0 = arith.muli %arg1, %mul3A : i32
    %mul3A_1 = arith.constant 632 : i32
    %mul3A_2 = arith.muli %arg1, %mul3A_1 : i32
    "tpu.region"() ({
      %run_scoped3A = tpu.sem_alloc : memref<!tpu.dma_semaphore, #tpu.memory_space<semaphore_mem>>
      %dma_start3A = arith.constant 0 : i32
      %dma_start3A_17 = tpu.memref_slice %arg8[%mul3A_2, %dma_start3A] : memref<10112x128xf32, #tpu.memory_space<vmem_shared>> -> memref<632x128xf32, #tpu.memory_space<vmem_shared>>
      %dma_start3A_18 = arith.constant 0 : i32
      %dma_start3A_19 = tpu.memref_slice %arg4[%mul3A_0, %dma_start3A_18] : memref<10112x128xf32, #tpu.memory_space<hbm>> -> memref<632x128xf32, #tpu.memory_space<hbm>>
      tpu.enqueue_dma source(%dma_start3A_19 : memref<632x128xf32, #tpu.memory_space<hbm>>) target(%dma_start3A_17 : memref<632x128xf32, #tpu.memory_space<vmem_shared>>) target_semaphore(%run_scoped3A : memref<!tpu.dma_semaphore, #tpu.memory_space<semaphore_mem>>)
      %dma_wait3A = arith.constant 0 : i32
      %dma_wait3A_20 = tpu.memref_slice %arg8[%mul3A_2, %dma_wait3A] : memref<10112x128xf32, #tpu.memory_space<vmem_shared>> -> memref<632x128xf32, #tpu.memory_space<vmem_shared>>
      %dma_wait3A_21 = arith.constant 0 : i32
      %dma_wait3A_22 = tpu.memref_slice %arg4[%mul3A_0, %dma_wait3A_21] : memref<10112x128xf32, #tpu.memory_space<hbm>> -> memref<632x128xf32, #tpu.memory_space<hbm>>
      tpu.wait_dma2 semaphore(%run_scoped3A : memref<!tpu.dma_semaphore, #tpu.memory_space<semaphore_mem>>) src(%dma_wait3A_22 : memref<632x128xf32, #tpu.memory_space<hbm>>) dst(%dma_wait3A_20 : memref<632x128xf32, #tpu.memory_space<vmem_shared>>)
      tpu.yield
    }) : () -> ()
    "tpu.region"() ({
      %run_scoped3A = tpu.sem_alloc : memref<!tpu.dma_semaphore, #tpu.memory_space<semaphore_mem>>
      %dma_start3A = arith.constant 0 : i32
      %dma_start3A_17 = arith.constant 0 : i32
      %dma_start3A_18 = tpu.memref_slice %arg3[%arg1, %dma_start3A, %dma_start3A_17] : memref<16x80x128xi32, #tpu.memory_space<hbm>> -> memref<1x80x128xi32, #tpu.memory_space<hbm>>
      %dma_start3A_19 = tpu.memref_squeeze %dma_start3A_18 : memref<1x80x128xi32, #tpu.memory_space<hbm>> -> memref<80x128xi32, #tpu.memory_space<hbm>>
      %dma_start3A_20 = arith.constant 0 : i32
      %dma_start3A_21 = arith.constant 0 : i32
      %dma_start3A_22 = tpu.memref_slice %arg3[%arg1, %dma_start3A_20, %dma_start3A_21] : memref<16x80x128xi32, #tpu.memory_space<hbm>> -> memref<1x80x128xi32, #tpu.memory_space<hbm>>
      %dma_start3A_23 = tpu.memref_squeeze %dma_start3A_22 : memref<1x80x128xi32, #tpu.memory_space<hbm>> -> memref<80x128xi32, #tpu.memory_space<hbm>>
      tpu.enqueue_dma source(%dma_start3A_23 : memref<80x128xi32, #tpu.memory_space<hbm>>) target(%arg6 : memref<80x128xi32, #tpu.memory_space<vmem>>) target_semaphore(%run_scoped3A : memref<!tpu.dma_semaphore, #tpu.memory_space<semaphore_mem>>)
      %dma_wait3A = arith.constant 0 : i32
      %dma_wait3A_24 = arith.constant 0 : i32
      %dma_wait3A_25 = tpu.memref_slice %arg3[%arg1, %dma_wait3A, %dma_wait3A_24] : memref<16x80x128xi32, #tpu.memory_space<hbm>> -> memref<1x80x128xi32, #tpu.memory_space<hbm>>
      %dma_wait3A_26 = tpu.memref_squeeze %dma_wait3A_25 : memref<1x80x128xi32, #tpu.memory_space<hbm>> -> memref<80x128xi32, #tpu.memory_space<hbm>>
      %dma_wait3A_27 = arith.constant 0 : i32
      %dma_wait3A_28 = arith.constant 0 : i32
      %dma_wait3A_29 = tpu.memref_slice %arg3[%arg1, %dma_wait3A_27, %dma_wait3A_28] : memref<16x80x128xi32, #tpu.memory_space<hbm>> -> memref<1x80x128xi32, #tpu.memory_space<hbm>>
      %dma_wait3A_30 = tpu.memref_squeeze %dma_wait3A_29 : memref<1x80x128xi32, #tpu.memory_space<hbm>> -> memref<80x128xi32, #tpu.memory_space<hbm>>
      tpu.wait_dma2 semaphore(%run_scoped3A : memref<!tpu.dma_semaphore, #tpu.memory_space<semaphore_mem>>) src(%dma_wait3A_30 : memref<80x128xi32, #tpu.memory_space<hbm>>) dst(%arg6 : memref<80x128xi32, #tpu.memory_space<vmem>>)
      tpu.yield
    }) : () -> ()
    %barrier3A = arith.constant 0 : index
    tpu.barrier barrier_id(%barrier3A)
    %mul3A_3 = arith.constant 10240 : i32
    %mul3A_4 = arith.muli %arg1, %mul3A_3 : i32
    %scan3A = arith.constant 0 : i32
    %scan3A_5 = arith.constant 0 : i32
    %scan3A_6 = arith.constant 80 : i32
    %scan3A_7 = arith.addi %scan3A_5, %scan3A_6 : i32
    %scan3A_8 = arith.constant 1 : i32
    scf.for %scan3A_17 = %scan3A_5 to %scan3A_7 step %scan3A_8  : i32 {
      %mul3A_18 = arith.constant 128 : i32
      %mul3A_19 = arith.muli %scan3A_17, %mul3A_18 : i32
      %add3A = arith.addi %mul3A_4, %mul3A_19 : i32
      "tpu.region"() ({
        %run_scoped3A = tpu.sem_alloc : memref<!tpu.dma_semaphore, #tpu.memory_space<semaphore_mem>>
        %dma_start3A = arith.constant 0 : i32
        %dma_start3A_20 = tpu.memref_slice %arg2[%arg0, %add3A, %dma_start3A] : memref<2x163840x128xf32, #tpu.memory_space<hbm>> -> memref<1x128x128xf32, #tpu.memory_space<hbm>>
        %dma_start3A_21 = tpu.memref_squeeze %dma_start3A_20 : memref<1x128x128xf32, #tpu.memory_space<hbm>> -> memref<128x128xf32, #tpu.memory_space<hbm>>
        %dma_start3A_22 = arith.constant 0 : i32
        %dma_start3A_23 = tpu.memref_slice %arg2[%arg0, %add3A, %dma_start3A_22] : memref<2x163840x128xf32, #tpu.memory_space<hbm>> -> memref<1x128x128xf32, #tpu.memory_space<hbm>>
        %dma_start3A_24 = tpu.memref_squeeze %dma_start3A_23 : memref<1x128x128xf32, #tpu.memory_space<hbm>> -> memref<128x128xf32, #tpu.memory_space<hbm>>
        tpu.enqueue_dma source(%dma_start3A_24 : memref<128x128xf32, #tpu.memory_space<hbm>>) target(%arg7 : memref<128x128xf32, #tpu.memory_space<vmem>>) target_semaphore(%run_scoped3A : memref<!tpu.dma_semaphore, #tpu.memory_space<semaphore_mem>>)
        %dma_wait3A = arith.constant 0 : i32
        %dma_wait3A_25 = tpu.memref_slice %arg2[%arg0, %add3A, %dma_wait3A] : memref<2x163840x128xf32, #tpu.memory_space<hbm>> -> memref<1x128x128xf32, #tpu.memory_space<hbm>>
        %dma_wait3A_26 = tpu.memref_squeeze %dma_wait3A_25 : memref<1x128x128xf32, #tpu.memory_space<hbm>> -> memref<128x128xf32, #tpu.memory_space<hbm>>
        %dma_wait3A_27 = arith.constant 0 : i32
        %dma_wait3A_28 = tpu.memref_slice %arg2[%arg0, %add3A, %dma_wait3A_27] : memref<2x163840x128xf32, #tpu.memory_space<hbm>> -> memref<1x128x128xf32, #tpu.memory_space<hbm>>
        %dma_wait3A_29 = tpu.memref_squeeze %dma_wait3A_28 : memref<1x128x128xf32, #tpu.memory_space<hbm>> -> memref<128x128xf32, #tpu.memory_space<hbm>>
        tpu.wait_dma2 semaphore(%run_scoped3A : memref<!tpu.dma_semaphore, #tpu.memory_space<semaphore_mem>>) src(%dma_wait3A_29 : memref<128x128xf32, #tpu.memory_space<hbm>>) dst(%arg7 : memref<128x128xf32, #tpu.memory_space<vmem>>)
        tpu.yield
      }) : () -> ()
      "tpu.region"() ({
        %run_scoped3A = tpu.sem_alloc : memref<!tpu.dma_semaphore, #tpu.memory_space<semaphore_mem>>
        %dma_start3A = arith.constant 0 : i32
        %dma_start3A_20 = tpu.memref_slice %arg6[%scan3A_17, %dma_start3A] : memref<80x128xi32, #tpu.memory_space<vmem>> -> memref<1x128xi32, #tpu.memory_space<vmem>>
        %dma_start3A_21 = tpu.memref_squeeze %dma_start3A_20 : memref<1x128xi32, #tpu.memory_space<vmem>> -> memref<128xi32, #tpu.memory_space<vmem>>
        %dma_start3A_22 = arith.constant 0 : i32
        %dma_start3A_23 = arith.constant 0 : i32
        %dma_start3A_24 = tpu.memref_slice %arg8[%dma_start3A_22, %dma_start3A_23] : memref<10112x128xf32, #tpu.memory_space<vmem_shared>> -> memref<10112x128xf32, #tpu.memory_space<vmem_shared>>
        tpu.enqueue_indirect_dma source(%arg7 : memref<128x128xf32, #tpu.memory_space<vmem>>) target(%dma_start3A_24 : memref<10112x128xf32, #tpu.memory_space<vmem_shared>>) offsets(%dma_start3A_21 : memref<128xi32, #tpu.memory_space<vmem>>) semaphore(%run_scoped3A : memref<!tpu.dma_semaphore, #tpu.memory_space<semaphore_mem>>) {add = true}
        %dma_wait3A = arith.constant 0 : i32
        %dma_wait3A_25 = tpu.memref_slice %arg6[%scan3A_17, %dma_wait3A] : memref<80x128xi32, #tpu.memory_space<vmem>> -> memref<1x128xi32, #tpu.memory_space<vmem>>
        %dma_wait3A_26 = tpu.memref_squeeze %dma_wait3A_25 : memref<1x128xi32, #tpu.memory_space<vmem>> -> memref<128xi32, #tpu.memory_space<vmem>>
        %dma_wait3A_27 = arith.constant 0 : i32
        %dma_wait3A_28 = arith.constant 0 : i32
        %dma_wait3A_29 = tpu.memref_slice %arg8[%dma_wait3A_27, %dma_wait3A_28] : memref<10112x128xf32, #tpu.memory_space<vmem_shared>> -> memref<10112x128xf32, #tpu.memory_space<vmem_shared>>
        tpu.wait_indirect_dma semaphore(%run_scoped3A : memref<!tpu.dma_semaphore, #tpu.memory_space<semaphore_mem>>) src(%arg7 : memref<128x128xf32, #tpu.memory_space<vmem>>) dst(%dma_wait3A_29 : memref<10112x128xf32, #tpu.memory_space<vmem_shared>>)
        tpu.yield
      }) : () -> ()
    }
    %scan3A_9 = arith.constant 80 : i32
    %barrier3A_10 = arith.constant 0 : index
    tpu.barrier barrier_id(%barrier3A_10)
    %lt3A = arith.constant 15 : i32
    %lt3A_11 = arith.cmpi slt, %arg1, %lt3A : i32
    %convert_element_type3A = arith.extui %lt3A_11 : i1 to i32
    %cond3A = arith.constant 0 : i32
    %cond3A_12 = arith.cmpi ne, %convert_element_type3A, %cond3A : i32
    scf.if %cond3A_12 {
      %mul3A_17 = arith.constant 632 : i32
      %mul3A_18 = arith.muli %arg1, %mul3A_17 : i32
      %mul3A_19 = arith.constant 632 : i32
      %mul3A_20 = arith.muli %arg1, %mul3A_19 : i32
      "tpu.region"() ({
        %run_scoped3A = tpu.sem_alloc : memref<!tpu.dma_semaphore, #tpu.memory_space<semaphore_mem>>
        %dma_start3A = arith.constant 0 : i32
        %dma_start3A_21 = tpu.memref_slice %arg5[%arg0, %mul3A_20, %dma_start3A] : memref<2x10000x128xf32, #tpu.memory_space<hbm>> -> memref<1x632x128xf32, #tpu.memory_space<hbm>>
        %dma_start3A_22 = tpu.memref_squeeze %dma_start3A_21 : memref<1x632x128xf32, #tpu.memory_space<hbm>> -> memref<632x128xf32, #tpu.memory_space<hbm>>
        %dma_start3A_23 = arith.constant 0 : i32
        %dma_start3A_24 = tpu.memref_slice %arg8[%mul3A_18, %dma_start3A_23] : memref<10112x128xf32, #tpu.memory_space<vmem_shared>> -> memref<632x128xf32, #tpu.memory_space<vmem_shared>>
        tpu.enqueue_dma source(%dma_start3A_24 : memref<632x128xf32, #tpu.memory_space<vmem_shared>>) target(%dma_start3A_22 : memref<632x128xf32, #tpu.memory_space<hbm>>) target_semaphore(%run_scoped3A : memref<!tpu.dma_semaphore, #tpu.memory_space<semaphore_mem>>)
        %dma_wait3A = arith.constant 0 : i32
        %dma_wait3A_25 = tpu.memref_slice %arg5[%arg0, %mul3A_20, %dma_wait3A] : memref<2x10000x128xf32, #tpu.memory_space<hbm>> -> memref<1x632x128xf32, #tpu.memory_space<hbm>>
        %dma_wait3A_26 = tpu.memref_squeeze %dma_wait3A_25 : memref<1x632x128xf32, #tpu.memory_space<hbm>> -> memref<632x128xf32, #tpu.memory_space<hbm>>
        %dma_wait3A_27 = arith.constant 0 : i32
        %dma_wait3A_28 = tpu.memref_slice %arg8[%mul3A_18, %dma_wait3A_27] : memref<10112x128xf32, #tpu.memory_space<vmem_shared>> -> memref<632x128xf32, #tpu.memory_space<vmem_shared>>
        tpu.wait_dma2 semaphore(%run_scoped3A : memref<!tpu.dma_semaphore, #tpu.memory_space<semaphore_mem>>) src(%dma_wait3A_28 : memref<632x128xf32, #tpu.memory_space<vmem_shared>>) dst(%dma_wait3A_26 : memref<632x128xf32, #tpu.memory_space<hbm>>)
        tpu.yield
      }) : () -> ()
    } else {
    }
    %eq3A = arith.constant 15 : i32
    %eq3A_13 = arith.cmpi eq, %arg1, %eq3A : i32
    %convert_element_type3A_14 = arith.extui %eq3A_13 : i1 to i32
    %cond3A_15 = arith.constant 0 : i32
    %cond3A_16 = arith.cmpi ne, %convert_element_type3A_14, %cond3A_15 : i32
    scf.if %cond3A_16 {
      "tpu.region"() ({
        %run_scoped3A = tpu.sem_alloc : memref<!tpu.dma_semaphore, #tpu.memory_space<semaphore_mem>>
        %dma_start3A = arith.constant 9480 : i32
        %dma_start3A_17 = arith.constant 0 : i32
        %dma_start3A_18 = tpu.memref_slice %arg5[%arg0, %dma_start3A, %dma_start3A_17] : memref<2x10000x128xf32, #tpu.memory_space<hbm>> -> memref<1x520x128xf32, #tpu.memory_space<hbm>>
        %dma_start3A_19 = tpu.memref_squeeze %dma_start3A_18 : memref<1x520x128xf32, #tpu.memory_space<hbm>> -> memref<520x128xf32, #tpu.memory_space<hbm>>
        %dma_start3A_20 = arith.constant 9480 : i32
        %dma_start3A_21 = arith.constant 0 : i32
        %dma_start3A_22 = tpu.memref_slice %arg8[%dma_start3A_20, %dma_start3A_21] : memref<10112x128xf32, #tpu.memory_space<vmem_shared>> -> memref<520x128xf32, #tpu.memory_space<vmem_shared>>
        tpu.enqueue_dma source(%dma_start3A_22 : memref<520x128xf32, #tpu.memory_space<vmem_shared>>) target(%dma_start3A_19 : memref<520x128xf32, #tpu.memory_space<hbm>>) target_semaphore(%run_scoped3A : memref<!tpu.dma_semaphore, #tpu.memory_space<semaphore_mem>>)
        %dma_wait3A = arith.constant 9480 : i32
        %dma_wait3A_23 = arith.constant 0 : i32
        %dma_wait3A_24 = tpu.memref_slice %arg5[%arg0, %dma_wait3A, %dma_wait3A_23] : memref<2x10000x128xf32, #tpu.memory_space<hbm>> -> memref<1x520x128xf32, #tpu.memory_space<hbm>>
        %dma_wait3A_25 = tpu.memref_squeeze %dma_wait3A_24 : memref<1x520x128xf32, #tpu.memory_space<hbm>> -> memref<520x128xf32, #tpu.memory_space<hbm>>
        %dma_wait3A_26 = arith.constant 9480 : i32
        %dma_wait3A_27 = arith.constant 0 : i32
        %dma_wait3A_28 = tpu.memref_slice %arg8[%dma_wait3A_26, %dma_wait3A_27] : memref<10112x128xf32, #tpu.memory_space<vmem_shared>> -> memref<520x128xf32, #tpu.memory_space<vmem_shared>>
        tpu.wait_dma2 semaphore(%run_scoped3A : memref<!tpu.dma_semaphore, #tpu.memory_space<semaphore_mem>>) src(%dma_wait3A_28 : memref<520x128xf32, #tpu.memory_space<vmem_shared>>) dst(%dma_wait3A_25 : memref<520x128xf32, #tpu.memory_space<hbm>>)
        tpu.yield
      }) : () -> ()
    } else {
    }
    return
  }
}

#map = affine_map<(d0, d1) -> (0, 0)>
#map1 = affine_map<(d0, d1) -> (0, 0, 0)>
module attributes {stable_mosaic.version = 14 : i64} {
  func.func @_sc_gather_body(%arg0: i32, %arg1: i32, %arg2: memref<5000x128xi32, #tpu.memory_space<hbm>>, %arg3: memref<32x40x128xi32, #tpu.memory_space<hbm>>, %arg4: memref<32x40x128xi32, #tpu.memory_space<hbm>>, %arg5: memref<163840x128xi32, #tpu.memory_space<hbm>>, %arg6: memref<163840x128xi32, #tpu.memory_space<hbm>>, %arg7: memref<40x128xi32, #tpu.memory_space<vmem>>, %arg8: memref<40x128xi32, #tpu.memory_space<vmem>>, %arg9: memref<2x128x128xi32, #tpu.memory_space<vmem>>, %arg10: memref<2x128x128xi32, #tpu.memory_space<vmem>>, %arg11: memref<5000x128xi32, #tpu.memory_space<vmem_shared>>, %arg12: memref<!tpu.dma_semaphore, #tpu.memory_space<semaphore_mem>>, %arg13: memref<!tpu.dma_semaphore, #tpu.memory_space<semaphore_mem>>, %arg14: memref<!tpu.dma_semaphore, #tpu.memory_space<semaphore_mem>>, %arg15: memref<!tpu.dma_semaphore, #tpu.memory_space<semaphore_mem>>, %arg16: memref<!tpu.dma_semaphore, #tpu.memory_space<semaphore_mem>>, %arg17: memref<!tpu.dma_semaphore, #tpu.memory_space<semaphore_mem>>, %arg18: memref<!tpu.dma_semaphore, #tpu.memory_space<semaphore_mem>>, %arg19: memref<!tpu.dma_semaphore, #tpu.memory_space<semaphore_mem>>) attributes {dimension_semantics = [#tpu.dimension_semantics<core_parallel>, #tpu.dimension_semantics<subcore_parallel>], iteration_bounds = array<i64: 2, 16>, scalar_prefetch = 0 : i64, scratch_operands = 13 : i64, tpu.core_type = #tpu.core_type<sc_vector_subcore>, window_params = [{transform_indices = #map}, {transform_indices = #map1}, {transform_indices = #map1}, {transform_indices = #map}, {transform_indices = #map}]} {
    %mul3A = arith.constant 2 : i32
    %mul3A_0 = arith.muli %arg1, %mul3A : i32
    %add3A = arith.addi %mul3A_0, %arg0 : i32
    %mul3A_1 = arith.constant 5120 : i32
    %mul3A_2 = arith.muli %add3A, %mul3A_1 : i32
    %lt3A = arith.constant 15 : i32
    %lt3A_3 = arith.cmpi slt, %arg1, %lt3A : i32
    %convert_element_type3A = arith.extui %lt3A_3 : i1 to i32
    %cond3A = arith.constant 0 : i32
    %cond3A_4 = arith.cmpi ne, %convert_element_type3A, %cond3A : i32
    scf.if %cond3A_4 {
      %mul3A_120 = arith.constant 320 : i32
      %mul3A_121 = arith.muli %arg1, %mul3A_120 : i32
      %mul3A_122 = arith.constant 320 : i32
      %mul3A_123 = arith.muli %arg1, %mul3A_122 : i32
      "tpu.region"() ({
        %run_scoped3A = tpu.sem_alloc : memref<!tpu.dma_semaphore, #tpu.memory_space<semaphore_mem>>
        %dma_start3A_124 = arith.constant 0 : i32
        %dma_start3A_125 = tpu.memref_slice %arg11[%mul3A_123, %dma_start3A_124] : memref<5000x128xi32, #tpu.memory_space<vmem_shared>> -> memref<320x128xi32, #tpu.memory_space<vmem_shared>>
        %dma_start3A_126 = arith.constant 0 : i32
        %dma_start3A_127 = tpu.memref_slice %arg2[%mul3A_121, %dma_start3A_126] : memref<5000x128xi32, #tpu.memory_space<hbm>> -> memref<320x128xi32, #tpu.memory_space<hbm>>
        tpu.enqueue_dma source(%dma_start3A_127 : memref<320x128xi32, #tpu.memory_space<hbm>>) target(%dma_start3A_125 : memref<320x128xi32, #tpu.memory_space<vmem_shared>>) target_semaphore(%run_scoped3A : memref<!tpu.dma_semaphore, #tpu.memory_space<semaphore_mem>>)
        %dma_wait3A_128 = arith.constant 0 : i32
        %dma_wait3A_129 = tpu.memref_slice %arg11[%mul3A_123, %dma_wait3A_128] : memref<5000x128xi32, #tpu.memory_space<vmem_shared>> -> memref<320x128xi32, #tpu.memory_space<vmem_shared>>
        %dma_wait3A_130 = arith.constant 0 : i32
        %dma_wait3A_131 = tpu.memref_slice %arg2[%mul3A_121, %dma_wait3A_130] : memref<5000x128xi32, #tpu.memory_space<hbm>> -> memref<320x128xi32, #tpu.memory_space<hbm>>
        tpu.wait_dma2 semaphore(%run_scoped3A : memref<!tpu.dma_semaphore, #tpu.memory_space<semaphore_mem>>) src(%dma_wait3A_131 : memref<320x128xi32, #tpu.memory_space<hbm>>) dst(%dma_wait3A_129 : memref<320x128xi32, #tpu.memory_space<vmem_shared>>)
        tpu.yield
      }) : () -> ()
    } else {
    }
    %eq3A = arith.constant 15 : i32
    %eq3A_5 = arith.cmpi eq, %arg1, %eq3A : i32
    %convert_element_type3A_6 = arith.extui %eq3A_5 : i1 to i32
    %cond3A_7 = arith.constant 0 : i32
    %cond3A_8 = arith.cmpi ne, %convert_element_type3A_6, %cond3A_7 : i32
    scf.if %cond3A_8 {
      "tpu.region"() ({
        %run_scoped3A = tpu.sem_alloc : memref<!tpu.dma_semaphore, #tpu.memory_space<semaphore_mem>>
        %dma_start3A_120 = arith.constant 4800 : i32
        %dma_start3A_121 = arith.constant 0 : i32
        %dma_start3A_122 = tpu.memref_slice %arg11[%dma_start3A_120, %dma_start3A_121] : memref<5000x128xi32, #tpu.memory_space<vmem_shared>> -> memref<200x128xi32, #tpu.memory_space<vmem_shared>>
        %dma_start3A_123 = arith.constant 4800 : i32
        %dma_start3A_124 = arith.constant 0 : i32
        %dma_start3A_125 = tpu.memref_slice %arg2[%dma_start3A_123, %dma_start3A_124] : memref<5000x128xi32, #tpu.memory_space<hbm>> -> memref<200x128xi32, #tpu.memory_space<hbm>>
        tpu.enqueue_dma source(%dma_start3A_125 : memref<200x128xi32, #tpu.memory_space<hbm>>) target(%dma_start3A_122 : memref<200x128xi32, #tpu.memory_space<vmem_shared>>) target_semaphore(%run_scoped3A : memref<!tpu.dma_semaphore, #tpu.memory_space<semaphore_mem>>)
        %dma_wait3A_126 = arith.constant 4800 : i32
        %dma_wait3A_127 = arith.constant 0 : i32
        %dma_wait3A_128 = tpu.memref_slice %arg11[%dma_wait3A_126, %dma_wait3A_127] : memref<5000x128xi32, #tpu.memory_space<vmem_shared>> -> memref<200x128xi32, #tpu.memory_space<vmem_shared>>
        %dma_wait3A_129 = arith.constant 4800 : i32
        %dma_wait3A_130 = arith.constant 0 : i32
        %dma_wait3A_131 = tpu.memref_slice %arg2[%dma_wait3A_129, %dma_wait3A_130] : memref<5000x128xi32, #tpu.memory_space<hbm>> -> memref<200x128xi32, #tpu.memory_space<hbm>>
        tpu.wait_dma2 semaphore(%run_scoped3A : memref<!tpu.dma_semaphore, #tpu.memory_space<semaphore_mem>>) src(%dma_wait3A_131 : memref<200x128xi32, #tpu.memory_space<hbm>>) dst(%dma_wait3A_128 : memref<200x128xi32, #tpu.memory_space<vmem_shared>>)
        tpu.yield
      }) : () -> ()
    } else {
    }
    "tpu.region"() ({
      %run_scoped3A = tpu.sem_alloc : memref<!tpu.dma_semaphore, #tpu.memory_space<semaphore_mem>>
      %dma_start3A_120 = arith.constant 0 : i32
      %dma_start3A_121 = arith.constant 0 : i32
      %dma_start3A_122 = tpu.memref_slice %arg3[%add3A, %dma_start3A_120, %dma_start3A_121] : memref<32x40x128xi32, #tpu.memory_space<hbm>> -> memref<1x40x128xi32, #tpu.memory_space<hbm>>
      %dma_start3A_123 = tpu.memref_squeeze %dma_start3A_122 : memref<1x40x128xi32, #tpu.memory_space<hbm>> -> memref<40x128xi32, #tpu.memory_space<hbm>>
      %dma_start3A_124 = arith.constant 0 : i32
      %dma_start3A_125 = arith.constant 0 : i32
      %dma_start3A_126 = tpu.memref_slice %arg3[%add3A, %dma_start3A_124, %dma_start3A_125] : memref<32x40x128xi32, #tpu.memory_space<hbm>> -> memref<1x40x128xi32, #tpu.memory_space<hbm>>
      %dma_start3A_127 = tpu.memref_squeeze %dma_start3A_126 : memref<1x40x128xi32, #tpu.memory_space<hbm>> -> memref<40x128xi32, #tpu.memory_space<hbm>>
      tpu.enqueue_dma source(%dma_start3A_127 : memref<40x128xi32, #tpu.memory_space<hbm>>) target(%arg7 : memref<40x128xi32, #tpu.memory_space<vmem>>) target_semaphore(%run_scoped3A : memref<!tpu.dma_semaphore, #tpu.memory_space<semaphore_mem>>)
      %dma_wait3A_128 = arith.constant 0 : i32
      %dma_wait3A_129 = arith.constant 0 : i32
      %dma_wait3A_130 = tpu.memref_slice %arg3[%add3A, %dma_wait3A_128, %dma_wait3A_129] : memref<32x40x128xi32, #tpu.memory_space<hbm>> -> memref<1x40x128xi32, #tpu.memory_space<hbm>>
      %dma_wait3A_131 = tpu.memref_squeeze %dma_wait3A_130 : memref<1x40x128xi32, #tpu.memory_space<hbm>> -> memref<40x128xi32, #tpu.memory_space<hbm>>
      %dma_wait3A_132 = arith.constant 0 : i32
      %dma_wait3A_133 = arith.constant 0 : i32
      %dma_wait3A_134 = tpu.memref_slice %arg3[%add3A, %dma_wait3A_132, %dma_wait3A_133] : memref<32x40x128xi32, #tpu.memory_space<hbm>> -> memref<1x40x128xi32, #tpu.memory_space<hbm>>
      %dma_wait3A_135 = tpu.memref_squeeze %dma_wait3A_134 : memref<1x40x128xi32, #tpu.memory_space<hbm>> -> memref<40x128xi32, #tpu.memory_space<hbm>>
      tpu.wait_dma2 semaphore(%run_scoped3A : memref<!tpu.dma_semaphore, #tpu.memory_space<semaphore_mem>>) src(%dma_wait3A_135 : memref<40x128xi32, #tpu.memory_space<hbm>>) dst(%arg7 : memref<40x128xi32, #tpu.memory_space<vmem>>)
      tpu.yield
    }) : () -> ()
    "tpu.region"() ({
      %run_scoped3A = tpu.sem_alloc : memref<!tpu.dma_semaphore, #tpu.memory_space<semaphore_mem>>
      %dma_start3A_120 = arith.constant 0 : i32
      %dma_start3A_121 = arith.constant 0 : i32
      %dma_start3A_122 = tpu.memref_slice %arg4[%add3A, %dma_start3A_120, %dma_start3A_121] : memref<32x40x128xi32, #tpu.memory_space<hbm>> -> memref<1x40x128xi32, #tpu.memory_space<hbm>>
      %dma_start3A_123 = tpu.memref_squeeze %dma_start3A_122 : memref<1x40x128xi32, #tpu.memory_space<hbm>> -> memref<40x128xi32, #tpu.memory_space<hbm>>
      %dma_start3A_124 = arith.constant 0 : i32
      %dma_start3A_125 = arith.constant 0 : i32
      %dma_start3A_126 = tpu.memref_slice %arg4[%add3A, %dma_start3A_124, %dma_start3A_125] : memref<32x40x128xi32, #tpu.memory_space<hbm>> -> memref<1x40x128xi32, #tpu.memory_space<hbm>>
      %dma_start3A_127 = tpu.memref_squeeze %dma_start3A_126 : memref<1x40x128xi32, #tpu.memory_space<hbm>> -> memref<40x128xi32, #tpu.memory_space<hbm>>
      tpu.enqueue_dma source(%dma_start3A_127 : memref<40x128xi32, #tpu.memory_space<hbm>>) target(%arg8 : memref<40x128xi32, #tpu.memory_space<vmem>>) target_semaphore(%run_scoped3A : memref<!tpu.dma_semaphore, #tpu.memory_space<semaphore_mem>>)
      %dma_wait3A_128 = arith.constant 0 : i32
      %dma_wait3A_129 = arith.constant 0 : i32
      %dma_wait3A_130 = tpu.memref_slice %arg4[%add3A, %dma_wait3A_128, %dma_wait3A_129] : memref<32x40x128xi32, #tpu.memory_space<hbm>> -> memref<1x40x128xi32, #tpu.memory_space<hbm>>
      %dma_wait3A_131 = tpu.memref_squeeze %dma_wait3A_130 : memref<1x40x128xi32, #tpu.memory_space<hbm>> -> memref<40x128xi32, #tpu.memory_space<hbm>>
      %dma_wait3A_132 = arith.constant 0 : i32
      %dma_wait3A_133 = arith.constant 0 : i32
      %dma_wait3A_134 = tpu.memref_slice %arg4[%add3A, %dma_wait3A_132, %dma_wait3A_133] : memref<32x40x128xi32, #tpu.memory_space<hbm>> -> memref<1x40x128xi32, #tpu.memory_space<hbm>>
      %dma_wait3A_135 = tpu.memref_squeeze %dma_wait3A_134 : memref<1x40x128xi32, #tpu.memory_space<hbm>> -> memref<40x128xi32, #tpu.memory_space<hbm>>
      tpu.wait_dma2 semaphore(%run_scoped3A : memref<!tpu.dma_semaphore, #tpu.memory_space<semaphore_mem>>) src(%dma_wait3A_135 : memref<40x128xi32, #tpu.memory_space<hbm>>) dst(%arg8 : memref<40x128xi32, #tpu.memory_space<vmem>>)
      tpu.yield
    }) : () -> ()
    %barrier3A = arith.constant 0 : index
    tpu.barrier barrier_id(%barrier3A)
    %dma_start3A = arith.constant 0 : i32
    %dma_start3A_9 = arith.constant 0 : i32
    %dma_start3A_10 = arith.constant 0 : i32
    %dma_start3A_11 = arith.constant 0 : i32
    %dma_start3A_12 = tpu.memref_slice %arg9[%dma_start3A_9, %dma_start3A_10, %dma_start3A_11] : memref<2x128x128xi32, #tpu.memory_space<vmem>> -> memref<1x128x128xi32, #tpu.memory_space<vmem>>
    %dma_start3A_13 = tpu.memref_squeeze %dma_start3A_12 : memref<1x128x128xi32, #tpu.memory_space<vmem>> -> memref<128x128xi32, #tpu.memory_space<vmem>>
    %dma_start3A_14 = arith.constant 0 : i32
    %dma_start3A_15 = tpu.memref_slice %arg7[%dma_start3A, %dma_start3A_14] : memref<40x128xi32, #tpu.memory_space<vmem>> -> memref<1x128xi32, #tpu.memory_space<vmem>>
    %dma_start3A_16 = tpu.memref_squeeze %dma_start3A_15 : memref<1x128xi32, #tpu.memory_space<vmem>> -> memref<128xi32, #tpu.memory_space<vmem>>
    %dma_start3A_17 = arith.constant 0 : i32
    %dma_start3A_18 = arith.constant 0 : i32
    %dma_start3A_19 = tpu.memref_slice %arg11[%dma_start3A_17, %dma_start3A_18] : memref<5000x128xi32, #tpu.memory_space<vmem_shared>> -> memref<5000x128xi32, #tpu.memory_space<vmem_shared>>
    tpu.enqueue_indirect_dma source(%dma_start3A_19 : memref<5000x128xi32, #tpu.memory_space<vmem_shared>>) target(%dma_start3A_13 : memref<128x128xi32, #tpu.memory_space<vmem>>) offsets(%dma_start3A_16 : memref<128xi32, #tpu.memory_space<vmem>>) semaphore(%arg12 : memref<!tpu.dma_semaphore, #tpu.memory_space<semaphore_mem>>)
    %dma_start3A_20 = arith.constant 0 : i32
    %dma_start3A_21 = arith.constant 0 : i32
    %dma_start3A_22 = arith.constant 0 : i32
    %dma_start3A_23 = arith.constant 0 : i32
    %dma_start3A_24 = tpu.memref_slice %arg10[%dma_start3A_21, %dma_start3A_22, %dma_start3A_23] : memref<2x128x128xi32, #tpu.memory_space<vmem>> -> memref<1x128x128xi32, #tpu.memory_space<vmem>>
    %dma_start3A_25 = tpu.memref_squeeze %dma_start3A_24 : memref<1x128x128xi32, #tpu.memory_space<vmem>> -> memref<128x128xi32, #tpu.memory_space<vmem>>
    %dma_start3A_26 = arith.constant 0 : i32
    %dma_start3A_27 = tpu.memref_slice %arg8[%dma_start3A_20, %dma_start3A_26] : memref<40x128xi32, #tpu.memory_space<vmem>> -> memref<1x128xi32, #tpu.memory_space<vmem>>
    %dma_start3A_28 = tpu.memref_squeeze %dma_start3A_27 : memref<1x128xi32, #tpu.memory_space<vmem>> -> memref<128xi32, #tpu.memory_space<vmem>>
    %dma_start3A_29 = arith.constant 0 : i32
    %dma_start3A_30 = arith.constant 0 : i32
    %dma_start3A_31 = tpu.memref_slice %arg11[%dma_start3A_29, %dma_start3A_30] : memref<5000x128xi32, #tpu.memory_space<vmem_shared>> -> memref<5000x128xi32, #tpu.memory_space<vmem_shared>>
    tpu.enqueue_indirect_dma source(%dma_start3A_31 : memref<5000x128xi32, #tpu.memory_space<vmem_shared>>) target(%dma_start3A_25 : memref<128x128xi32, #tpu.memory_space<vmem>>) offsets(%dma_start3A_28 : memref<128xi32, #tpu.memory_space<vmem>>) semaphore(%arg14 : memref<!tpu.dma_semaphore, #tpu.memory_space<semaphore_mem>>)
    %dma_start3A_32 = arith.constant 1 : i32
    %dma_start3A_33 = arith.constant 1 : i32
    %dma_start3A_34 = arith.constant 0 : i32
    %dma_start3A_35 = arith.constant 0 : i32
    %dma_start3A_36 = tpu.memref_slice %arg9[%dma_start3A_33, %dma_start3A_34, %dma_start3A_35] : memref<2x128x128xi32, #tpu.memory_space<vmem>> -> memref<1x128x128xi32, #tpu.memory_space<vmem>>
    %dma_start3A_37 = tpu.memref_squeeze %dma_start3A_36 : memref<1x128x128xi32, #tpu.memory_space<vmem>> -> memref<128x128xi32, #tpu.memory_space<vmem>>
    %dma_start3A_38 = arith.constant 0 : i32
    %dma_start3A_39 = tpu.memref_slice %arg7[%dma_start3A_32, %dma_start3A_38] : memref<40x128xi32, #tpu.memory_space<vmem>> -> memref<1x128xi32, #tpu.memory_space<vmem>>
    %dma_start3A_40 = tpu.memref_squeeze %dma_start3A_39 : memref<1x128xi32, #tpu.memory_space<vmem>> -> memref<128xi32, #tpu.memory_space<vmem>>
    %dma_start3A_41 = arith.constant 0 : i32
    %dma_start3A_42 = arith.constant 0 : i32
    %dma_start3A_43 = tpu.memref_slice %arg11[%dma_start3A_41, %dma_start3A_42] : memref<5000x128xi32, #tpu.memory_space<vmem_shared>> -> memref<5000x128xi32, #tpu.memory_space<vmem_shared>>
    tpu.enqueue_indirect_dma source(%dma_start3A_43 : memref<5000x128xi32, #tpu.memory_space<vmem_shared>>) target(%dma_start3A_37 : memref<128x128xi32, #tpu.memory_space<vmem>>) offsets(%dma_start3A_40 : memref<128xi32, #tpu.memory_space<vmem>>) semaphore(%arg13 : memref<!tpu.dma_semaphore, #tpu.memory_space<semaphore_mem>>)
    %dma_start3A_44 = arith.constant 1 : i32
    %dma_start3A_45 = arith.constant 1 : i32
    %dma_start3A_46 = arith.constant 0 : i32
    %dma_start3A_47 = arith.constant 0 : i32
    %dma_start3A_48 = tpu.memref_slice %arg10[%dma_start3A_45, %dma_start3A_46, %dma_start3A_47] : memref<2x128x128xi32, #tpu.memory_space<vmem>> -> memref<1x128x128xi32, #tpu.memory_space<vmem>>
    %dma_start3A_49 = tpu.memref_squeeze %dma_start3A_48 : memref<1x128x128xi32, #tpu.memory_space<vmem>> -> memref<128x128xi32, #tpu.memory_space<vmem>>
    %dma_start3A_50 = arith.constant 0 : i32
    %dma_start3A_51 = tpu.memref_slice %arg8[%dma_start3A_44, %dma_start3A_50] : memref<40x128xi32, #tpu.memory_space<vmem>> -> memref<1x128xi32, #tpu.memory_space<vmem>>
    %dma_start3A_52 = tpu.memref_squeeze %dma_start3A_51 : memref<1x128xi32, #tpu.memory_space<vmem>> -> memref<128xi32, #tpu.memory_space<vmem>>
    %dma_start3A_53 = arith.constant 0 : i32
    %dma_start3A_54 = arith.constant 0 : i32
    %dma_start3A_55 = tpu.memref_slice %arg11[%dma_start3A_53, %dma_start3A_54] : memref<5000x128xi32, #tpu.memory_space<vmem_shared>> -> memref<5000x128xi32, #tpu.memory_space<vmem_shared>>
    tpu.enqueue_indirect_dma source(%dma_start3A_55 : memref<5000x128xi32, #tpu.memory_space<vmem_shared>>) target(%dma_start3A_49 : memref<128x128xi32, #tpu.memory_space<vmem>>) offsets(%dma_start3A_52 : memref<128xi32, #tpu.memory_space<vmem>>) semaphore(%arg15 : memref<!tpu.dma_semaphore, #tpu.memory_space<semaphore_mem>>)
    %scan3A = arith.constant 0 : i32
    %scan3A_56 = arith.constant 0 : i32
    %scan3A_57 = arith.constant 20 : i32
    %scan3A_58 = arith.addi %scan3A_56, %scan3A_57 : i32
    %scan3A_59 = arith.constant 1 : i32
    scf.for %scan3A_120 = %scan3A_56 to %scan3A_58 step %scan3A_59  : i32 {
      %mul3A_121 = arith.constant 2 : i32
      %mul3A_122 = arith.muli %mul3A_121, %scan3A_120 : i32
      %add3A_123 = arith.constant 0 : i32
      %add3A_124 = arith.addi %mul3A_122, %add3A_123 : i32
      %dma_wait3A_125 = arith.constant 0 : i32
      %dma_wait3A_126 = arith.constant 0 : i32
      %dma_wait3A_127 = arith.constant 0 : i32
      %dma_wait3A_128 = arith.constant 0 : i32
      %dma_wait3A_129 = tpu.memref_slice %arg9[%dma_wait3A_126, %dma_wait3A_127, %dma_wait3A_128] : memref<2x128x128xi32, #tpu.memory_space<vmem>> -> memref<1x128x128xi32, #tpu.memory_space<vmem>>
      %dma_wait3A_130 = tpu.memref_squeeze %dma_wait3A_129 : memref<1x128x128xi32, #tpu.memory_space<vmem>> -> memref<128x128xi32, #tpu.memory_space<vmem>>
      %dma_wait3A_131 = arith.constant 0 : i32
      %dma_wait3A_132 = tpu.memref_slice %arg7[%dma_wait3A_125, %dma_wait3A_131] : memref<40x128xi32, #tpu.memory_space<vmem>> -> memref<1x128xi32, #tpu.memory_space<vmem>>
      %dma_wait3A_133 = tpu.memref_squeeze %dma_wait3A_132 : memref<1x128xi32, #tpu.memory_space<vmem>> -> memref<128xi32, #tpu.memory_space<vmem>>
      %dma_wait3A_134 = arith.constant 0 : i32
      %dma_wait3A_135 = arith.constant 0 : i32
      %dma_wait3A_136 = tpu.memref_slice %arg11[%dma_wait3A_134, %dma_wait3A_135] : memref<5000x128xi32, #tpu.memory_space<vmem_shared>> -> memref<5000x128xi32, #tpu.memory_space<vmem_shared>>
      tpu.wait_indirect_dma semaphore(%arg12 : memref<!tpu.dma_semaphore, #tpu.memory_space<semaphore_mem>>) src(%dma_wait3A_136 : memref<5000x128xi32, #tpu.memory_space<vmem_shared>>) dst(%dma_wait3A_130 : memref<128x128xi32, #tpu.memory_space<vmem>>)
      %mul3A_137 = arith.constant 128 : i32
      %mul3A_138 = arith.muli %add3A_124, %mul3A_137 : i32
      %add3A_139 = arith.addi %mul3A_2, %mul3A_138 : i32
      %dma_start3A_140 = arith.constant 0 : i32
      %dma_start3A_141 = arith.constant 0 : i32
      %dma_start3A_142 = arith.constant 0 : i32
      %dma_start3A_143 = tpu.memref_slice %arg9[%dma_start3A_140, %dma_start3A_141, %dma_start3A_142] : memref<2x128x128xi32, #tpu.memory_space<vmem>> -> memref<1x128x128xi32, #tpu.memory_space<vmem>>
      %dma_start3A_144 = tpu.memref_squeeze %dma_start3A_143 : memref<1x128x128xi32, #tpu.memory_space<vmem>> -> memref<128x128xi32, #tpu.memory_space<vmem>>
      %dma_start3A_145 = arith.constant 0 : i32
      %dma_start3A_146 = tpu.memref_slice %arg5[%add3A_139, %dma_start3A_145] : memref<163840x128xi32, #tpu.memory_space<hbm>> -> memref<128x128xi32, #tpu.memory_space<hbm>>
      %dma_start3A_147 = arith.constant 0 : i32
      %dma_start3A_148 = tpu.memref_slice %arg5[%add3A_139, %dma_start3A_147] : memref<163840x128xi32, #tpu.memory_space<hbm>> -> memref<128x128xi32, #tpu.memory_space<hbm>>
      %dma_start3A_149 = arith.constant 0 : i32
      %dma_start3A_150 = arith.constant 0 : i32
      %dma_start3A_151 = tpu.memref_slice %arg9[%dma_start3A_140, %dma_start3A_149, %dma_start3A_150] : memref<2x128x128xi32, #tpu.memory_space<vmem>> -> memref<1x128x128xi32, #tpu.memory_space<vmem>>
      %dma_start3A_152 = tpu.memref_squeeze %dma_start3A_151 : memref<1x128x128xi32, #tpu.memory_space<vmem>> -> memref<128x128xi32, #tpu.memory_space<vmem>>
      tpu.enqueue_dma source(%dma_start3A_152 : memref<128x128xi32, #tpu.memory_space<vmem>>) target(%dma_start3A_148 : memref<128x128xi32, #tpu.memory_space<hbm>>) target_semaphore(%arg16 : memref<!tpu.dma_semaphore, #tpu.memory_space<semaphore_mem>>)
      %dma_wait3A_153 = arith.constant 0 : i32
      %dma_wait3A_154 = arith.constant 0 : i32
      %dma_wait3A_155 = arith.constant 0 : i32
      %dma_wait3A_156 = arith.constant 0 : i32
      %dma_wait3A_157 = tpu.memref_slice %arg10[%dma_wait3A_154, %dma_wait3A_155, %dma_wait3A_156] : memref<2x128x128xi32, #tpu.memory_space<vmem>> -> memref<1x128x128xi32, #tpu.memory_space<vmem>>
      %dma_wait3A_158 = tpu.memref_squeeze %dma_wait3A_157 : memref<1x128x128xi32, #tpu.memory_space<vmem>> -> memref<128x128xi32, #tpu.memory_space<vmem>>
      %dma_wait3A_159 = arith.constant 0 : i32
      %dma_wait3A_160 = tpu.memref_slice %arg8[%dma_wait3A_153, %dma_wait3A_159] : memref<40x128xi32, #tpu.memory_space<vmem>> -> memref<1x128xi32, #tpu.memory_space<vmem>>
      %dma_wait3A_161 = tpu.memref_squeeze %dma_wait3A_160 : memref<1x128xi32, #tpu.memory_space<vmem>> -> memref<128xi32, #tpu.memory_space<vmem>>
      %dma_wait3A_162 = arith.constant 0 : i32
      %dma_wait3A_163 = arith.constant 0 : i32
      %dma_wait3A_164 = tpu.memref_slice %arg11[%dma_wait3A_162, %dma_wait3A_163] : memref<5000x128xi32, #tpu.memory_space<vmem_shared>> -> memref<5000x128xi32, #tpu.memory_space<vmem_shared>>
      tpu.wait_indirect_dma semaphore(%arg14 : memref<!tpu.dma_semaphore, #tpu.memory_space<semaphore_mem>>) src(%dma_wait3A_164 : memref<5000x128xi32, #tpu.memory_space<vmem_shared>>) dst(%dma_wait3A_158 : memref<128x128xi32, #tpu.memory_space<vmem>>)
      %mul3A_165 = arith.constant 128 : i32
      %mul3A_166 = arith.muli %add3A_124, %mul3A_165 : i32
      %add3A_167 = arith.addi %mul3A_2, %mul3A_166 : i32
      %dma_start3A_168 = arith.constant 0 : i32
      %dma_start3A_169 = arith.constant 0 : i32
      %dma_start3A_170 = arith.constant 0 : i32
      %dma_start3A_171 = tpu.memref_slice %arg10[%dma_start3A_168, %dma_start3A_169, %dma_start3A_170] : memref<2x128x128xi32, #tpu.memory_space<vmem>> -> memref<1x128x128xi32, #tpu.memory_space<vmem>>
      %dma_start3A_172 = tpu.memref_squeeze %dma_start3A_171 : memref<1x128x128xi32, #tpu.memory_space<vmem>> -> memref<128x128xi32, #tpu.memory_space<vmem>>
      %dma_start3A_173 = arith.constant 0 : i32
      %dma_start3A_174 = tpu.memref_slice %arg6[%add3A_167, %dma_start3A_173] : memref<163840x128xi32, #tpu.memory_space<hbm>> -> memref<128x128xi32, #tpu.memory_space<hbm>>
      %dma_start3A_175 = arith.constant 0 : i32
      %dma_start3A_176 = tpu.memref_slice %arg6[%add3A_167, %dma_start3A_175] : memref<163840x128xi32, #tpu.memory_space<hbm>> -> memref<128x128xi32, #tpu.memory_space<hbm>>
      %dma_start3A_177 = arith.constant 0 : i32
      %dma_start3A_178 = arith.constant 0 : i32
      %dma_start3A_179 = tpu.memref_slice %arg10[%dma_start3A_168, %dma_start3A_177, %dma_start3A_178] : memref<2x128x128xi32, #tpu.memory_space<vmem>> -> memref<1x128x128xi32, #tpu.memory_space<vmem>>
      %dma_start3A_180 = tpu.memref_squeeze %dma_start3A_179 : memref<1x128x128xi32, #tpu.memory_space<vmem>> -> memref<128x128xi32, #tpu.memory_space<vmem>>
      tpu.enqueue_dma source(%dma_start3A_180 : memref<128x128xi32, #tpu.memory_space<vmem>>) target(%dma_start3A_176 : memref<128x128xi32, #tpu.memory_space<hbm>>) target_semaphore(%arg18 : memref<!tpu.dma_semaphore, #tpu.memory_space<semaphore_mem>>)
      %add3A_181 = arith.constant 2 : i32
      %add3A_182 = arith.addi %add3A_124, %add3A_181 : i32
      %lt3A_183 = arith.constant 40 : i32
      %lt3A_184 = arith.cmpi slt, %add3A_182, %lt3A_183 : i32
      %convert_element_type3A_185 = arith.extui %lt3A_184 : i1 to i32
      %cond3A_186 = arith.constant 0 : i32
      %cond3A_187 = arith.cmpi ne, %convert_element_type3A_185, %cond3A_186 : i32
      scf.if %cond3A_187 {
        %mul3A_255 = arith.constant 128 : i32
        %mul3A_256 = arith.muli %add3A_124, %mul3A_255 : i32
        %add3A_257 = arith.addi %mul3A_2, %mul3A_256 : i32
        %dma_wait3A_258 = arith.constant 0 : i32
        %dma_wait3A_259 = arith.constant 0 : i32
        %dma_wait3A_260 = arith.constant 0 : i32
        %dma_wait3A_261 = tpu.memref_slice %arg9[%dma_wait3A_258, %dma_wait3A_259, %dma_wait3A_260] : memref<2x128x128xi32, #tpu.memory_space<vmem>> -> memref<1x128x128xi32, #tpu.memory_space<vmem>>
        %dma_wait3A_262 = tpu.memref_squeeze %dma_wait3A_261 : memref<1x128x128xi32, #tpu.memory_space<vmem>> -> memref<128x128xi32, #tpu.memory_space<vmem>>
        %dma_wait3A_263 = arith.constant 0 : i32
        %dma_wait3A_264 = tpu.memref_slice %arg5[%add3A_257, %dma_wait3A_263] : memref<163840x128xi32, #tpu.memory_space<hbm>> -> memref<128x128xi32, #tpu.memory_space<hbm>>
        %dma_wait3A_265 = arith.constant 0 : i32
        %dma_wait3A_266 = tpu.memref_slice %arg5[%add3A_257, %dma_wait3A_265] : memref<163840x128xi32, #tpu.memory_space<hbm>> -> memref<128x128xi32, #tpu.memory_space<hbm>>
        %dma_wait3A_267 = arith.constant 0 : i32
        %dma_wait3A_268 = arith.constant 0 : i32
        %dma_wait3A_269 = tpu.memref_slice %arg9[%dma_wait3A_258, %dma_wait3A_267, %dma_wait3A_268] : memref<2x128x128xi32, #tpu.memory_space<vmem>> -> memref<1x128x128xi32, #tpu.memory_space<vmem>>
        %dma_wait3A_270 = tpu.memref_squeeze %dma_wait3A_269 : memref<1x128x128xi32, #tpu.memory_space<vmem>> -> memref<128x128xi32, #tpu.memory_space<vmem>>
        tpu.wait_dma2 semaphore(%arg16 : memref<!tpu.dma_semaphore, #tpu.memory_space<semaphore_mem>>) src(%dma_wait3A_270 : memref<128x128xi32, #tpu.memory_space<vmem>>) dst(%dma_wait3A_266 : memref<128x128xi32, #tpu.memory_space<hbm>>)
        %add3A_271 = arith.constant 2 : i32
        %add3A_272 = arith.addi %add3A_124, %add3A_271 : i32
        %dma_start3A_273 = arith.constant 0 : i32
        %dma_start3A_274 = arith.constant 0 : i32
        %dma_start3A_275 = arith.constant 0 : i32
        %dma_start3A_276 = tpu.memref_slice %arg9[%dma_start3A_273, %dma_start3A_274, %dma_start3A_275] : memref<2x128x128xi32, #tpu.memory_space<vmem>> -> memref<1x128x128xi32, #tpu.memory_space<vmem>>
        %dma_start3A_277 = tpu.memref_squeeze %dma_start3A_276 : memref<1x128x128xi32, #tpu.memory_space<vmem>> -> memref<128x128xi32, #tpu.memory_space<vmem>>
        %dma_start3A_278 = arith.constant 0 : i32
        %dma_start3A_279 = tpu.memref_slice %arg7[%add3A_272, %dma_start3A_278] : memref<40x128xi32, #tpu.memory_space<vmem>> -> memref<1x128xi32, #tpu.memory_space<vmem>>
        %dma_start3A_280 = tpu.memref_squeeze %dma_start3A_279 : memref<1x128xi32, #tpu.memory_space<vmem>> -> memref<128xi32, #tpu.memory_space<vmem>>
        %dma_start3A_281 = arith.constant 0 : i32
        %dma_start3A_282 = arith.constant 0 : i32
        %dma_start3A_283 = tpu.memref_slice %arg11[%dma_start3A_281, %dma_start3A_282] : memref<5000x128xi32, #tpu.memory_space<vmem_shared>> -> memref<5000x128xi32, #tpu.memory_space<vmem_shared>>
        tpu.enqueue_indirect_dma source(%dma_start3A_283 : memref<5000x128xi32, #tpu.memory_space<vmem_shared>>) target(%dma_start3A_277 : memref<128x128xi32, #tpu.memory_space<vmem>>) offsets(%dma_start3A_280 : memref<128xi32, #tpu.memory_space<vmem>>) semaphore(%arg12 : memref<!tpu.dma_semaphore, #tpu.memory_space<semaphore_mem>>)
        %mul3A_284 = arith.constant 128 : i32
        %mul3A_285 = arith.muli %add3A_124, %mul3A_284 : i32
        %add3A_286 = arith.addi %mul3A_2, %mul3A_285 : i32
        %dma_wait3A_287 = arith.constant 0 : i32
        %dma_wait3A_288 = arith.constant 0 : i32
        %dma_wait3A_289 = arith.constant 0 : i32
        %dma_wait3A_290 = tpu.memref_slice %arg10[%dma_wait3A_287, %dma_wait3A_288, %dma_wait3A_289] : memref<2x128x128xi32, #tpu.memory_space<vmem>> -> memref<1x128x128xi32, #tpu.memory_space<vmem>>
        %dma_wait3A_291 = tpu.memref_squeeze %dma_wait3A_290 : memref<1x128x128xi32, #tpu.memory_space<vmem>> -> memref<128x128xi32, #tpu.memory_space<vmem>>
        %dma_wait3A_292 = arith.constant 0 : i32
        %dma_wait3A_293 = tpu.memref_slice %arg6[%add3A_286, %dma_wait3A_292] : memref<163840x128xi32, #tpu.memory_space<hbm>> -> memref<128x128xi32, #tpu.memory_space<hbm>>
        %dma_wait3A_294 = arith.constant 0 : i32
        %dma_wait3A_295 = tpu.memref_slice %arg6[%add3A_286, %dma_wait3A_294] : memref<163840x128xi32, #tpu.memory_space<hbm>> -> memref<128x128xi32, #tpu.memory_space<hbm>>
        %dma_wait3A_296 = arith.constant 0 : i32
        %dma_wait3A_297 = arith.constant 0 : i32
        %dma_wait3A_298 = tpu.memref_slice %arg10[%dma_wait3A_287, %dma_wait3A_296, %dma_wait3A_297] : memref<2x128x128xi32, #tpu.memory_space<vmem>> -> memref<1x128x128xi32, #tpu.memory_space<vmem>>
        %dma_wait3A_299 = tpu.memref_squeeze %dma_wait3A_298 : memref<1x128x128xi32, #tpu.memory_space<vmem>> -> memref<128x128xi32, #tpu.memory_space<vmem>>
        tpu.wait_dma2 semaphore(%arg18 : memref<!tpu.dma_semaphore, #tpu.memory_space<semaphore_mem>>) src(%dma_wait3A_299 : memref<128x128xi32, #tpu.memory_space<vmem>>) dst(%dma_wait3A_295 : memref<128x128xi32, #tpu.memory_space<hbm>>)
        %add3A_300 = arith.constant 2 : i32
        %add3A_301 = arith.addi %add3A_124, %add3A_300 : i32
        %dma_start3A_302 = arith.constant 0 : i32
        %dma_start3A_303 = arith.constant 0 : i32
        %dma_start3A_304 = arith.constant 0 : i32
        %dma_start3A_305 = tpu.memref_slice %arg10[%dma_start3A_302, %dma_start3A_303, %dma_start3A_304] : memref<2x128x128xi32, #tpu.memory_space<vmem>> -> memref<1x128x128xi32, #tpu.memory_space<vmem>>
        %dma_start3A_306 = tpu.memref_squeeze %dma_start3A_305 : memref<1x128x128xi32, #tpu.memory_space<vmem>> -> memref<128x128xi32, #tpu.memory_space<vmem>>
        %dma_start3A_307 = arith.constant 0 : i32
        %dma_start3A_308 = tpu.memref_slice %arg8[%add3A_301, %dma_start3A_307] : memref<40x128xi32, #tpu.memory_space<vmem>> -> memref<1x128xi32, #tpu.memory_space<vmem>>
        %dma_start3A_309 = tpu.memref_squeeze %dma_start3A_308 : memref<1x128xi32, #tpu.memory_space<vmem>> -> memref<128xi32, #tpu.memory_space<vmem>>
        %dma_start3A_310 = arith.constant 0 : i32
        %dma_start3A_311 = arith.constant 0 : i32
        %dma_start3A_312 = tpu.memref_slice %arg11[%dma_start3A_310, %dma_start3A_311] : memref<5000x128xi32, #tpu.memory_space<vmem_shared>> -> memref<5000x128xi32, #tpu.memory_space<vmem_shared>>
        tpu.enqueue_indirect_dma source(%dma_start3A_312 : memref<5000x128xi32, #tpu.memory_space<vmem_shared>>) target(%dma_start3A_306 : memref<128x128xi32, #tpu.memory_space<vmem>>) offsets(%dma_start3A_309 : memref<128xi32, #tpu.memory_space<vmem>>) semaphore(%arg14 : memref<!tpu.dma_semaphore, #tpu.memory_space<semaphore_mem>>)
      } else {
      }
      %mul3A_188 = arith.constant 2 : i32
      %mul3A_189 = arith.muli %mul3A_188, %scan3A_120 : i32
      %add3A_190 = arith.constant 1 : i32
      %add3A_191 = arith.addi %mul3A_189, %add3A_190 : i32
      %dma_wait3A_192 = arith.constant 0 : i32
      %dma_wait3A_193 = arith.constant 1 : i32
      %dma_wait3A_194 = arith.constant 0 : i32
      %dma_wait3A_195 = arith.constant 0 : i32
      %dma_wait3A_196 = tpu.memref_slice %arg9[%dma_wait3A_193, %dma_wait3A_194, %dma_wait3A_195] : memref<2x128x128xi32, #tpu.memory_space<vmem>> -> memref<1x128x128xi32, #tpu.memory_space<vmem>>
      %dma_wait3A_197 = tpu.memref_squeeze %dma_wait3A_196 : memref<1x128x128xi32, #tpu.memory_space<vmem>> -> memref<128x128xi32, #tpu.memory_space<vmem>>
      %dma_wait3A_198 = arith.constant 0 : i32
      %dma_wait3A_199 = tpu.memref_slice %arg7[%dma_wait3A_192, %dma_wait3A_198] : memref<40x128xi32, #tpu.memory_space<vmem>> -> memref<1x128xi32, #tpu.memory_space<vmem>>
      %dma_wait3A_200 = tpu.memref_squeeze %dma_wait3A_199 : memref<1x128xi32, #tpu.memory_space<vmem>> -> memref<128xi32, #tpu.memory_space<vmem>>
      %dma_wait3A_201 = arith.constant 0 : i32
      %dma_wait3A_202 = arith.constant 0 : i32
      %dma_wait3A_203 = tpu.memref_slice %arg11[%dma_wait3A_201, %dma_wait3A_202] : memref<5000x128xi32, #tpu.memory_space<vmem_shared>> -> memref<5000x128xi32, #tpu.memory_space<vmem_shared>>
      tpu.wait_indirect_dma semaphore(%arg13 : memref<!tpu.dma_semaphore, #tpu.memory_space<semaphore_mem>>) src(%dma_wait3A_203 : memref<5000x128xi32, #tpu.memory_space<vmem_shared>>) dst(%dma_wait3A_197 : memref<128x128xi32, #tpu.memory_space<vmem>>)
      %mul3A_204 = arith.constant 128 : i32
      %mul3A_205 = arith.muli %add3A_191, %mul3A_204 : i32
      %add3A_206 = arith.addi %mul3A_2, %mul3A_205 : i32
      %dma_start3A_207 = arith.constant 1 : i32
      %dma_start3A_208 = arith.constant 0 : i32
      %dma_start3A_209 = arith.constant 0 : i32
      %dma_start3A_210 = tpu.memref_slice %arg9[%dma_start3A_207, %dma_start3A_208, %dma_start3A_209] : memref<2x128x128xi32, #tpu.memory_space<vmem>> -> memref<1x128x128xi32, #tpu.memory_space<vmem>>
      %dma_start3A_211 = tpu.memref_squeeze %dma_start3A_210 : memref<1x128x128xi32, #tpu.memory_space<vmem>> -> memref<128x128xi32, #tpu.memory_space<vmem>>
      %dma_start3A_212 = arith.constant 0 : i32
      %dma_start3A_213 = tpu.memref_slice %arg5[%add3A_206, %dma_start3A_212] : memref<163840x128xi32, #tpu.memory_space<hbm>> -> memref<128x128xi32, #tpu.memory_space<hbm>>
      %dma_start3A_214 = arith.constant 0 : i32
      %dma_start3A_215 = tpu.memref_slice %arg5[%add3A_206, %dma_start3A_214] : memref<163840x128xi32, #tpu.memory_space<hbm>> -> memref<128x128xi32, #tpu.memory_space<hbm>>
      %dma_start3A_216 = arith.constant 0 : i32
      %dma_start3A_217 = arith.constant 0 : i32
      %dma_start3A_218 = tpu.memref_slice %arg9[%dma_start3A_207, %dma_start3A_216, %dma_start3A_217] : memref<2x128x128xi32, #tpu.memory_space<vmem>> -> memref<1x128x128xi32, #tpu.memory_space<vmem>>
      %dma_start3A_219 = tpu.memref_squeeze %dma_start3A_218 : memref<1x128x128xi32, #tpu.memory_space<vmem>> -> memref<128x128xi32, #tpu.memory_space<vmem>>
      tpu.enqueue_dma source(%dma_start3A_219 : memref<128x128xi32, #tpu.memory_space<vmem>>) target(%dma_start3A_215 : memref<128x128xi32, #tpu.memory_space<hbm>>) target_semaphore(%arg17 : memref<!tpu.dma_semaphore, #tpu.memory_space<semaphore_mem>>)
      %dma_wait3A_220 = arith.constant 0 : i32
      %dma_wait3A_221 = arith.constant 1 : i32
      %dma_wait3A_222 = arith.constant 0 : i32
      %dma_wait3A_223 = arith.constant 0 : i32
      %dma_wait3A_224 = tpu.memref_slice %arg10[%dma_wait3A_221, %dma_wait3A_222, %dma_wait3A_223] : memref<2x128x128xi32, #tpu.memory_space<vmem>> -> memref<1x128x128xi32, #tpu.memory_space<vmem>>
      %dma_wait3A_225 = tpu.memref_squeeze %dma_wait3A_224 : memref<1x128x128xi32, #tpu.memory_space<vmem>> -> memref<128x128xi32, #tpu.memory_space<vmem>>
      %dma_wait3A_226 = arith.constant 0 : i32
      %dma_wait3A_227 = tpu.memref_slice %arg8[%dma_wait3A_220, %dma_wait3A_226] : memref<40x128xi32, #tpu.memory_space<vmem>> -> memref<1x128xi32, #tpu.memory_space<vmem>>
      %dma_wait3A_228 = tpu.memref_squeeze %dma_wait3A_227 : memref<1x128xi32, #tpu.memory_space<vmem>> -> memref<128xi32, #tpu.memory_space<vmem>>
      %dma_wait3A_229 = arith.constant 0 : i32
      %dma_wait3A_230 = arith.constant 0 : i32
      %dma_wait3A_231 = tpu.memref_slice %arg11[%dma_wait3A_229, %dma_wait3A_230] : memref<5000x128xi32, #tpu.memory_space<vmem_shared>> -> memref<5000x128xi32, #tpu.memory_space<vmem_shared>>
      tpu.wait_indirect_dma semaphore(%arg15 : memref<!tpu.dma_semaphore, #tpu.memory_space<semaphore_mem>>) src(%dma_wait3A_231 : memref<5000x128xi32, #tpu.memory_space<vmem_shared>>) dst(%dma_wait3A_225 : memref<128x128xi32, #tpu.memory_space<vmem>>)
      %mul3A_232 = arith.constant 128 : i32
      %mul3A_233 = arith.muli %add3A_191, %mul3A_232 : i32
      %add3A_234 = arith.addi %mul3A_2, %mul3A_233 : i32
      %dma_start3A_235 = arith.constant 1 : i32
      %dma_start3A_236 = arith.constant 0 : i32
      %dma_start3A_237 = arith.constant 0 : i32
      %dma_start3A_238 = tpu.memref_slice %arg10[%dma_start3A_235, %dma_start3A_236, %dma_start3A_237] : memref<2x128x128xi32, #tpu.memory_space<vmem>> -> memref<1x128x128xi32, #tpu.memory_space<vmem>>
      %dma_start3A_239 = tpu.memref_squeeze %dma_start3A_238 : memref<1x128x128xi32, #tpu.memory_space<vmem>> -> memref<128x128xi32, #tpu.memory_space<vmem>>
      %dma_start3A_240 = arith.constant 0 : i32
      %dma_start3A_241 = tpu.memref_slice %arg6[%add3A_234, %dma_start3A_240] : memref<163840x128xi32, #tpu.memory_space<hbm>> -> memref<128x128xi32, #tpu.memory_space<hbm>>
      %dma_start3A_242 = arith.constant 0 : i32
      %dma_start3A_243 = tpu.memref_slice %arg6[%add3A_234, %dma_start3A_242] : memref<163840x128xi32, #tpu.memory_space<hbm>> -> memref<128x128xi32, #tpu.memory_space<hbm>>
      %dma_start3A_244 = arith.constant 0 : i32
      %dma_start3A_245 = arith.constant 0 : i32
      %dma_start3A_246 = tpu.memref_slice %arg10[%dma_start3A_235, %dma_start3A_244, %dma_start3A_245] : memref<2x128x128xi32, #tpu.memory_space<vmem>> -> memref<1x128x128xi32, #tpu.memory_space<vmem>>
      %dma_start3A_247 = tpu.memref_squeeze %dma_start3A_246 : memref<1x128x128xi32, #tpu.memory_space<vmem>> -> memref<128x128xi32, #tpu.memory_space<vmem>>
      tpu.enqueue_dma source(%dma_start3A_247 : memref<128x128xi32, #tpu.memory_space<vmem>>) target(%dma_start3A_243 : memref<128x128xi32, #tpu.memory_space<hbm>>) target_semaphore(%arg19 : memref<!tpu.dma_semaphore, #tpu.memory_space<semaphore_mem>>)
      %add3A_248 = arith.constant 2 : i32
      %add3A_249 = arith.addi %add3A_191, %add3A_248 : i32
      %lt3A_250 = arith.constant 40 : i32
      %lt3A_251 = arith.cmpi slt, %add3A_249, %lt3A_250 : i32
      %convert_element_type3A_252 = arith.extui %lt3A_251 : i1 to i32
      %cond3A_253 = arith.constant 0 : i32
      %cond3A_254 = arith.cmpi ne, %convert_element_type3A_252, %cond3A_253 : i32
      scf.if %cond3A_254 {
        %mul3A_255 = arith.constant 128 : i32
        %mul3A_256 = arith.muli %add3A_191, %mul3A_255 : i32
        %add3A_257 = arith.addi %mul3A_2, %mul3A_256 : i32
        %dma_wait3A_258 = arith.constant 1 : i32
        %dma_wait3A_259 = arith.constant 0 : i32
        %dma_wait3A_260 = arith.constant 0 : i32
        %dma_wait3A_261 = tpu.memref_slice %arg9[%dma_wait3A_258, %dma_wait3A_259, %dma_wait3A_260] : memref<2x128x128xi32, #tpu.memory_space<vmem>> -> memref<1x128x128xi32, #tpu.memory_space<vmem>>
        %dma_wait3A_262 = tpu.memref_squeeze %dma_wait3A_261 : memref<1x128x128xi32, #tpu.memory_space<vmem>> -> memref<128x128xi32, #tpu.memory_space<vmem>>
        %dma_wait3A_263 = arith.constant 0 : i32
        %dma_wait3A_264 = tpu.memref_slice %arg5[%add3A_257, %dma_wait3A_263] : memref<163840x128xi32, #tpu.memory_space<hbm>> -> memref<128x128xi32, #tpu.memory_space<hbm>>
        %dma_wait3A_265 = arith.constant 0 : i32
        %dma_wait3A_266 = tpu.memref_slice %arg5[%add3A_257, %dma_wait3A_265] : memref<163840x128xi32, #tpu.memory_space<hbm>> -> memref<128x128xi32, #tpu.memory_space<hbm>>
        %dma_wait3A_267 = arith.constant 0 : i32
        %dma_wait3A_268 = arith.constant 0 : i32
        %dma_wait3A_269 = tpu.memref_slice %arg9[%dma_wait3A_258, %dma_wait3A_267, %dma_wait3A_268] : memref<2x128x128xi32, #tpu.memory_space<vmem>> -> memref<1x128x128xi32, #tpu.memory_space<vmem>>
        %dma_wait3A_270 = tpu.memref_squeeze %dma_wait3A_269 : memref<1x128x128xi32, #tpu.memory_space<vmem>> -> memref<128x128xi32, #tpu.memory_space<vmem>>
        tpu.wait_dma2 semaphore(%arg17 : memref<!tpu.dma_semaphore, #tpu.memory_space<semaphore_mem>>) src(%dma_wait3A_270 : memref<128x128xi32, #tpu.memory_space<vmem>>) dst(%dma_wait3A_266 : memref<128x128xi32, #tpu.memory_space<hbm>>)
        %add3A_271 = arith.constant 2 : i32
        %add3A_272 = arith.addi %add3A_191, %add3A_271 : i32
        %dma_start3A_273 = arith.constant 1 : i32
        %dma_start3A_274 = arith.constant 0 : i32
        %dma_start3A_275 = arith.constant 0 : i32
        %dma_start3A_276 = tpu.memref_slice %arg9[%dma_start3A_273, %dma_start3A_274, %dma_start3A_275] : memref<2x128x128xi32, #tpu.memory_space<vmem>> -> memref<1x128x128xi32, #tpu.memory_space<vmem>>
        %dma_start3A_277 = tpu.memref_squeeze %dma_start3A_276 : memref<1x128x128xi32, #tpu.memory_space<vmem>> -> memref<128x128xi32, #tpu.memory_space<vmem>>
        %dma_start3A_278 = arith.constant 0 : i32
        %dma_start3A_279 = tpu.memref_slice %arg7[%add3A_272, %dma_start3A_278] : memref<40x128xi32, #tpu.memory_space<vmem>> -> memref<1x128xi32, #tpu.memory_space<vmem>>
        %dma_start3A_280 = tpu.memref_squeeze %dma_start3A_279 : memref<1x128xi32, #tpu.memory_space<vmem>> -> memref<128xi32, #tpu.memory_space<vmem>>
        %dma_start3A_281 = arith.constant 0 : i32
        %dma_start3A_282 = arith.constant 0 : i32
        %dma_start3A_283 = tpu.memref_slice %arg11[%dma_start3A_281, %dma_start3A_282] : memref<5000x128xi32, #tpu.memory_space<vmem_shared>> -> memref<5000x128xi32, #tpu.memory_space<vmem_shared>>
        tpu.enqueue_indirect_dma source(%dma_start3A_283 : memref<5000x128xi32, #tpu.memory_space<vmem_shared>>) target(%dma_start3A_277 : memref<128x128xi32, #tpu.memory_space<vmem>>) offsets(%dma_start3A_280 : memref<128xi32, #tpu.memory_space<vmem>>) semaphore(%arg13 : memref<!tpu.dma_semaphore, #tpu.memory_space<semaphore_mem>>)
        %mul3A_284 = arith.constant 128 : i32
        %mul3A_285 = arith.muli %add3A_191, %mul3A_284 : i32
        %add3A_286 = arith.addi %mul3A_2, %mul3A_285 : i32
        %dma_wait3A_287 = arith.constant 1 : i32
        %dma_wait3A_288 = arith.constant 0 : i32
        %dma_wait3A_289 = arith.constant 0 : i32
        %dma_wait3A_290 = tpu.memref_slice %arg10[%dma_wait3A_287, %dma_wait3A_288, %dma_wait3A_289] : memref<2x128x128xi32, #tpu.memory_space<vmem>> -> memref<1x128x128xi32, #tpu.memory_space<vmem>>
        %dma_wait3A_291 = tpu.memref_squeeze %dma_wait3A_290 : memref<1x128x128xi32, #tpu.memory_space<vmem>> -> memref<128x128xi32, #tpu.memory_space<vmem>>
        %dma_wait3A_292 = arith.constant 0 : i32
        %dma_wait3A_293 = tpu.memref_slice %arg6[%add3A_286, %dma_wait3A_292] : memref<163840x128xi32, #tpu.memory_space<hbm>> -> memref<128x128xi32, #tpu.memory_space<hbm>>
        %dma_wait3A_294 = arith.constant 0 : i32
        %dma_wait3A_295 = tpu.memref_slice %arg6[%add3A_286, %dma_wait3A_294] : memref<163840x128xi32, #tpu.memory_space<hbm>> -> memref<128x128xi32, #tpu.memory_space<hbm>>
        %dma_wait3A_296 = arith.constant 0 : i32
        %dma_wait3A_297 = arith.constant 0 : i32
        %dma_wait3A_298 = tpu.memref_slice %arg10[%dma_wait3A_287, %dma_wait3A_296, %dma_wait3A_297] : memref<2x128x128xi32, #tpu.memory_space<vmem>> -> memref<1x128x128xi32, #tpu.memory_space<vmem>>
        %dma_wait3A_299 = tpu.memref_squeeze %dma_wait3A_298 : memref<1x128x128xi32, #tpu.memory_space<vmem>> -> memref<128x128xi32, #tpu.memory_space<vmem>>
        tpu.wait_dma2 semaphore(%arg19 : memref<!tpu.dma_semaphore, #tpu.memory_space<semaphore_mem>>) src(%dma_wait3A_299 : memref<128x128xi32, #tpu.memory_space<vmem>>) dst(%dma_wait3A_295 : memref<128x128xi32, #tpu.memory_space<hbm>>)
        %add3A_300 = arith.constant 2 : i32
        %add3A_301 = arith.addi %add3A_191, %add3A_300 : i32
        %dma_start3A_302 = arith.constant 1 : i32
        %dma_start3A_303 = arith.constant 0 : i32
        %dma_start3A_304 = arith.constant 0 : i32
        %dma_start3A_305 = tpu.memref_slice %arg10[%dma_start3A_302, %dma_start3A_303, %dma_start3A_304] : memref<2x128x128xi32, #tpu.memory_space<vmem>> -> memref<1x128x128xi32, #tpu.memory_space<vmem>>
        %dma_start3A_306 = tpu.memref_squeeze %dma_start3A_305 : memref<1x128x128xi32, #tpu.memory_space<vmem>> -> memref<128x128xi32, #tpu.memory_space<vmem>>
        %dma_start3A_307 = arith.constant 0 : i32
        %dma_start3A_308 = tpu.memref_slice %arg8[%add3A_301, %dma_start3A_307] : memref<40x128xi32, #tpu.memory_space<vmem>> -> memref<1x128xi32, #tpu.memory_space<vmem>>
        %dma_start3A_309 = tpu.memref_squeeze %dma_start3A_308 : memref<1x128xi32, #tpu.memory_space<vmem>> -> memref<128xi32, #tpu.memory_space<vmem>>
        %dma_start3A_310 = arith.constant 0 : i32
        %dma_start3A_311 = arith.constant 0 : i32
        %dma_start3A_312 = tpu.memref_slice %arg11[%dma_start3A_310, %dma_start3A_311] : memref<5000x128xi32, #tpu.memory_space<vmem_shared>> -> memref<5000x128xi32, #tpu.memory_space<vmem_shared>>
        tpu.enqueue_indirect_dma source(%dma_start3A_312 : memref<5000x128xi32, #tpu.memory_space<vmem_shared>>) target(%dma_start3A_306 : memref<128x128xi32, #tpu.memory_space<vmem>>) offsets(%dma_start3A_309 : memref<128xi32, #tpu.memory_space<vmem>>) semaphore(%arg15 : memref<!tpu.dma_semaphore, #tpu.memory_space<semaphore_mem>>)
      } else {
      }
    }
    %scan3A_60 = arith.constant 20 : i32
    %add3A_61 = arith.constant 0 : i32
    %add3A_62 = arith.addi %mul3A_2, %add3A_61 : i32
    %dma_wait3A = arith.constant 0 : i32
    %dma_wait3A_63 = arith.constant 0 : i32
    %dma_wait3A_64 = arith.constant 0 : i32
    %dma_wait3A_65 = tpu.memref_slice %arg9[%dma_wait3A, %dma_wait3A_63, %dma_wait3A_64] : memref<2x128x128xi32, #tpu.memory_space<vmem>> -> memref<1x128x128xi32, #tpu.memory_space<vmem>>
    %dma_wait3A_66 = tpu.memref_squeeze %dma_wait3A_65 : memref<1x128x128xi32, #tpu.memory_space<vmem>> -> memref<128x128xi32, #tpu.memory_space<vmem>>
    %dma_wait3A_67 = arith.constant 0 : i32
    %dma_wait3A_68 = tpu.memref_slice %arg5[%add3A_62, %dma_wait3A_67] : memref<163840x128xi32, #tpu.memory_space<hbm>> -> memref<128x128xi32, #tpu.memory_space<hbm>>
    %dma_wait3A_69 = arith.constant 0 : i32
    %dma_wait3A_70 = tpu.memref_slice %arg5[%add3A_62, %dma_wait3A_69] : memref<163840x128xi32, #tpu.memory_space<hbm>> -> memref<128x128xi32, #tpu.memory_space<hbm>>
    %dma_wait3A_71 = arith.constant 0 : i32
    %dma_wait3A_72 = arith.constant 0 : i32
    %dma_wait3A_73 = tpu.memref_slice %arg9[%dma_wait3A, %dma_wait3A_71, %dma_wait3A_72] : memref<2x128x128xi32, #tpu.memory_space<vmem>> -> memref<1x128x128xi32, #tpu.memory_space<vmem>>
    %dma_wait3A_74 = tpu.memref_squeeze %dma_wait3A_73 : memref<1x128x128xi32, #tpu.memory_space<vmem>> -> memref<128x128xi32, #tpu.memory_space<vmem>>
    tpu.wait_dma2 semaphore(%arg16 : memref<!tpu.dma_semaphore, #tpu.memory_space<semaphore_mem>>) src(%dma_wait3A_74 : memref<128x128xi32, #tpu.memory_space<vmem>>) dst(%dma_wait3A_70 : memref<128x128xi32, #tpu.memory_space<hbm>>)
    %add3A_75 = arith.constant 0 : i32
    %add3A_76 = arith.addi %mul3A_2, %add3A_75 : i32
    %dma_wait3A_77 = arith.constant 0 : i32
    %dma_wait3A_78 = arith.constant 0 : i32
    %dma_wait3A_79 = arith.constant 0 : i32
    %dma_wait3A_80 = tpu.memref_slice %arg10[%dma_wait3A_77, %dma_wait3A_78, %dma_wait3A_79] : memref<2x128x128xi32, #tpu.memory_space<vmem>> -> memref<1x128x128xi32, #tpu.memory_space<vmem>>
    %dma_wait3A_81 = tpu.memref_squeeze %dma_wait3A_80 : memref<1x128x128xi32, #tpu.memory_space<vmem>> -> memref<128x128xi32, #tpu.memory_space<vmem>>
    %dma_wait3A_82 = arith.constant 0 : i32
    %dma_wait3A_83 = tpu.memref_slice %arg6[%add3A_76, %dma_wait3A_82] : memref<163840x128xi32, #tpu.memory_space<hbm>> -> memref<128x128xi32, #tpu.memory_space<hbm>>
    %dma_wait3A_84 = arith.constant 0 : i32
    %dma_wait3A_85 = tpu.memref_slice %arg6[%add3A_76, %dma_wait3A_84] : memref<163840x128xi32, #tpu.memory_space<hbm>> -> memref<128x128xi32, #tpu.memory_space<hbm>>
    %dma_wait3A_86 = arith.constant 0 : i32
    %dma_wait3A_87 = arith.constant 0 : i32
    %dma_wait3A_88 = tpu.memref_slice %arg10[%dma_wait3A_77, %dma_wait3A_86, %dma_wait3A_87] : memref<2x128x128xi32, #tpu.memory_space<vmem>> -> memref<1x128x128xi32, #tpu.memory_space<vmem>>
    %dma_wait3A_89 = tpu.memref_squeeze %dma_wait3A_88 : memref<1x128x128xi32, #tpu.memory_space<vmem>> -> memref<128x128xi32, #tpu.memory_space<vmem>>
    tpu.wait_dma2 semaphore(%arg18 : memref<!tpu.dma_semaphore, #tpu.memory_space<semaphore_mem>>) src(%dma_wait3A_89 : memref<128x128xi32, #tpu.memory_space<vmem>>) dst(%dma_wait3A_85 : memref<128x128xi32, #tpu.memory_space<hbm>>)
    %add3A_90 = arith.constant 0 : i32
    %add3A_91 = arith.addi %mul3A_2, %add3A_90 : i32
    %dma_wait3A_92 = arith.constant 1 : i32
    %dma_wait3A_93 = arith.constant 0 : i32
    %dma_wait3A_94 = arith.constant 0 : i32
    %dma_wait3A_95 = tpu.memref_slice %arg9[%dma_wait3A_92, %dma_wait3A_93, %dma_wait3A_94] : memref<2x128x128xi32, #tpu.memory_space<vmem>> -> memref<1x128x128xi32, #tpu.memory_space<vmem>>
    %dma_wait3A_96 = tpu.memref_squeeze %dma_wait3A_95 : memref<1x128x128xi32, #tpu.memory_space<vmem>> -> memref<128x128xi32, #tpu.memory_space<vmem>>
    %dma_wait3A_97 = arith.constant 0 : i32
    %dma_wait3A_98 = tpu.memref_slice %arg5[%add3A_91, %dma_wait3A_97] : memref<163840x128xi32, #tpu.memory_space<hbm>> -> memref<128x128xi32, #tpu.memory_space<hbm>>
    %dma_wait3A_99 = arith.constant 0 : i32
    %dma_wait3A_100 = tpu.memref_slice %arg5[%add3A_91, %dma_wait3A_99] : memref<163840x128xi32, #tpu.memory_space<hbm>> -> memref<128x128xi32, #tpu.memory_space<hbm>>
    %dma_wait3A_101 = arith.constant 0 : i32
    %dma_wait3A_102 = arith.constant 0 : i32
    %dma_wait3A_103 = tpu.memref_slice %arg9[%dma_wait3A_92, %dma_wait3A_101, %dma_wait3A_102] : memref<2x128x128xi32, #tpu.memory_space<vmem>> -> memref<1x128x128xi32, #tpu.memory_space<vmem>>
    %dma_wait3A_104 = tpu.memref_squeeze %dma_wait3A_103 : memref<1x128x128xi32, #tpu.memory_space<vmem>> -> memref<128x128xi32, #tpu.memory_space<vmem>>
    tpu.wait_dma2 semaphore(%arg17 : memref<!tpu.dma_semaphore, #tpu.memory_space<semaphore_mem>>) src(%dma_wait3A_104 : memref<128x128xi32, #tpu.memory_space<vmem>>) dst(%dma_wait3A_100 : memref<128x128xi32, #tpu.memory_space<hbm>>)
    %add3A_105 = arith.constant 0 : i32
    %add3A_106 = arith.addi %mul3A_2, %add3A_105 : i32
    %dma_wait3A_107 = arith.constant 1 : i32
    %dma_wait3A_108 = arith.constant 0 : i32
    %dma_wait3A_109 = arith.constant 0 : i32
    %dma_wait3A_110 = tpu.memref_slice %arg10[%dma_wait3A_107, %dma_wait3A_108, %dma_wait3A_109] : memref<2x128x128xi32, #tpu.memory_space<vmem>> -> memref<1x128x128xi32, #tpu.memory_space<vmem>>
    %dma_wait3A_111 = tpu.memref_squeeze %dma_wait3A_110 : memref<1x128x128xi32, #tpu.memory_space<vmem>> -> memref<128x128xi32, #tpu.memory_space<vmem>>
    %dma_wait3A_112 = arith.constant 0 : i32
    %dma_wait3A_113 = tpu.memref_slice %arg6[%add3A_106, %dma_wait3A_112] : memref<163840x128xi32, #tpu.memory_space<hbm>> -> memref<128x128xi32, #tpu.memory_space<hbm>>
    %dma_wait3A_114 = arith.constant 0 : i32
    %dma_wait3A_115 = tpu.memref_slice %arg6[%add3A_106, %dma_wait3A_114] : memref<163840x128xi32, #tpu.memory_space<hbm>> -> memref<128x128xi32, #tpu.memory_space<hbm>>
    %dma_wait3A_116 = arith.constant 0 : i32
    %dma_wait3A_117 = arith.constant 0 : i32
    %dma_wait3A_118 = tpu.memref_slice %arg10[%dma_wait3A_107, %dma_wait3A_116, %dma_wait3A_117] : memref<2x128x128xi32, #tpu.memory_space<vmem>> -> memref<1x128x128xi32, #tpu.memory_space<vmem>>
    %dma_wait3A_119 = tpu.memref_squeeze %dma_wait3A_118 : memref<1x128x128xi32, #tpu.memory_space<vmem>> -> memref<128x128xi32, #tpu.memory_space<vmem>>
    tpu.wait_dma2 semaphore(%arg19 : memref<!tpu.dma_semaphore, #tpu.memory_space<semaphore_mem>>) src(%dma_wait3A_119 : memref<128x128xi32, #tpu.memory_space<vmem>>) dst(%dma_wait3A_115 : memref<128x128xi32, #tpu.memory_space<hbm>>)
    return
  }
}

#map = affine_map<(d0, d1) -> (0, 0, 0)>
#map1 = affine_map<(d0, d1) -> (0, 0)>
module attributes {stable_mosaic.version = 14 : i64} {
  func.func @_sc_scatter_body(%arg0: i32, %arg1: i32, %arg2: memref<2x163840x128xf32, #tpu.memory_space<hbm>>, %arg3: memref<16x80x128xi32, #tpu.memory_space<hbm>>, %arg4: memref<10112x128xf32, #tpu.memory_space<hbm>>, %arg5: memref<2x10000x128xf32, #tpu.memory_space<hbm>>, %arg6: memref<80x128xi32, #tpu.memory_space<vmem>>, %arg7: memref<128x128xf32, #tpu.memory_space<vmem>>, %arg8: memref<10112x128xf32, #tpu.memory_space<vmem_shared>>, %arg9: memref<!tpu.dma_semaphore, #tpu.memory_space<semaphore_mem>>) attributes {dimension_semantics = [#tpu.dimension_semantics<core_parallel>, #tpu.dimension_semantics<subcore_parallel>], iteration_bounds = array<i64: 2, 16>, scalar_prefetch = 0 : i64, scratch_operands = 4 : i64, tpu.core_type = #tpu.core_type<sc_vector_subcore>, window_params = [{transform_indices = #map}, {transform_indices = #map}, {transform_indices = #map1}, {transform_indices = #map}]} {
    %mul3A = arith.constant 632 : i32
    %mul3A_0 = arith.muli %arg1, %mul3A : i32
    %mul3A_1 = arith.constant 632 : i32
    %mul3A_2 = arith.muli %arg1, %mul3A_1 : i32
    "tpu.region"() ({
      %run_scoped3A = tpu.sem_alloc : memref<!tpu.dma_semaphore, #tpu.memory_space<semaphore_mem>>
      %dma_start3A = arith.constant 0 : i32
      %dma_start3A_17 = tpu.memref_slice %arg8[%mul3A_2, %dma_start3A] : memref<10112x128xf32, #tpu.memory_space<vmem_shared>> -> memref<632x128xf32, #tpu.memory_space<vmem_shared>>
      %dma_start3A_18 = arith.constant 0 : i32
      %dma_start3A_19 = tpu.memref_slice %arg4[%mul3A_0, %dma_start3A_18] : memref<10112x128xf32, #tpu.memory_space<hbm>> -> memref<632x128xf32, #tpu.memory_space<hbm>>
      tpu.enqueue_dma source(%dma_start3A_19 : memref<632x128xf32, #tpu.memory_space<hbm>>) target(%dma_start3A_17 : memref<632x128xf32, #tpu.memory_space<vmem_shared>>) target_semaphore(%run_scoped3A : memref<!tpu.dma_semaphore, #tpu.memory_space<semaphore_mem>>)
      %dma_wait3A = arith.constant 0 : i32
      %dma_wait3A_20 = tpu.memref_slice %arg8[%mul3A_2, %dma_wait3A] : memref<10112x128xf32, #tpu.memory_space<vmem_shared>> -> memref<632x128xf32, #tpu.memory_space<vmem_shared>>
      %dma_wait3A_21 = arith.constant 0 : i32
      %dma_wait3A_22 = tpu.memref_slice %arg4[%mul3A_0, %dma_wait3A_21] : memref<10112x128xf32, #tpu.memory_space<hbm>> -> memref<632x128xf32, #tpu.memory_space<hbm>>
      tpu.wait_dma2 semaphore(%run_scoped3A : memref<!tpu.dma_semaphore, #tpu.memory_space<semaphore_mem>>) src(%dma_wait3A_22 : memref<632x128xf32, #tpu.memory_space<hbm>>) dst(%dma_wait3A_20 : memref<632x128xf32, #tpu.memory_space<vmem_shared>>)
      tpu.yield
    }) : () -> ()
    "tpu.region"() ({
      %run_scoped3A = tpu.sem_alloc : memref<!tpu.dma_semaphore, #tpu.memory_space<semaphore_mem>>
      %dma_start3A = arith.constant 0 : i32
      %dma_start3A_17 = arith.constant 0 : i32
      %dma_start3A_18 = tpu.memref_slice %arg3[%arg1, %dma_start3A, %dma_start3A_17] : memref<16x80x128xi32, #tpu.memory_space<hbm>> -> memref<1x80x128xi32, #tpu.memory_space<hbm>>
      %dma_start3A_19 = tpu.memref_squeeze %dma_start3A_18 : memref<1x80x128xi32, #tpu.memory_space<hbm>> -> memref<80x128xi32, #tpu.memory_space<hbm>>
      %dma_start3A_20 = arith.constant 0 : i32
      %dma_start3A_21 = arith.constant 0 : i32
      %dma_start3A_22 = tpu.memref_slice %arg3[%arg1, %dma_start3A_20, %dma_start3A_21] : memref<16x80x128xi32, #tpu.memory_space<hbm>> -> memref<1x80x128xi32, #tpu.memory_space<hbm>>
      %dma_start3A_23 = tpu.memref_squeeze %dma_start3A_22 : memref<1x80x128xi32, #tpu.memory_space<hbm>> -> memref<80x128xi32, #tpu.memory_space<hbm>>
      tpu.enqueue_dma source(%dma_start3A_23 : memref<80x128xi32, #tpu.memory_space<hbm>>) target(%arg6 : memref<80x128xi32, #tpu.memory_space<vmem>>) target_semaphore(%run_scoped3A : memref<!tpu.dma_semaphore, #tpu.memory_space<semaphore_mem>>)
      %dma_wait3A = arith.constant 0 : i32
      %dma_wait3A_24 = arith.constant 0 : i32
      %dma_wait3A_25 = tpu.memref_slice %arg3[%arg1, %dma_wait3A, %dma_wait3A_24] : memref<16x80x128xi32, #tpu.memory_space<hbm>> -> memref<1x80x128xi32, #tpu.memory_space<hbm>>
      %dma_wait3A_26 = tpu.memref_squeeze %dma_wait3A_25 : memref<1x80x128xi32, #tpu.memory_space<hbm>> -> memref<80x128xi32, #tpu.memory_space<hbm>>
      %dma_wait3A_27 = arith.constant 0 : i32
      %dma_wait3A_28 = arith.constant 0 : i32
      %dma_wait3A_29 = tpu.memref_slice %arg3[%arg1, %dma_wait3A_27, %dma_wait3A_28] : memref<16x80x128xi32, #tpu.memory_space<hbm>> -> memref<1x80x128xi32, #tpu.memory_space<hbm>>
      %dma_wait3A_30 = tpu.memref_squeeze %dma_wait3A_29 : memref<1x80x128xi32, #tpu.memory_space<hbm>> -> memref<80x128xi32, #tpu.memory_space<hbm>>
      tpu.wait_dma2 semaphore(%run_scoped3A : memref<!tpu.dma_semaphore, #tpu.memory_space<semaphore_mem>>) src(%dma_wait3A_30 : memref<80x128xi32, #tpu.memory_space<hbm>>) dst(%arg6 : memref<80x128xi32, #tpu.memory_space<vmem>>)
      tpu.yield
    }) : () -> ()
    %barrier3A = arith.constant 0 : index
    tpu.barrier barrier_id(%barrier3A)
    %mul3A_3 = arith.constant 10240 : i32
    %mul3A_4 = arith.muli %arg1, %mul3A_3 : i32
    %scan3A = arith.constant 0 : i32
    %scan3A_5 = arith.constant 0 : i32
    %scan3A_6 = arith.constant 80 : i32
    %scan3A_7 = arith.addi %scan3A_5, %scan3A_6 : i32
    %scan3A_8 = arith.constant 1 : i32
    scf.for %scan3A_17 = %scan3A_5 to %scan3A_7 step %scan3A_8  : i32 {
      %mul3A_18 = arith.constant 128 : i32
      %mul3A_19 = arith.muli %scan3A_17, %mul3A_18 : i32
      %add3A = arith.addi %mul3A_4, %mul3A_19 : i32
      "tpu.region"() ({
        %run_scoped3A = tpu.sem_alloc : memref<!tpu.dma_semaphore, #tpu.memory_space<semaphore_mem>>
        %dma_start3A = arith.constant 0 : i32
        %dma_start3A_20 = tpu.memref_slice %arg2[%arg0, %add3A, %dma_start3A] : memref<2x163840x128xf32, #tpu.memory_space<hbm>> -> memref<1x128x128xf32, #tpu.memory_space<hbm>>
        %dma_start3A_21 = tpu.memref_squeeze %dma_start3A_20 : memref<1x128x128xf32, #tpu.memory_space<hbm>> -> memref<128x128xf32, #tpu.memory_space<hbm>>
        %dma_start3A_22 = arith.constant 0 : i32
        %dma_start3A_23 = tpu.memref_slice %arg2[%arg0, %add3A, %dma_start3A_22] : memref<2x163840x128xf32, #tpu.memory_space<hbm>> -> memref<1x128x128xf32, #tpu.memory_space<hbm>>
        %dma_start3A_24 = tpu.memref_squeeze %dma_start3A_23 : memref<1x128x128xf32, #tpu.memory_space<hbm>> -> memref<128x128xf32, #tpu.memory_space<hbm>>
        tpu.enqueue_dma source(%dma_start3A_24 : memref<128x128xf32, #tpu.memory_space<hbm>>) target(%arg7 : memref<128x128xf32, #tpu.memory_space<vmem>>) target_semaphore(%run_scoped3A : memref<!tpu.dma_semaphore, #tpu.memory_space<semaphore_mem>>)
        %dma_wait3A = arith.constant 0 : i32
        %dma_wait3A_25 = tpu.memref_slice %arg2[%arg0, %add3A, %dma_wait3A] : memref<2x163840x128xf32, #tpu.memory_space<hbm>> -> memref<1x128x128xf32, #tpu.memory_space<hbm>>
        %dma_wait3A_26 = tpu.memref_squeeze %dma_wait3A_25 : memref<1x128x128xf32, #tpu.memory_space<hbm>> -> memref<128x128xf32, #tpu.memory_space<hbm>>
        %dma_wait3A_27 = arith.constant 0 : i32
        %dma_wait3A_28 = tpu.memref_slice %arg2[%arg0, %add3A, %dma_wait3A_27] : memref<2x163840x128xf32, #tpu.memory_space<hbm>> -> memref<1x128x128xf32, #tpu.memory_space<hbm>>
        %dma_wait3A_29 = tpu.memref_squeeze %dma_wait3A_28 : memref<1x128x128xf32, #tpu.memory_space<hbm>> -> memref<128x128xf32, #tpu.memory_space<hbm>>
        tpu.wait_dma2 semaphore(%run_scoped3A : memref<!tpu.dma_semaphore, #tpu.memory_space<semaphore_mem>>) src(%dma_wait3A_29 : memref<128x128xf32, #tpu.memory_space<hbm>>) dst(%arg7 : memref<128x128xf32, #tpu.memory_space<vmem>>)
        tpu.yield
      }) : () -> ()
      "tpu.region"() ({
        %run_scoped3A = tpu.sem_alloc : memref<!tpu.dma_semaphore, #tpu.memory_space<semaphore_mem>>
        %dma_start3A = arith.constant 0 : i32
        %dma_start3A_20 = tpu.memref_slice %arg6[%scan3A_17, %dma_start3A] : memref<80x128xi32, #tpu.memory_space<vmem>> -> memref<1x128xi32, #tpu.memory_space<vmem>>
        %dma_start3A_21 = tpu.memref_squeeze %dma_start3A_20 : memref<1x128xi32, #tpu.memory_space<vmem>> -> memref<128xi32, #tpu.memory_space<vmem>>
        %dma_start3A_22 = arith.constant 0 : i32
        %dma_start3A_23 = arith.constant 0 : i32
        %dma_start3A_24 = tpu.memref_slice %arg8[%dma_start3A_22, %dma_start3A_23] : memref<10112x128xf32, #tpu.memory_space<vmem_shared>> -> memref<10112x128xf32, #tpu.memory_space<vmem_shared>>
        tpu.enqueue_indirect_dma source(%arg7 : memref<128x128xf32, #tpu.memory_space<vmem>>) target(%dma_start3A_24 : memref<10112x128xf32, #tpu.memory_space<vmem_shared>>) offsets(%dma_start3A_21 : memref<128xi32, #tpu.memory_space<vmem>>) semaphore(%run_scoped3A : memref<!tpu.dma_semaphore, #tpu.memory_space<semaphore_mem>>) {add = true}
        %dma_wait3A = arith.constant 0 : i32
        %dma_wait3A_25 = tpu.memref_slice %arg6[%scan3A_17, %dma_wait3A] : memref<80x128xi32, #tpu.memory_space<vmem>> -> memref<1x128xi32, #tpu.memory_space<vmem>>
        %dma_wait3A_26 = tpu.memref_squeeze %dma_wait3A_25 : memref<1x128xi32, #tpu.memory_space<vmem>> -> memref<128xi32, #tpu.memory_space<vmem>>
        %dma_wait3A_27 = arith.constant 0 : i32
        %dma_wait3A_28 = arith.constant 0 : i32
        %dma_wait3A_29 = tpu.memref_slice %arg8[%dma_wait3A_27, %dma_wait3A_28] : memref<10112x128xf32, #tpu.memory_space<vmem_shared>> -> memref<10112x128xf32, #tpu.memory_space<vmem_shared>>
        tpu.wait_indirect_dma semaphore(%run_scoped3A : memref<!tpu.dma_semaphore, #tpu.memory_space<semaphore_mem>>) src(%arg7 : memref<128x128xf32, #tpu.memory_space<vmem>>) dst(%dma_wait3A_29 : memref<10112x128xf32, #tpu.memory_space<vmem_shared>>)
        tpu.yield
      }) : () -> ()
    }
    %scan3A_9 = arith.constant 80 : i32
    %barrier3A_10 = arith.constant 0 : index
    tpu.barrier barrier_id(%barrier3A_10)
    %lt3A = arith.constant 15 : i32
    %lt3A_11 = arith.cmpi slt, %arg1, %lt3A : i32
    %convert_element_type3A = arith.extui %lt3A_11 : i1 to i32
    %cond3A = arith.constant 0 : i32
    %cond3A_12 = arith.cmpi ne, %convert_element_type3A, %cond3A : i32
    scf.if %cond3A_12 {
      %mul3A_17 = arith.constant 632 : i32
      %mul3A_18 = arith.muli %arg1, %mul3A_17 : i32
      %mul3A_19 = arith.constant 632 : i32
      %mul3A_20 = arith.muli %arg1, %mul3A_19 : i32
      "tpu.region"() ({
        %run_scoped3A = tpu.sem_alloc : memref<!tpu.dma_semaphore, #tpu.memory_space<semaphore_mem>>
        %dma_start3A = arith.constant 0 : i32
        %dma_start3A_21 = tpu.memref_slice %arg5[%arg0, %mul3A_20, %dma_start3A] : memref<2x10000x128xf32, #tpu.memory_space<hbm>> -> memref<1x632x128xf32, #tpu.memory_space<hbm>>
        %dma_start3A_22 = tpu.memref_squeeze %dma_start3A_21 : memref<1x632x128xf32, #tpu.memory_space<hbm>> -> memref<632x128xf32, #tpu.memory_space<hbm>>
        %dma_start3A_23 = arith.constant 0 : i32
        %dma_start3A_24 = tpu.memref_slice %arg8[%mul3A_18, %dma_start3A_23] : memref<10112x128xf32, #tpu.memory_space<vmem_shared>> -> memref<632x128xf32, #tpu.memory_space<vmem_shared>>
        tpu.enqueue_dma source(%dma_start3A_24 : memref<632x128xf32, #tpu.memory_space<vmem_shared>>) target(%dma_start3A_22 : memref<632x128xf32, #tpu.memory_space<hbm>>) target_semaphore(%run_scoped3A : memref<!tpu.dma_semaphore, #tpu.memory_space<semaphore_mem>>)
        %dma_wait3A = arith.constant 0 : i32
        %dma_wait3A_25 = tpu.memref_slice %arg5[%arg0, %mul3A_20, %dma_wait3A] : memref<2x10000x128xf32, #tpu.memory_space<hbm>> -> memref<1x632x128xf32, #tpu.memory_space<hbm>>
        %dma_wait3A_26 = tpu.memref_squeeze %dma_wait3A_25 : memref<1x632x128xf32, #tpu.memory_space<hbm>> -> memref<632x128xf32, #tpu.memory_space<hbm>>
        %dma_wait3A_27 = arith.constant 0 : i32
        %dma_wait3A_28 = tpu.memref_slice %arg8[%mul3A_18, %dma_wait3A_27] : memref<10112x128xf32, #tpu.memory_space<vmem_shared>> -> memref<632x128xf32, #tpu.memory_space<vmem_shared>>
        tpu.wait_dma2 semaphore(%run_scoped3A : memref<!tpu.dma_semaphore, #tpu.memory_space<semaphore_mem>>) src(%dma_wait3A_28 : memref<632x128xf32, #tpu.memory_space<vmem_shared>>) dst(%dma_wait3A_26 : memref<632x128xf32, #tpu.memory_space<hbm>>)
        tpu.yield
      }) : () -> ()
    } else {
    }
    %eq3A = arith.constant 15 : i32
    %eq3A_13 = arith.cmpi eq, %arg1, %eq3A : i32
    %convert_element_type3A_14 = arith.extui %eq3A_13 : i1 to i32
    %cond3A_15 = arith.constant 0 : i32
    %cond3A_16 = arith.cmpi ne, %convert_element_type3A_14, %cond3A_15 : i32
    scf.if %cond3A_16 {
      "tpu.region"() ({
        %run_scoped3A = tpu.sem_alloc : memref<!tpu.dma_semaphore, #tpu.memory_space<semaphore_mem>>
        %dma_start3A = arith.constant 9480 : i32
        %dma_start3A_17 = arith.constant 0 : i32
        %dma_start3A_18 = tpu.memref_slice %arg5[%arg0, %dma_start3A, %dma_start3A_17] : memref<2x10000x128xf32, #tpu.memory_space<hbm>> -> memref<1x520x128xf32, #tpu.memory_space<hbm>>
        %dma_start3A_19 = tpu.memref_squeeze %dma_start3A_18 : memref<1x520x128xf32, #tpu.memory_space<hbm>> -> memref<520x128xf32, #tpu.memory_space<hbm>>
        %dma_start3A_20 = arith.constant 9480 : i32
        %dma_start3A_21 = arith.constant 0 : i32
        %dma_start3A_22 = tpu.memref_slice %arg8[%dma_start3A_20, %dma_start3A_21] : memref<10112x128xf32, #tpu.memory_space<vmem_shared>> -> memref<520x128xf32, #tpu.memory_space<vmem_shared>>
        tpu.enqueue_dma source(%dma_start3A_22 : memref<520x128xf32, #tpu.memory_space<vmem_shared>>) target(%dma_start3A_19 : memref<520x128xf32, #tpu.memory_space<hbm>>) target_semaphore(%run_scoped3A : memref<!tpu.dma_semaphore, #tpu.memory_space<semaphore_mem>>)
        %dma_wait3A = arith.constant 9480 : i32
        %dma_wait3A_23 = arith.constant 0 : i32
        %dma_wait3A_24 = tpu.memref_slice %arg5[%arg0, %dma_wait3A, %dma_wait3A_23] : memref<2x10000x128xf32, #tpu.memory_space<hbm>> -> memref<1x520x128xf32, #tpu.memory_space<hbm>>
        %dma_wait3A_25 = tpu.memref_squeeze %dma_wait3A_24 : memref<1x520x128xf32, #tpu.memory_space<hbm>> -> memref<520x128xf32, #tpu.memory_space<hbm>>
        %dma_wait3A_26 = arith.constant 9480 : i32
        %dma_wait3A_27 = arith.constant 0 : i32
        %dma_wait3A_28 = tpu.memref_slice %arg8[%dma_wait3A_26, %dma_wait3A_27] : memref<10112x128xf32, #tpu.memory_space<vmem_shared>> -> memref<520x128xf32, #tpu.memory_space<vmem_shared>>
        tpu.wait_dma2 semaphore(%run_scoped3A : memref<!tpu.dma_semaphore, #tpu.memory_space<semaphore_mem>>) src(%dma_wait3A_28 : memref<520x128xf32, #tpu.memory_space<vmem_shared>>) dst(%dma_wait3A_25 : memref<520x128xf32, #tpu.memory_space<hbm>>)
        tpu.yield
      }) : () -> ()
    } else {
    }
    return
  }
}

module attributes {stable_mosaic.version = 14 : i64} {
  func.func @_edge_mlp_body(%arg0: i32, %arg1: memref<2048x128xi32, #tpu.memory_space<vmem>>, %arg2: memref<2048x128xi32, #tpu.memory_space<vmem>>, %arg3: memref<2048x1xf32, #tpu.memory_space<vmem>>, %arg4: memref<128x512xf32, #tpu.memory_space<vmem>>, %arg5: memref<128x512xf32, #tpu.memory_space<vmem>>, %arg6: memref<1x512xf32, #tpu.memory_space<vmem>>, %arg7: memref<256x256xf32, #tpu.memory_space<vmem>>, %arg8: memref<256x256xf32, #tpu.memory_space<vmem>>, %arg9: memref<1x256xf32, #tpu.memory_space<vmem>>, %arg10: memref<1x256xf32, #tpu.memory_space<vmem>>, %arg11: memref<2x2048x128xf32, #tpu.memory_space<vmem>>) attributes {dimension_semantics = [#tpu.dimension_semantics<arbitrary>], iteration_bounds = array<i64: 80>, scalar_prefetch = 0 : i64, scratch_operands = 0 : i64, tpu.core_type = #tpu.core_type<tc>, window_params = [{transform_indices = @transform_0, window_bounds = array<i64: 2048, 128>}, {transform_indices = @transform_1, window_bounds = array<i64: 2048, 128>}, {transform_indices = @transform_2, window_bounds = array<i64: 2048, 1>}, {pipeline_mode = #tpu.pipeline_mode<synchronous>, transform_indices = @transform_3, window_bounds = array<i64: 128, 512>}, {pipeline_mode = #tpu.pipeline_mode<synchronous>, transform_indices = @transform_4, window_bounds = array<i64: 128, 512>}, {pipeline_mode = #tpu.pipeline_mode<synchronous>, transform_indices = @transform_5, window_bounds = array<i64: 1, 512>}, {pipeline_mode = #tpu.pipeline_mode<synchronous>, transform_indices = @transform_6, window_bounds = array<i64: 256, 256>}, {pipeline_mode = #tpu.pipeline_mode<synchronous>, transform_indices = @transform_7, window_bounds = array<i64: 256, 256>}, {pipeline_mode = #tpu.pipeline_mode<synchronous>, transform_indices = @transform_8, window_bounds = array<i64: 1, 256>}, {pipeline_mode = #tpu.pipeline_mode<synchronous>, transform_indices = @transform_9, window_bounds = array<i64: 1, 256>}, {transform_indices = @transform_10, window_bounds = array<i64: 2, 2048, 128>}]} {
    %get3A = arith.constant 0 : index
    %get3A_0 = arith.constant 0 : index
    %get3A_1 = vector.load %arg3[%get3A, %get3A_0] : memref<2048x1xf32, #tpu.memory_space<vmem>>, vector<2048x1xf32>
    %bitcast_convert_type3A = tpu.bitcast %get3A_1 : vector<2048x1xf32> -> vector<2048x1xi32>
    %and3A = arith.constant 1 : i32
    %and3A_2 = vector.broadcast %and3A : i32 to vector<2048x1xi32>
    %and3A_3 = arith.andi %bitcast_convert_type3A, %and3A_2 : vector<2048x1xi32>
    %shift_right_arithmetic3A = arith.constant 1 : i32
    %shift_right_arithmetic3A_4 = vector.broadcast %shift_right_arithmetic3A : i32 to vector<2048x1xi32>
    %shift_right_arithmetic3A_5 = arith.shrsi %bitcast_convert_type3A, %shift_right_arithmetic3A_4 : vector<2048x1xi32>
    %and3A_6 = arith.constant 1 : i32
    %and3A_7 = vector.broadcast %and3A_6 : i32 to vector<2048x1xi32>
    %and3A_8 = arith.andi %shift_right_arithmetic3A_5, %and3A_7 : vector<2048x1xi32>
    %and3A_9 = arith.constant -4 : i32
    %and3A_10 = vector.broadcast %and3A_9 : i32 to vector<2048x1xi32>
    %and3A_11 = arith.andi %bitcast_convert_type3A, %and3A_10 : vector<2048x1xi32>
    %bitcast_convert_type3A_12 = tpu.bitcast %and3A_11 : vector<2048x1xi32> -> vector<2048x1xf32>
    %get3A_13 = arith.constant 0 : index
    %get3A_14 = arith.constant 0 : index
    %get3A_15 = vector.load %arg1[%get3A_13, %get3A_14] : memref<2048x128xi32, #tpu.memory_space<vmem>>, vector<2048x128xi32>
    %shift_left3A = arith.constant 16 : i32
    %shift_left3A_16 = vector.broadcast %shift_left3A : i32 to vector<2048x128xi32>
    %shift_left3A_17 = arith.shli %get3A_15, %shift_left3A_16 : vector<2048x128xi32>
    %bitcast_convert_type3A_18 = tpu.bitcast %shift_left3A_17 : vector<2048x128xi32> -> vector<2048x128xf32>
    %and3A_19 = arith.constant -65536 : i32
    %and3A_20 = vector.broadcast %and3A_19 : i32 to vector<2048x128xi32>
    %and3A_21 = arith.andi %get3A_15, %and3A_20 : vector<2048x128xi32>
    %bitcast_convert_type3A_22 = tpu.bitcast %and3A_21 : vector<2048x128xi32> -> vector<2048x128xf32>
    %eq3A = arith.constant 1 : i32
    %eq3A_23 = vector.broadcast %eq3A : i32 to vector<2048x1xi32>
    %eq3A_24 = arith.cmpi eq, %and3A_3, %eq3A_23 : vector<2048x1xi32>
    %broadcast_in_dim3A = vector.shape_cast %eq3A_24 : vector<2048x1xi1> to vector<2048x1xi1>
    %broadcast_in_dim3A_25 = vector.broadcast %broadcast_in_dim3A : vector<2048x1xi1> to vector<2048x128xi1>
    %select_n3A = arith.select %broadcast_in_dim3A_25, %bitcast_convert_type3A_22, %bitcast_convert_type3A_18 : vector<2048x128xi1>, vector<2048x128xf32>
    %convert_element_type3A = arith.truncf %select_n3A : vector<2048x128xf32> to vector<2048x128xbf16>
    %get3A_26 = arith.constant 0 : index
    %get3A_27 = arith.constant 0 : index
    %get3A_28 = vector.load %arg2[%get3A_26, %get3A_27] : memref<2048x128xi32, #tpu.memory_space<vmem>>, vector<2048x128xi32>
    %shift_left3A_29 = arith.constant 16 : i32
    %shift_left3A_30 = vector.broadcast %shift_left3A_29 : i32 to vector<2048x128xi32>
    %shift_left3A_31 = arith.shli %get3A_28, %shift_left3A_30 : vector<2048x128xi32>
    %bitcast_convert_type3A_32 = tpu.bitcast %shift_left3A_31 : vector<2048x128xi32> -> vector<2048x128xf32>
    %and3A_33 = arith.constant -65536 : i32
    %and3A_34 = vector.broadcast %and3A_33 : i32 to vector<2048x128xi32>
    %and3A_35 = arith.andi %get3A_28, %and3A_34 : vector<2048x128xi32>
    %bitcast_convert_type3A_36 = tpu.bitcast %and3A_35 : vector<2048x128xi32> -> vector<2048x128xf32>
    %eq3A_37 = arith.constant 1 : i32
    %eq3A_38 = vector.broadcast %eq3A_37 : i32 to vector<2048x1xi32>
    %eq3A_39 = arith.cmpi eq, %and3A_8, %eq3A_38 : vector<2048x1xi32>
    %broadcast_in_dim3A_40 = vector.shape_cast %eq3A_39 : vector<2048x1xi1> to vector<2048x1xi1>
    %broadcast_in_dim3A_41 = vector.broadcast %broadcast_in_dim3A_40 : vector<2048x1xi1> to vector<2048x128xi1>
    %select_n3A_42 = arith.select %broadcast_in_dim3A_41, %bitcast_convert_type3A_36, %bitcast_convert_type3A_32 : vector<2048x128xi1>, vector<2048x128xf32>
    %convert_element_type3A_43 = arith.truncf %select_n3A_42 : vector<2048x128xf32> to vector<2048x128xbf16>
    %get3A_44 = arith.constant 0 : index
    %get3A_45 = arith.constant 0 : index
    %get3A_46 = vector.load %arg4[%get3A_44, %get3A_45] : memref<128x512xf32, #tpu.memory_space<vmem>>, vector<128x512xf32>
    %convert_element_type3A_47 = arith.truncf %get3A_46 : vector<128x512xf32> to vector<128x512xbf16>
    %dot_general3A = arith.constant dense<0.000000e+00> : vector<2048x512xf32>
    %dot_general3A_48 = tpu.matmul %convert_element_type3A, %convert_element_type3A_47, %dot_general3A {dimension_numbers = #tpu.dot_dimension_numbers<[1], [0], [0], [1], [0, 0, 1, 1], [], []>, transpose_lhs_hint = false} : vector<2048x128xbf16>, vector<128x512xbf16>, vector<2048x512xf32> -> vector<2048x512xf32>
    %get3A_49 = arith.constant 0 : index
    %get3A_50 = arith.constant 0 : index
    %get3A_51 = vector.load %arg5[%get3A_49, %get3A_50] : memref<128x512xf32, #tpu.memory_space<vmem>>, vector<128x512xf32>
    %convert_element_type3A_52 = arith.truncf %get3A_51 : vector<128x512xf32> to vector<128x512xbf16>
    %dot_general3A_53 = arith.constant dense<0.000000e+00> : vector<2048x512xf32>
    %dot_general3A_54 = tpu.matmul %convert_element_type3A_43, %convert_element_type3A_52, %dot_general3A_53 {dimension_numbers = #tpu.dot_dimension_numbers<[1], [0], [0], [1], [0, 0, 1, 1], [], []>, transpose_lhs_hint = false} : vector<2048x128xbf16>, vector<128x512xbf16>, vector<2048x512xf32> -> vector<2048x512xf32>
    %add3A = arith.addf %dot_general3A_48, %dot_general3A_54 : vector<2048x512xf32>
    %get3A_55 = arith.constant 0 : index
    %get3A_56 = arith.constant 0 : index
    %get3A_57 = vector.load %arg6[%get3A_55, %get3A_56] : memref<1x512xf32, #tpu.memory_space<vmem>>, vector<1x512xf32>
    %add3A_58 = vector.broadcast %get3A_57 : vector<1x512xf32> to vector<2048x512xf32>
    %add3A_59 = arith.addf %add3A, %add3A_58 : vector<2048x512xf32>
    %max3A = arith.constant 0.000000e+00 : f32
    %max3A_60 = vector.broadcast %max3A : f32 to vector<2048x512xf32>
    %max3A_61 = arith.maximumf %add3A_59, %max3A_60 : vector<2048x512xf32>
    %convert_element_type3A_62 = arith.truncf %max3A_61 : vector<2048x512xf32> to vector<2048x512xbf16>
    %slice3A = vector.extract_strided_slice %convert_element_type3A_62 {offsets = [0, 0], sizes = [2048, 256], strides = [1, 1]} : vector<2048x512xbf16> to vector<2048x256xbf16>
    %get3A_63 = arith.constant 0 : index
    %get3A_64 = arith.constant 0 : index
    %get3A_65 = vector.load %arg7[%get3A_63, %get3A_64] : memref<256x256xf32, #tpu.memory_space<vmem>>, vector<256x256xf32>
    %convert_element_type3A_66 = arith.truncf %get3A_65 : vector<256x256xf32> to vector<256x256xbf16>
    %dot_general3A_67 = arith.constant dense<0.000000e+00> : vector<2048x256xf32>
    %dot_general3A_68 = tpu.matmul %slice3A, %convert_element_type3A_66, %dot_general3A_67 {dimension_numbers = #tpu.dot_dimension_numbers<[1], [0], [0], [1], [0, 0, 1, 1], [], []>, transpose_lhs_hint = false} : vector<2048x256xbf16>, vector<256x256xbf16>, vector<2048x256xf32> -> vector<2048x256xf32>
    %get3A_69 = arith.constant 0 : index
    %get3A_70 = arith.constant 0 : index
    %get3A_71 = vector.load %arg9[%get3A_69, %get3A_70] : memref<1x256xf32, #tpu.memory_space<vmem>>, vector<1x256xf32>
    %add3A_72 = vector.broadcast %get3A_71 : vector<1x256xf32> to vector<2048x256xf32>
    %add3A_73 = arith.addf %dot_general3A_68, %add3A_72 : vector<2048x256xf32>
    %max3A_74 = arith.constant 0.000000e+00 : f32
    %max3A_75 = vector.broadcast %max3A_74 : f32 to vector<2048x256xf32>
    %max3A_76 = arith.maximumf %add3A_73, %max3A_75 : vector<2048x256xf32>
    %slice3A_77 = vector.extract_strided_slice %convert_element_type3A_62 {offsets = [0, 256], sizes = [2048, 256], strides = [1, 1]} : vector<2048x512xbf16> to vector<2048x256xbf16>
    %get3A_78 = arith.constant 0 : index
    %get3A_79 = arith.constant 0 : index
    %get3A_80 = vector.load %arg8[%get3A_78, %get3A_79] : memref<256x256xf32, #tpu.memory_space<vmem>>, vector<256x256xf32>
    %convert_element_type3A_81 = arith.truncf %get3A_80 : vector<256x256xf32> to vector<256x256xbf16>
    %dot_general3A_82 = arith.constant dense<0.000000e+00> : vector<2048x256xf32>
    %dot_general3A_83 = tpu.matmul %slice3A_77, %convert_element_type3A_81, %dot_general3A_82 {dimension_numbers = #tpu.dot_dimension_numbers<[1], [0], [0], [1], [0, 0, 1, 1], [], []>, transpose_lhs_hint = false} : vector<2048x256xbf16>, vector<256x256xbf16>, vector<2048x256xf32> -> vector<2048x256xf32>
    %get3A_84 = arith.constant 0 : index
    %get3A_85 = arith.constant 0 : index
    %get3A_86 = vector.load %arg10[%get3A_84, %get3A_85] : memref<1x256xf32, #tpu.memory_space<vmem>>, vector<1x256xf32>
    %add3A_87 = vector.broadcast %get3A_86 : vector<1x256xf32> to vector<2048x256xf32>
    %add3A_88 = arith.addf %dot_general3A_83, %add3A_87 : vector<2048x256xf32>
    %max3A_89 = arith.constant 0.000000e+00 : f32
    %max3A_90 = vector.broadcast %max3A_89 : f32 to vector<2048x256xf32>
    %max3A_91 = arith.maximumf %add3A_88, %max3A_90 : vector<2048x256xf32>
    %mul3A = arith.constant -5.000000e-01 : f32
    %mul3A_92 = vector.broadcast %mul3A : f32 to vector<2048x1xf32>
    %mul3A_93 = arith.mulf %mul3A_92, %bitcast_convert_type3A_12 : vector<2048x1xf32>
    %exp3A = math.exp %mul3A_93 : vector<2048x1xf32>
    %add3A_94 = arith.constant 1.000000e+00 : f32
    %add3A_95 = vector.broadcast %add3A_94 : f32 to vector<2048x1xf32>
    %add3A_96 = arith.addf %add3A_95, %exp3A : vector<2048x1xf32>
    %div3A = arith.constant 1.000000e+00 : f32
    %div3A_97 = vector.broadcast %div3A : f32 to vector<2048x1xf32>
    %div3A_98 = arith.divf %div3A_97, %add3A_96 : vector<2048x1xf32>
    %mul3A_99 = vector.broadcast %div3A_98 : vector<2048x1xf32> to vector<2048x256xf32>
    %mul3A_100 = arith.mulf %max3A_76, %mul3A_99 : vector<2048x256xf32>
    %sub3A = arith.constant 1.000000e+00 : f32
    %sub3A_101 = vector.broadcast %sub3A : f32 to vector<2048x1xf32>
    %sub3A_102 = arith.subf %sub3A_101, %div3A_98 : vector<2048x1xf32>
    %mul3A_103 = vector.broadcast %sub3A_102 : vector<2048x1xf32> to vector<2048x256xf32>
    %mul3A_104 = arith.mulf %max3A_91, %mul3A_103 : vector<2048x256xf32>
    %add3A_105 = arith.addf %mul3A_100, %mul3A_104 : vector<2048x256xf32>
    %slice3A_106 = vector.extract_strided_slice %add3A_105 {offsets = [0, 0], sizes = [2048, 128], strides = [1, 1]} : vector<2048x256xf32> to vector<2048x128xf32>
    %swap3A = arith.constant 0 : index
    %swap3A_107 = arith.constant 0 : index
    %swap3A_108 = arith.constant 0 : index
    %swap3A_109 = vector.load %arg11[%swap3A, %swap3A_107, %swap3A_108] : memref<2x2048x128xf32, #tpu.memory_space<vmem>>, vector<1x2048x128xf32>
    %swap3A_110 = vector.shape_cast %swap3A_109 : vector<1x2048x128xf32> to vector<2048x128xf32>
    %swap3A_111 = vector.shape_cast %slice3A_106 : vector<2048x128xf32> to vector<1x2048x128xf32>
    tpu.vector_store %arg11[%swap3A, %swap3A_107, %swap3A_108], %swap3A_111 {strides = array<i32>} : memref<2x2048x128xf32, #tpu.memory_space<vmem>>, vector<1x2048x128xf32>,
    %slice3A_112 = vector.extract_strided_slice %add3A_105 {offsets = [0, 128], sizes = [2048, 128], strides = [1, 1]} : vector<2048x256xf32> to vector<2048x128xf32>
    %swap3A_113 = arith.constant 1 : index
    %swap3A_114 = arith.constant 0 : index
    %swap3A_115 = arith.constant 0 : index
    %swap3A_116 = vector.load %arg11[%swap3A_113, %swap3A_114, %swap3A_115] : memref<2x2048x128xf32, #tpu.memory_space<vmem>>, vector<1x2048x128xf32>
    %swap3A_117 = vector.shape_cast %swap3A_116 : vector<1x2048x128xf32> to vector<2048x128xf32>
    %swap3A_118 = vector.shape_cast %slice3A_112 : vector<2048x128xf32> to vector<1x2048x128xf32>
    tpu.vector_store %arg11[%swap3A_113, %swap3A_114, %swap3A_115], %swap3A_118 {strides = array<i32>} : memref<2x2048x128xf32, #tpu.memory_space<vmem>>, vector<1x2048x128xf32>,
    return
  }
  func.func @transform_0(%arg0: i32) -> (i32, i32) {
    %c0_i32 = arith.constant 0 : i32
    %c0_i32_0 = arith.constant 0 : i32
    return %arg0, %c0_i32 : i32, i32
  }
  func.func @transform_1(%arg0: i32) -> (i32, i32) {
    %c0_i32 = arith.constant 0 : i32
    %c0_i32_0 = arith.constant 0 : i32
    return %arg0, %c0_i32 : i32, i32
  }
  func.func @transform_2(%arg0: i32) -> (i32, i32) {
    %c0_i32 = arith.constant 0 : i32
    %c0_i32_0 = arith.constant 0 : i32
    return %arg0, %c0_i32 : i32, i32
  }
  func.func @transform_3(%arg0: i32) -> (i32, i32) {
    %c0_i32 = arith.constant 0 : i32
    %c0_i32_0 = arith.constant 0 : i32
    %c0_i32_1 = arith.constant 0 : i32
    return %c0_i32, %c0_i32_0 : i32, i32
  }
  func.func @transform_4(%arg0: i32) -> (i32, i32) {
    %c0_i32 = arith.constant 0 : i32
    %c0_i32_0 = arith.constant 0 : i32
    %c0_i32_1 = arith.constant 0 : i32
    return %c0_i32, %c0_i32_0 : i32, i32
  }
  func.func @transform_5(%arg0: i32) -> (i32, i32) {
    %c0_i32 = arith.constant 0 : i32
    %c0_i32_0 = arith.constant 0 : i32
    %c0_i32_1 = arith.constant 0 : i32
    return %c0_i32, %c0_i32_0 : i32, i32
  }
  func.func @transform_6(%arg0: i32) -> (i32, i32) {
    %c0_i32 = arith.constant 0 : i32
    %c0_i32_0 = arith.constant 0 : i32
    %c0_i32_1 = arith.constant 0 : i32
    return %c0_i32, %c0_i32_0 : i32, i32
  }
  func.func @transform_7(%arg0: i32) -> (i32, i32) {
    %c0_i32 = arith.constant 0 : i32
    %c0_i32_0 = arith.constant 0 : i32
    %c0_i32_1 = arith.constant 0 : i32
    return %c0_i32, %c0_i32_0 : i32, i32
  }
  func.func @transform_8(%arg0: i32) -> (i32, i32) {
    %c0_i32 = arith.constant 0 : i32
    %c0_i32_0 = arith.constant 0 : i32
    %c0_i32_1 = arith.constant 0 : i32
    return %c0_i32, %c0_i32_0 : i32, i32
  }
  func.func @transform_9(%arg0: i32) -> (i32, i32) {
    %c0_i32 = arith.constant 0 : i32
    %c0_i32_0 = arith.constant 0 : i32
    %c0_i32_1 = arith.constant 0 : i32
    return %c0_i32, %c0_i32_0 : i32, i32
  }
  func.func @transform_10(%arg0: i32) -> (i32, i32, i32) {
    %c0_i32 = arith.constant 0 : i32
    %c0_i32_0 = arith.constant 0 : i32
    %c0_i32_1 = arith.constant 0 : i32
    return %c0_i32, %arg0, %c0_i32_0 : i32, i32, i32
  }
}

module attributes {stable_mosaic.version = 14 : i64} {
  func.func @_node_mlp_body(%arg0: i32, %arg1: memref<1000x128xf32, #tpu.memory_space<vmem>>, %arg2: memref<1000x128xf32, #tpu.memory_space<vmem>>, %arg3: memref<1000x128xf32, #tpu.memory_space<vmem>>, %arg4: memref<128x256xf32, #tpu.memory_space<vmem>>, %arg5: memref<128x256xf32, #tpu.memory_space<vmem>>, %arg6: memref<128x256xf32, #tpu.memory_space<vmem>>, %arg7: memref<1x256xf32, #tpu.memory_space<vmem>>, %arg8: memref<256x256xf32, #tpu.memory_space<vmem>>, %arg9: memref<1x256xf32, #tpu.memory_space<vmem>>, %arg10: memref<256x128xf32, #tpu.memory_space<vmem>>, %arg11: memref<1x128xf32, #tpu.memory_space<vmem>>, %arg12: memref<1000x128xf32, #tpu.memory_space<vmem>>) attributes {dimension_semantics = [#tpu.dimension_semantics<arbitrary>], iteration_bounds = array<i64: 10>, scalar_prefetch = 0 : i64, scratch_operands = 0 : i64, tpu.core_type = #tpu.core_type<tc>, window_params = [{transform_indices = @transform_0, window_bounds = array<i64: 1000, 128>}, {transform_indices = @transform_1, window_bounds = array<i64: 1000, 128>}, {transform_indices = @transform_2, window_bounds = array<i64: 1000, 128>}, {pipeline_mode = #tpu.pipeline_mode<synchronous>, transform_indices = @transform_3, window_bounds = array<i64: 128, 256>}, {pipeline_mode = #tpu.pipeline_mode<synchronous>, transform_indices = @transform_4, window_bounds = array<i64: 128, 256>}, {pipeline_mode = #tpu.pipeline_mode<synchronous>, transform_indices = @transform_5, window_bounds = array<i64: 128, 256>}, {pipeline_mode = #tpu.pipeline_mode<synchronous>, transform_indices = @transform_6, window_bounds = array<i64: 1, 256>}, {pipeline_mode = #tpu.pipeline_mode<synchronous>, transform_indices = @transform_7, window_bounds = array<i64: 256, 256>}, {pipeline_mode = #tpu.pipeline_mode<synchronous>, transform_indices = @transform_8, window_bounds = array<i64: 1, 256>}, {pipeline_mode = #tpu.pipeline_mode<synchronous>, transform_indices = @transform_9, window_bounds = array<i64: 256, 128>}, {pipeline_mode = #tpu.pipeline_mode<synchronous>, transform_indices = @transform_10, window_bounds = array<i64: 1, 128>}, {transform_indices = @transform_11, window_bounds = array<i64: 1000, 128>}]} {
    %get3A = arith.constant 0 : index
    %get3A_0 = arith.constant 0 : index
    %get3A_1 = vector.load %arg1[%get3A, %get3A_0] : memref<1000x128xf32, #tpu.memory_space<vmem>>, vector<1000x128xf32>
    %get3A_2 = arith.constant 0 : index
    %get3A_3 = arith.constant 0 : index
    %get3A_4 = vector.load %arg4[%get3A_2, %get3A_3] : memref<128x256xf32, #tpu.memory_space<vmem>>, vector<128x256xf32>
    %dot_general3A = arith.constant dense<0.000000e+00> : vector<1000x256xf32>
    %dot_general3A_5 = tpu.matmul %get3A_1, %get3A_4, %dot_general3A {dimension_numbers = #tpu.dot_dimension_numbers<[1], [0], [0], [1], [0, 0, 1, 1], [], []>, transpose_lhs_hint = false} : vector<1000x128xf32>, vector<128x256xf32>, vector<1000x256xf32> -> vector<1000x256xf32>
    %get3A_6 = arith.constant 0 : index
    %get3A_7 = arith.constant 0 : index
    %get3A_8 = vector.load %arg2[%get3A_6, %get3A_7] : memref<1000x128xf32, #tpu.memory_space<vmem>>, vector<1000x128xf32>
    %get3A_9 = arith.constant 0 : index
    %get3A_10 = arith.constant 0 : index
    %get3A_11 = vector.load %arg5[%get3A_9, %get3A_10] : memref<128x256xf32, #tpu.memory_space<vmem>>, vector<128x256xf32>
    %dot_general3A_12 = arith.constant dense<0.000000e+00> : vector<1000x256xf32>
    %dot_general3A_13 = tpu.matmul %get3A_8, %get3A_11, %dot_general3A_12 {dimension_numbers = #tpu.dot_dimension_numbers<[1], [0], [0], [1], [0, 0, 1, 1], [], []>, transpose_lhs_hint = false} : vector<1000x128xf32>, vector<128x256xf32>, vector<1000x256xf32> -> vector<1000x256xf32>
    %add3A = arith.addf %dot_general3A_5, %dot_general3A_13 : vector<1000x256xf32>
    %get3A_14 = arith.constant 0 : index
    %get3A_15 = arith.constant 0 : index
    %get3A_16 = vector.load %arg3[%get3A_14, %get3A_15] : memref<1000x128xf32, #tpu.memory_space<vmem>>, vector<1000x128xf32>
    %get3A_17 = arith.constant 0 : index
    %get3A_18 = arith.constant 0 : index
    %get3A_19 = vector.load %arg6[%get3A_17, %get3A_18] : memref<128x256xf32, #tpu.memory_space<vmem>>, vector<128x256xf32>
    %dot_general3A_20 = arith.constant dense<0.000000e+00> : vector<1000x256xf32>
    %dot_general3A_21 = tpu.matmul %get3A_16, %get3A_19, %dot_general3A_20 {dimension_numbers = #tpu.dot_dimension_numbers<[1], [0], [0], [1], [0, 0, 1, 1], [], []>, transpose_lhs_hint = false} : vector<1000x128xf32>, vector<128x256xf32>, vector<1000x256xf32> -> vector<1000x256xf32>
    %add3A_22 = arith.addf %add3A, %dot_general3A_21 : vector<1000x256xf32>
    %get3A_23 = arith.constant 0 : index
    %get3A_24 = arith.constant 0 : index
    %get3A_25 = vector.load %arg7[%get3A_23, %get3A_24] : memref<1x256xf32, #tpu.memory_space<vmem>>, vector<1x256xf32>
    %add3A_26 = vector.broadcast %get3A_25 : vector<1x256xf32> to vector<1000x256xf32>
    %add3A_27 = arith.addf %add3A_22, %add3A_26 : vector<1000x256xf32>
    %max3A = arith.constant 0.000000e+00 : f32
    %max3A_28 = vector.broadcast %max3A : f32 to vector<1000x256xf32>
    %max3A_29 = arith.maximumf %add3A_27, %max3A_28 : vector<1000x256xf32>
    %get3A_30 = arith.constant 0 : index
    %get3A_31 = arith.constant 0 : index
    %get3A_32 = vector.load %arg8[%get3A_30, %get3A_31] : memref<256x256xf32, #tpu.memory_space<vmem>>, vector<256x256xf32>
    %dot_general3A_33 = arith.constant dense<0.000000e+00> : vector<1000x256xf32>
    %dot_general3A_34 = tpu.matmul %max3A_29, %get3A_32, %dot_general3A_33 {dimension_numbers = #tpu.dot_dimension_numbers<[1], [0], [0], [1], [0, 0, 1, 1], [], []>, transpose_lhs_hint = false} : vector<1000x256xf32>, vector<256x256xf32>, vector<1000x256xf32> -> vector<1000x256xf32>
    %get3A_35 = arith.constant 0 : index
    %get3A_36 = arith.constant 0 : index
    %get3A_37 = vector.load %arg9[%get3A_35, %get3A_36] : memref<1x256xf32, #tpu.memory_space<vmem>>, vector<1x256xf32>
    %add3A_38 = vector.broadcast %get3A_37 : vector<1x256xf32> to vector<1000x256xf32>
    %add3A_39 = arith.addf %dot_general3A_34, %add3A_38 : vector<1000x256xf32>
    %max3A_40 = arith.constant 0.000000e+00 : f32
    %max3A_41 = vector.broadcast %max3A_40 : f32 to vector<1000x256xf32>
    %max3A_42 = arith.maximumf %add3A_39, %max3A_41 : vector<1000x256xf32>
    %get3A_43 = arith.constant 0 : index
    %get3A_44 = arith.constant 0 : index
    %get3A_45 = vector.load %arg1[%get3A_43, %get3A_44] : memref<1000x128xf32, #tpu.memory_space<vmem>>, vector<1000x128xf32>
    %get3A_46 = arith.constant 0 : index
    %get3A_47 = arith.constant 0 : index
    %get3A_48 = vector.load %arg10[%get3A_46, %get3A_47] : memref<256x128xf32, #tpu.memory_space<vmem>>, vector<256x128xf32>
    %dot_general3A_49 = arith.constant dense<0.000000e+00> : vector<1000x128xf32>
    %dot_general3A_50 = tpu.matmul %max3A_42, %get3A_48, %dot_general3A_49 {dimension_numbers = #tpu.dot_dimension_numbers<[1], [0], [0], [1], [0, 0, 1, 1], [], []>, transpose_lhs_hint = false} : vector<1000x256xf32>, vector<256x128xf32>, vector<1000x128xf32> -> vector<1000x128xf32>
    %add3A_51 = arith.addf %get3A_45, %dot_general3A_50 : vector<1000x128xf32>
    %get3A_52 = arith.constant 0 : index
    %get3A_53 = arith.constant 0 : index
    %get3A_54 = vector.load %arg11[%get3A_52, %get3A_53] : memref<1x128xf32, #tpu.memory_space<vmem>>, vector<1x128xf32>
    %add3A_55 = vector.broadcast %get3A_54 : vector<1x128xf32> to vector<1000x128xf32>
    %add3A_56 = arith.addf %add3A_51, %add3A_55 : vector<1000x128xf32>
    %swap3A = arith.constant 0 : index
    %swap3A_57 = arith.constant 0 : index
    %swap3A_58 = vector.load %arg12[%swap3A, %swap3A_57] : memref<1000x128xf32, #tpu.memory_space<vmem>>, vector<1000x128xf32>
    tpu.vector_store %arg12[%swap3A, %swap3A_57], %add3A_56 {strides = array<i32>} : memref<1000x128xf32, #tpu.memory_space<vmem>>, vector<1000x128xf32>,
    return
  }
  func.func @transform_0(%arg0: i32) -> (i32, i32) {
    %c0_i32 = arith.constant 0 : i32
    %c0_i32_0 = arith.constant 0 : i32
    return %arg0, %c0_i32 : i32, i32
  }
  func.func @transform_1(%arg0: i32) -> (i32, i32) {
    %c0_i32 = arith.constant 0 : i32
    %c0_i32_0 = arith.constant 0 : i32
    return %arg0, %c0_i32 : i32, i32
  }
  func.func @transform_2(%arg0: i32) -> (i32, i32) {
    %c0_i32 = arith.constant 0 : i32
    %c0_i32_0 = arith.constant 0 : i32
    return %arg0, %c0_i32 : i32, i32
  }
  func.func @transform_3(%arg0: i32) -> (i32, i32) {
    %c0_i32 = arith.constant 0 : i32
    %c0_i32_0 = arith.constant 0 : i32
    %c0_i32_1 = arith.constant 0 : i32
    return %c0_i32, %c0_i32_0 : i32, i32
  }
  func.func @transform_4(%arg0: i32) -> (i32, i32) {
    %c0_i32 = arith.constant 0 : i32
    %c0_i32_0 = arith.constant 0 : i32
    %c0_i32_1 = arith.constant 0 : i32
    return %c0_i32, %c0_i32_0 : i32, i32
  }
  func.func @transform_5(%arg0: i32) -> (i32, i32) {
    %c0_i32 = arith.constant 0 : i32
    %c0_i32_0 = arith.constant 0 : i32
    %c0_i32_1 = arith.constant 0 : i32
    return %c0_i32, %c0_i32_0 : i32, i32
  }
  func.func @transform_6(%arg0: i32) -> (i32, i32) {
    %c0_i32 = arith.constant 0 : i32
    %c0_i32_0 = arith.constant 0 : i32
    %c0_i32_1 = arith.constant 0 : i32
    return %c0_i32, %c0_i32_0 : i32, i32
  }
  func.func @transform_7(%arg0: i32) -> (i32, i32) {
    %c0_i32 = arith.constant 0 : i32
    %c0_i32_0 = arith.constant 0 : i32
    %c0_i32_1 = arith.constant 0 : i32
    return %c0_i32, %c0_i32_0 : i32, i32
  }
  func.func @transform_8(%arg0: i32) -> (i32, i32) {
    %c0_i32 = arith.constant 0 : i32
    %c0_i32_0 = arith.constant 0 : i32
    %c0_i32_1 = arith.constant 0 : i32
    return %c0_i32, %c0_i32_0 : i32, i32
  }
  func.func @transform_9(%arg0: i32) -> (i32, i32) {
    %c0_i32 = arith.constant 0 : i32
    %c0_i32_0 = arith.constant 0 : i32
    %c0_i32_1 = arith.constant 0 : i32
    return %c0_i32, %c0_i32_0 : i32, i32
  }
  func.func @transform_10(%arg0: i32) -> (i32, i32) {
    %c0_i32 = arith.constant 0 : i32
    %c0_i32_0 = arith.constant 0 : i32
    %c0_i32_1 = arith.constant 0 : i32
    return %c0_i32, %c0_i32_0 : i32, i32
  }
  func.func @transform_11(%arg0: i32) -> (i32, i32) {
    %c0_i32 = arith.constant 0 : i32
    %c0_i32_0 = arith.constant 0 : i32
    return %arg0, %c0_i32 : i32, i32
  }
}

</mosaic_0001>

<sc_bundles>
// kernel: kernel.10.cloned.1.call-start
scs
__scs_entry_jumppad:
0x0: {  	(pc) =	sbr.rel $0x88, $3  }
0x1: {  	(tag) =	ssettag $0x0;
	lr =	simm.s32 $0x1  }
0x2: {  	[smem:$0x3F94] =	sst lr;
	_ =	strace $0xD0000000  }
0x3: {  	_ = 	snop  }
0x4: {  	_ = 	snop  }
0x5: {  	_ = 	snop  }
0x6: {  	_ = 	snop  }
0x7: {  	_ = 	snop  }
__scs_overlays_trampoline_lowered:
0x8: {  	[smem:$0x3FA3] =	sst s0  }
0x9: {  	[smem:$0x3FA4] =	sst s1  }
0xa: {  	[smem:$0x3FA5] =	sst s2  }
0xb: {  	[smem:$0x3FA6] =	sst s3  }
0xc: {  	[smem:$0x3FA7] =	sst s4  }
0xd: {  	[smem:$0x3FA8] =	sst s5  }
0xe: {  	[smem:$0x3FA9] =	sst s6  }
0xf: {  	[smem:$0x3FAA] =	sst s7  }
0x10: {  	[smem:$0x3FAB] =	sst s8  }
0x11: {  	[smem:$0x3FAC] =	sst s9;
	s0 =	simm.s32 @!p0 $0x0  }
0x12: {  	s1 =	sld [smem:$0x3F92];
	s0 =	simm.s32 @p0 $0x1  }
0x13: {  	[smem:$0x3FAD] =	sst s0;
	s0 =	simm.s32 @!p1 $0x0  }
0x14: {  	s2 =	sld [smem:$0x3F91];
	s0 =	simm.s32 @p1 $0x1  }
0x15: {  	[smem:$0x3FAE] =	sst s0;
	s0 =	simm.s32 @!p2 $0x0  }
0x16: {  	s3 =	sld [smem:$0x3FDB];
	s0 =	simm.s32 @p2 $0x1  }
0x17: {  	s4 =	simm.s32 $0x1BF5;
	[smem:$0x3FB0] =	sst s0  }
0x18: {  	s0 =	sld [smem:$0x3F93];
	_ =	swait.ge [sflag:s4], $0x0  }
0x19: {  	s7 =	sld [smem:$0x3F94]  }
0x1a: {  	s8 =	sadd.s32 $0xFFFFE003, lr  }
0x1b: {  	s9 =	sadd.s32 $0xFFFFFEF7, lr;
	s5 =	simm.s32 $0xFFFFFFFF;
	p2 =	slt.u32 s8, $0xFFFFF086  }
0x1c: {  	p1 =	slt.u32 s9, $0xF7A;
	s5 =	simm.s32 @!p2 $0x0  }
0x1d: {  	s5 =	simm.s32 @p1 $0x1;
	p0 =	seq.s32 s7, s2  }
0x1e: {  	s7 =	smul.u32 @!p0 $0xF7A, s2;
	p2 =	seq.s32 @!p0 s5, $0x0  }
0x1f: {  	s9 =	smul.u32 $0xF7A, s1;
	s8 =	simm.s32 @!p0 $0x1BF5;
	p2 =	por !p2, p0  }
0x20: {  	[sflag:s8] =	ssyncset.s32 @!p0 $0xFFFFF086;
	s6 =	sadd.s32 @!p0 s3, s7;
	s7 =	simm.s32 @!p0 $0x108  }
0x21: {  	s3 =	sadd.s32 s3, s9;
	s6 =	sadd.s32 @!p0 $0x88, s6;
	s7 =	simm.s32 @p2 $0x1082  }
0x22: {  	[simem:s7], [sflag:s8] =	dma.local @!p0 [hbm:s6], $0xF7A  }
0x23: {  	s9 =	sor.u32 $0xD0000000, s2;
	s6 =	simm.s32 $0x108;
	_ =	swait.ge @!p0 [sflag:s8], $0x0  }
0x24: {  	s3 =	sadd.s32 $0x88, s3;
	s6 =	simm.s32 @!p1 $0x1082;
	[sflag:s4] =	ssyncset.s32 $0xFFFFF086  }
0x25: {  	[simem:s6], [sflag:s4] =	dma.local [hbm:s3], $0xF7A  }
0x26: {  	[smem:$0x3F94] =	sst s1;
	(tag) =	ssettag s2;
	_ =	strace s9  }
0x27: {  	s1 =	sld [smem:$0x3FA4]  }
0x28: {  	s2 =	sld [smem:$0x3FA5]  }
0x29: {  	s4 =	sld [smem:$0x3FA7]  }
0x2a: {  	p0 =	seq.s32 s5, $0x0;
	s5 =	sld [smem:$0x3FA8]  }
0x2b: {  	s6 =	sld [smem:$0x3FA9]  }
0x2c: {  	s7 =	sld [smem:$0x3FAA]  }
0x2d: {  	s3 =	simm.s32 $0x108;
	s8 =	sld [smem:$0x3FAB]  }
0x2e: {  	s3 =	simm.s32 @!p0 $0x1082;
	s9 =	sld [smem:$0x3FAC]  }
0x2f: {  	lr =	sadd.s32 s0, s3;
	s0 =	sld [smem:$0x3FA3]  }
0x30: {  	s3 =	sld [smem:$0x3FA6]  }
0x31: {  	[smem:$0x3FAF] =	sst s10  }
0x32: {  	s10 =	sld [smem:$0x3FAD];
	_ =	sdelay $0x3  }
0x33: {  	p0 =	seq.s32 s10, $0x1;
	s10 =	sld [smem:$0x3FAF];
	_ =	sdelay $0x3  }
0x34: {  	[smem:$0x3FAF] =	sst s10  }
0x35: {  	s10 =	sld [smem:$0x3FAE];
	_ =	sdelay $0x3  }
0x36: {  	p1 =	seq.s32 s10, $0x1;
	s10 =	sld [smem:$0x3FAF];
	_ =	sdelay $0x3  }
0x37: {  	[smem:$0x3FAF] =	sst s10  }
0x38: {  	s10 =	sld [smem:$0x3FB0]  }
0x39: {  	_ = 	snop;
	(pc) =	sbr.ind lr, $3  }
0x3a: {  	_ = 	snop  }
0x3b: {  	_ = 	snop  }
0x3c: {  	p2 =	seq.s32 s10, $0x1;
	s10 =	sld [smem:$0x3FAF]  }
0x3d: {  	_ =	shalt  }
0x3e: {  	_ =	shalt  }
0x3f: {  	_ =	shalt  }
0x40: {  	_ =	shalt  }
0x41: {  	_ =	shalt  }
0x42: {  	_ =	shalt  }
0x43: {  	_ =	shalt  }
0x44: {  	_ =	shalt  }
0x45: {  	_ =	shalt  }
0x46: {  	_ =	shalt  }
0x47: {  	_ =	shalt  }
0x48: {  	_ =	shalt  }
0x49: {  	_ =	shalt  }
0x4a: {  	_ =	shalt  }
0x4b: {  	_ =	shalt  }
0x4c: {  	_ =	shalt  }
0x4d: {  	_ =	shalt  }
0x4e: {  	_ =	shalt  }
0x4f: {  	_ =	shalt  }
0x50: {  	_ =	shalt  }
0x51: {  	_ =	shalt  }
0x52: {  	_ =	shalt  }
0x53: {  	_ =	shalt  }
0x54: {  	_ =	shalt  }
0x55: {  	_ =	shalt  }
0x56: {  	_ =	shalt  }
0x57: {  	_ =	shalt  }
0x58: {  	_ =	shalt  }
0x59: {  	_ =	shalt  }
0x5a: {  	_ =	shalt  }
0x5b: {  	_ =	shalt  }
0x5c: {  	_ =	shalt  }
0x5d: {  	_ =	shalt  }
0x5e: {  	_ =	shalt  }
0x5f: {  	_ =	shalt  }
0x60: {  	_ =	shalt  }
0x61: {  	_ =	shalt  }
0x62: {  	_ =	shalt  }
0x63: {  	_ =	shalt  }
0x64: {  	_ =	shalt  }
0x65: {  	_ =	shalt  }
0x66: {  	_ =	shalt  }
0x67: {  	_ =	shalt  }
0x68: {  	_ =	shalt  }
0x69: {  	_ =	shalt  }
0x6a: {  	_ =	shalt  }
0x6b: {  	_ =	shalt  }
0x6c: {  	_ =	shalt  }
0x6d: {  	_ =	shalt  }
0x6e: {  	_ =	shalt  }
0x6f: {  	_ =	shalt  }
0x70: {  	_ =	shalt  }
0x71: {  	_ =	shalt  }
0x72: {  	_ =	shalt  }
0x73: {  	_ =	shalt  }
0x74: {  	_ =	shalt  }
0x75: {  	_ =	shalt  }
0x76: {  	_ =	shalt  }
0x77: {  	_ =	shalt  }
0x78: {  	_ =	shalt  }
0x79: {  	_ =	shalt  }
0x7a: {  	_ =	shalt  }
0x7b: {  	_ =	shalt  }
0x7c: {  	_ =	shalt  }
0x7d: {  	_ =	shalt  }
0x7e: {  	_ =	shalt  }
0x7f: {  	_ =	shalt  }
0x80: {  	_ =	shalt  }
0x81: {  	_ =	shalt  }
0x82: {  	_ =	shalt  }
0x83: {  	_ =	shalt  }
0x84: {  	_ =	shalt  }
0x85: {  	_ =	shalt  }
0x86: {  	_ =	shalt  }
0x87: {  	_ =	shalt  }
.Lfunc_end0:
.L_simem_size_0:
called_computation_lowered:
.L_overlay_start_0:
0x88: {  	s2 =	sld [smem:$0x3FD9]  }
0x89: {  	s3 =	sld [smem:$0x3FFE];
	_ =	sdelay $0x1  }
0x8a: {  	s1 =	srdreg.scid  }
0x8b: {  	s0 =	sand.u32 $0x1, s1  }
0x8c: {  	s17 =	sshll.u32 s0, $0xA;
	s2 =	sadd.s32 s3, s2  }
0x8d: {  	s2 =	sadd.s32 s2, s17  }
0x8e: {  	[smem:$0x3FBB] =	sst s2  }
0x8f: {  	_ = 	snop  }
0x90: {  	s2 =	sld [smem:$0x3FD0];
	(tm) =	ssettm $0x1  }
0x91: {  	s18 =	sld [smem:$0x3FFB];
	_ =	sdelay $0x3  }
0x92: {  	_ =	strace s18  }
0x93: {  	s3 =	sld [smem:$0x3FFC];
	_ =	sdelay $0x3  }
0x94: {  	_ =	strace s3  }
0x95: {  	s3 =	sld [smem:$0x3FFD];
	_ =	sdelay $0x3  }
0x96: {  	_ =	strace s3  }
0x97: {  	_ =	strace $0x8FFFFFFF  }
0x98: {  	s19 =	sld [smem:$0x3FDB];
	_ =	sdelay $0x1  }
0x99: {  	s4 =	simm.s32 $_scs_section_size  }
0x9a: {  	s5 =	simm.s32 $_size__tile_overlayer_lowered;
	s6 =	simm.s32 $_tile_overlayer_lowered  }
0x9b: {  	s22 =	simm.s32 $0x1BFF;
	s21 =	sshll.u32 s6, $0x1;
	s3 =	sadd.s32 s4, s19  }
0x9c: {  	s7 =	simm.s32 $0x0;
	s20 =	sshll.u32 s5, $0x1;
	s5 =	sadd.s32 s21, s3  }
0x9d: {  	[timem:s7], [sflag:s22] =	dma.local [hbm:s5], s20  }
0x9e: {  	_ =	swait.ge [sflag:s22], s20  }
0x9f: {  	s4 =	ssub.s32 $0x0, s20;
	[sflag:s22] =	ssyncset.done $0x0  }
0xa0: {  	[sflag:s22] =	ssyncadd.s32 s4;
	_ =	sdelay $0x1  }
0xa1: {  	s23 =	simm.s32 $0x1B8B  }
0xa2: {  	_ =	swait.ge [sflag:s23], $0x1  }
0xa3: {  	[sflag:s23] =	ssyncset.done $0x0  }
0xa4: {  	s25 =	simm.s32 $0x1B8E;
	s24 =	sld [smem:$0x3FFE];
	[sflag:s23] =	ssyncadd.s32 $0xFFFFFFFF  }
0xa5: {  	s26 =	simm.s32 $execute0_lowered;
	[smem:$0x3FD2] =	sst s25  }
0xa6: {  	s5 =	sshll.u32 s26, $0x1;
	_ =	strace $0x80000046;
	[dreg:$0x1] =	wrdreg $0xFFFFFFFF  }
0xa7: {  	s28 =	simm.s32 $_size_execute0_lowered;
	s3 =	sadd.s32 s3, s5;
	[dreg:$0x0] =	wrdreg $0x0  }
0xa8: {  	s5 =	sshll.u32 s28, $0x1;
	[dreg:$0x2] =	wrdreg s3  }
0xa9: {  	[dreg:$0x3] =	wrdreg s5  }
0xaa: {  	[dreg:$0x4] =	wrdreg $0xC0  }
0xab: {  	_ =	task [dreg:s7], $0x5FFFF  }
0xac: {  	[dreg:$0x1] =	wrdreg $0xFFFFFFFF  }
0xad: {  	[dreg:$0x0] =	wrdreg $0x60  }
0xae: {  	[dreg:$0x2] =	wrdreg s2  }
0xaf: {  	[dreg:$0x3] =	wrdreg s24  }
0xb0: {  	[dreg:$0x4] =	wrdreg $0x128000  }
0xb1: {  	[dreg:$0x5] =	wrdreg $0x9  }
0xb2: {  	_ =	task.clear_ibuf [dreg:s7], $0x6FFFF;
	_ =	strace $0x90000046  }
0xb3: {  	s29 =	simm.s32 $0x9;
	_ =	strace $0x80000048  }
0xb4: {  	_ =	swait.ge [sflag:s29], $0x1  }
0xb5: {  	[sflag:s29] =	ssyncadd.s32 $0xFFFFFFFF  }
0xb6: {  	_ =	strace $0x90000048  }
0xb7: {  	_ =	sfence  }
0xb8: {  	s30 =	sld [smem:$0x0];
	_ =	sdelay $0x2  }
0xb9: {  	s31 =	sshll.u32 s1, $0xD;
	s1 =	sshrl.u32 s1, $0x2  }
0xba: {  	s3 =	sand.u32 $0x4000, s31;
	s1 =	sadd.s32 s1, s30  }
0xbb: {  	s0 =	sor.u32 s3, s0;
	s1 =	sshll.u32 s1, $0x11  }
0xbc: {  	s0 =	sor.u32 s1, s0  }
0xbd: {  	s0 =	sadd.s32 $0x8F2B, s0  }
0xbe: {  	[sflag:s0] =	ssyncadd.remote.s32 $0x1  }
0xbf: {  	_ =	sfence.sel $0xFFFF  }
0xc0: {  	[dreg:$0x0] =	wrdreg $0xFFFFFFFF;
	(pc) =	sbr.abs _section_cstart, $3  }
0xc1: {  	[dreg:$0x1] =	wrdreg $0xFFFFFFFF  }
0xc2: {  	_ =	task.clear_ibuf [dreg:s7], $0x2FFFF;
	_ =	strace $0x9FFFFFFF  }
0xc3: {  	(tm) =	ssettm $0x7FFFFFFF  }
tec
execute0_lowered:
.L_overlay_start_1:
0x0: {  	(tag) =	ssettag $0x1  }
0x1: {  	s0 =	srdreg.scid;
	s1 =	rddreg [dreg:$0x0]  }
0x2: {  	s15 =	stileid.u32;
	s4 =	rddreg [dreg:$0x1];
	s3 =	simm.s32 $0x0  }
0x3: {  	s28 =	simm.s32 $0x1;
	s29 =	simm.s32 $0x3;
	s9 =	smul.u32 $0x28000, s15  }
0x4: {  	s30 =	simm.s32 $0x5;
	s31 =	simm.s32 $0x7;
	s11 =	smul.u32 $0x1400, s15  }
0x5: {  	s0 =	sand.u32 $0x1, s0;
	s2 =	sshll.u32 s15, $0x1;
	s19 =	smul.u32 $0x140000, s15  }
0x6: {  	[smem:$0x7FF] =	sst s3;
	s7 =	sadd.s32 $0x3D400, s4;
	s22 =	smul.u32 $0xA0000, s0  }
0x7: {  	s5 =	sor.u32 s0, s2;
	s8 =	ssub.s32 $0x2, s0;
	s0 =	smul.u32 $0x14000, s0  }
0x8: {  	p0 =	seq.s32 s15, $0xF;
	s2 =	rddreg [dreg:$0x2];
	s6 =	smul.u32 $0x1400, s5  }
0x9: {  	_ =	strace $0x80000047;
	s10 =	sshrl.u32 s8, $0x1;
	s12 =	smul.u32 $0xA0000, s5  }
0xa: {  	s16 =	sshrl.u32 s9, $0x2;
	s17 =	sadd.s32 s1, s11;
	s5 =	smul.u32 $0x14000, s5  }
0xb: {  	s1 =	sadd.s32 $0x12C00, s1;
	s26 =	sadd.s32 s9, s7;
	s8 =	ssub.s32 s8, s10  }
0xc: {  	s18 =	sadd.s32 s16, s2;
	[dreg:$0x4] =	wrdreg s17;
	s17 =	sadd.s32 $0x96000, s2  }
0xd: {  	[dreg:$0x5] =	wrdreg s1;
	s1 =	sadd.s32 s22, s19;
	s19 =	simm.s32 $0x9  }
0xe: {  	s22 =	simm.s32 $0x2800;
	s6 =	sshrl.u32 s6, $0x3;
	s21 =	sshrl.u32 s12, $0x3  }
0xf: {  	s23 =	smax.u32 s8, $0x1;
	s5 =	sadd.s32 $0x13800, s5;
	s1 =	sshrl.u32 s1, $0x3  }
0x10: {  	s17 =	sshrl.u32 @p0 s17, $0x3;
	s18 =	sshrl.u32 @!p0 s18, $0x3;
	s6 =	sadd.s32 s6, s4  }
0x11: {  	s4 =	sadd.s32 $0x2BD400, s4;
	[dreg:$0x8] =	wrdreg s23;
	s24 =	sadd.s32 $0x13000, s21  }
0x12: {  	s11 =	sadd.s32 s7, s5;
	s14 =	sadd.s32 s1, s7;
	s21 =	simm.s32 $0x80  }
0x13: {  	s23 =	simm.s32 $0xA800;
	s20 =	sadd.s32 $0x2E400, s6;
	s6 =	sadd.s32 $0x33400, s6  }
0x14: {  	s25 =	sadd.s32 s7, s24;
	s12 =	sadd.s32 s4, s5;
	[dreg:$0x6] =	wrdreg s20  }
0x15: {  	s13 =	sadd.s32 s1, s4;
	s1 =	sadd.s32 s0, s26;
	[dreg:$0x7] =	wrdreg s6  }
0x16: {  	s26 =	simm.s32 $0xE800;
	s5 =	simm.s32 $0x0;
	[dreg:$0x9] =	wrdreg s25  }
0x17: {  	s6 =	sadd.s32 s4, s24;
	s4 =	sadd.s32 s9, s4;
	s15 =	sadd.s32 $0x800, s1  }
0x18: {  	s20 =	simm.s32 $0x1400;
	s24 =	simm.s32 $0x6800;
	s1 =	simm.s32 $0x2  }
0x19: {  	s25 =	simm.s32 $0x6;
	[dreg:$0xa] =	wrdreg s6;
	s0 =	sadd.s32 s0, s4  }
0x1a: {  	s4 =	simm.s32 $0x8;
	s16 =	sadd.s32 $0x800, s0;
	s0 =	simm.s32 $0x4  }
.LBB2_1:
0x1b: {  	s6 =	simm.s32 @p0 $0x1FC9;
	s7 =	rddreg [dreg:$0x5]  }
0x1c: {  	[spmem:s17], [sflag:s6] =	dma.local @p0 [hbm:s7], $0xC80  }
0x1d: {  	s6 =	simm.s32 @p0 $0x9  }
0x1e: {  	s7 =	stileid.u32;
	_ =	swait.ge @p0 [sflag:s6], $0xC80  }
0x1f: {  	s7 =	sshll.u32 @!p0 s7, $0x6;
	[sflag:s6] =	ssyncset.done @p0 $0x0  }
0x20: {  	[sflag:s6] =	ssyncadd.s32 @p0 $0xFFFFF380;
	s6 =	sor.u32 @!p0 $0x1C09, s7;
	s7 =	rddreg [dreg:$0x4]  }
0x21: {  	[spmem:s18], [sflag:s6] =	dma.local @!p0 [hbm:s7], $0x1400  }
0x22: {  	s6 =	simm.s32 @!p0 $0x9  }
0x23: {  	_ =	swait.ge @!p0 [sflag:s6], $0x1400  }
0x24: {  	[sflag:s6] =	ssyncset.done @!p0 $0x0  }
0x25: {  	s9 =	rddreg [dreg:$0x6];
	[sflag:s6] =	ssyncadd.s32 @!p0 $0xFFFFEC00  }
0x26: {  	[tilespmem:s3], [sflag:$0x9] =	stream.linear.gather [hbm4b:s9+s3], $0x1400, $0x38;
	[tilespmem:$0x1C440] =	vst v63  }
0x27: {  	_ =	swait.ge [sflag:s19], $0x1400  }
0x28: {  	[sflag:s19] =	ssyncset.done $0x0  }
0x29: {  	s10 =	rddreg [dreg:$0x7];
	[sflag:s19] =	ssyncadd.s32 $0xFFFFEC00  }
0x2a: {  	[tilespmem:s20], [sflag:$0x9] =	stream.linear.gather [hbm4b:s10+s3], $0x1400, $0x38;
	[tilespmem:$0x1C440] =	vst v63  }
0x2b: {  	_ =	swait.ge [sflag:s19], $0x1400  }
0x2c: {  	[sflag:s19] =	ssyncset.done $0x0  }
0x2d: {  	[sflag:s19] =	ssyncadd.s32 $0xFFFFEC00  }
0x2e: {  	[bflag:$0x0] =	sbarrier.arrive $0xFFFF  }
0x2f: {  	[tilespmem:s22], [sflag:$0x1] =	stream.indirect.gather [spmem:s2], $0x80, s3, s21, $0xb8;
	[tilespmem:$0x1C440] =	vst v63  }
0x30: {  	_ = 	snop  }
0x31: {  	[tilespmem:s23], [sflag:$0x3] =	stream.indirect.gather [spmem:s2], $0x80, s20, s21, $0xb8;
	[tilespmem:$0x1C440] =	vst v63  }
0x32: {  	_ = 	snop  }
0x33: {  	[tilespmem:s24], [sflag:$0x2] =	stream.indirect.gather [spmem:s2], $0x80, s21, s21, $0xb8;
	[tilespmem:$0x1C440] =	vst v63  }
0x34: {  	s7 =	simm.s32 $0x1480  }
0x35: {  	[tilespmem:s26], [sflag:$0x4] =	stream.indirect.gather [spmem:s2], $0x80, s7, s21, $0xb8;
	[tilespmem:$0x1C440] =	vst v63  }
0x36: {  	_ =	swait.ge [sflag:s28], $0x4000  }
0x37: {  	[sflag:s28] =	ssyncset.done $0x0  }
0x38: {  	s8 =	sadd.s32 $0x0, s14;
	[sflag:s28] =	ssyncadd.s32 $0xFFFFC000  }
0x39: {  	[hbm4b:s8+s3] =	stream.linear.scatter [tilespmem:s22], [sflag:$0x5], $0x4000, $0x38;
	[tilespmem:$0x1C440] =	vst v63  }
0x3a: {  	_ =	swait.ge [sflag:s29], $0x4000  }
0x3b: {  	[sflag:s29] =	ssyncset.done $0x0  }
0x3c: {  	s9 =	sadd.s32 $0x0, s13;
	[sflag:s29] =	ssyncadd.s32 $0xFFFFC000  }
0x3d: {  	[hbm4b:s9+s3] =	stream.linear.scatter [tilespmem:s23], [sflag:$0x7], $0x4000, $0x38;
	[tilespmem:$0x1C440] =	vst v63  }
0x3e: {  	_ =	swait.ge [sflag:s30], $0x4000  }
0x3f: {  	[sflag:s30] =	ssyncset.done $0x0  }
0x40: {  	s10 =	simm.s32 $0x100;
	[sflag:s30] =	ssyncadd.s32 $0xFFFFC000  }
0x41: {  	[tilespmem:s22], [sflag:$0x1] =	stream.indirect.gather [spmem:s2], $0x80, s10, s21, $0xb8;
	[tilespmem:$0x1C440] =	vst v63  }
0x42: {  	_ =	swait.ge [sflag:s31], $0x4000  }
0x43: {  	[sflag:s31] =	ssyncset.done $0x0  }
0x44: {  	s7 =	simm.s32 $0x1500;
	[sflag:s31] =	ssyncadd.s32 $0xFFFFC000  }
0x45: {  	[tilespmem:s23], [sflag:$0x3] =	stream.indirect.gather [spmem:s2], $0x80, s7, s21, $0xb8;
	[tilespmem:$0x1C440] =	vst v63  }
0x46: {  	_ =	swait.ge [sflag:s1], $0x4000  }
0x47: {  	[sflag:s1] =	ssyncset.done $0x0  }
0x48: {  	s8 =	sadd.s32 $0x0, s15;
	[sflag:s1] =	ssyncadd.s32 $0xFFFFC000  }
0x49: {  	[hbm4b:s8+s3] =	stream.linear.scatter [tilespmem:s24], [sflag:$0x6], $0x4000, $0x38;
	[tilespmem:$0x1C440] =	vst v63  }
0x4a: {  	_ =	swait.ge [sflag:s0], $0x4000  }
0x4b: {  	[sflag:s0] =	ssyncset.done $0x0  }
0x4c: {  	s9 =	sadd.s32 $0x0, s16;
	[sflag:s0] =	ssyncadd.s32 $0xFFFFC000  }
0x4d: {  	[hbm4b:s9+s3] =	stream.linear.scatter [tilespmem:s26], [sflag:$0x8], $0x4000, $0x38;
	[tilespmem:$0x1C440] =	vst v63  }
0x4e: {  	_ =	swait.ge [sflag:s25], $0x4000  }
0x4f: {  	[sflag:s25] =	ssyncset.done $0x0  }
0x50: {  	s10 =	simm.s32 $0x180;
	[sflag:s25] =	ssyncadd.s32 $0xFFFFC000  }
0x51: {  	[tilespmem:s24], [sflag:$0x2] =	stream.indirect.gather [spmem:s2], $0x80, s10, s21, $0xb8;
	[tilespmem:$0x1C440] =	vst v63  }
0x52: {  	_ =	swait.ge [sflag:s4], $0x4000  }
0x53: {  	s6 =	simm.s32 $0x1000;
	s7 =	simm.s32 $0x200;
	[sflag:s4] =	ssyncset.done $0x0  }
0x54: {  	s8 =	simm.s32 $0x1600;
	s9 =	simm.s32 $0x1580;
	[sflag:s4] =	ssyncadd.s32 $0xFFFFC000  }
.LBB2_2:
0x55: {  	[tilespmem:s26], [sflag:$0x4] =	stream.indirect.gather [spmem:s2], $0x80, s9, s21, $0xb8;
	[tilespmem:$0x1C440] =	vst v63  }
0x56: {  	s9 =	smov.u32 s6  }
0x57: {  	p1 =	sne.s32 s6, $0x12000;
	s6 =	sadd.s32 $0x1000, s6;
	_ =	swait.ge [sflag:s28], $0x4000  }
0x58: {  	[sflag:s28] =	ssyncset.done $0x0  }
0x59: {  	s10 =	sadd.s32 s9, s14;
	[sflag:s28] =	ssyncadd.s32 $0xFFFFC000  }
0x5a: {  	[hbm4b:s10+s3] =	stream.linear.scatter [tilespmem:s22], [sflag:$0x5], $0x4000, $0x38;
	[tilespmem:$0x1C440] =	vst v63  }
0x5b: {  	_ =	swait.ge [sflag:s29], $0x4000  }
0x5c: {  	[sflag:s29] =	ssyncset.done $0x0  }
0x5d: {  	s10 =	sadd.s32 s9, s13;
	[sflag:s29] =	ssyncadd.s32 $0xFFFFC000  }
0x5e: {  	[hbm4b:s10+s3] =	stream.linear.scatter [tilespmem:s23], [sflag:$0x7], $0x4000, $0x38;
	[tilespmem:$0x1C440] =	vst v63  }
0x5f: {  	_ =	swait.ge [sflag:s30], $0x4000  }
0x60: {  	[sflag:s30] =	ssyncset.done $0x0  }
0x61: {  	[sflag:s30] =	ssyncadd.s32 $0xFFFFC000  }
0x62: {  	[tilespmem:s22], [sflag:$0x1] =	stream.indirect.gather [spmem:s2], $0x80, s7, s21, $0xb8;
	[tilespmem:$0x1C440] =	vst v63  }
0x63: {  	_ =	swait.ge [sflag:s31], $0x4000  }
0x64: {  	[sflag:s31] =	ssyncset.done $0x0  }
0x65: {  	[sflag:s31] =	ssyncadd.s32 $0xFFFFC000  }
0x66: {  	[tilespmem:s23], [sflag:$0x3] =	stream.indirect.gather [spmem:s2], $0x80, s8, s21, $0xb8;
	[tilespmem:$0x1C440] =	vst v63  }
0x67: {  	_ =	swait.ge [sflag:s1], $0x4000  }
0x68: {  	[sflag:s1] =	ssyncset.done $0x0  }
0x69: {  	s10 =	sadd.s32 s9, s15;
	[sflag:s1] =	ssyncadd.s32 $0xFFFFC000  }
0x6a: {  	[hbm4b:s10+s3] =	stream.linear.scatter [tilespmem:s24], [sflag:$0x6], $0x4000, $0x38;
	[tilespmem:$0x1C440] =	vst v63  }
0x6b: {  	_ =	swait.ge [sflag:s0], $0x4000  }
0x6c: {  	[sflag:s0] =	ssyncset.done $0x0  }
0x6d: {  	s9 =	sadd.s32 s9, s16;
	[sflag:s0] =	ssyncadd.s32 $0xFFFFC000  }
0x6e: {  	[hbm4b:s9+s3] =	stream.linear.scatter [tilespmem:s26], [sflag:$0x8], $0x4000, $0x38;
	[tilespmem:$0x1C440] =	vst v63  }
0x6f: {  	_ =	swait.ge [sflag:s25], $0x4000  }
0x70: {  	[sflag:s25] =	ssyncset.done $0x0  }
.Ltmp0:
0x71: {  	s9 =	sadd.s32 $0x80, s7;
	[sflag:s25] =	ssyncadd.s32 $0xFFFFC000;
	(pc) =	sbr.rel @p1 .LBB2_2-.Ltmp0, $4  }
0x72: {  	[tilespmem:s24], [sflag:$0x2] =	stream.indirect.gather [spmem:s2], $0x80, s9, s21, $0xb8;
	[tilespmem:$0x1C440] =	vst v63  }
0x73: {  	_ =	swait.ge [sflag:s4], $0x4000  }
0x74: {  	s7 =	sadd.s32 $0x100, s7;
	[sflag:s4] =	ssyncset.done $0x0  }
0x75: {  	s9 =	sadd.s32 $0x80, s8;
	s8 =	sadd.s32 $0x100, s8;
	[sflag:s4] =	ssyncadd.s32 $0xFFFFC000  }
0x76: {  	[tilespmem:s26], [sflag:$0x4] =	stream.indirect.gather [spmem:s2], $0x80, s9, s21, $0xb8;
	[tilespmem:$0x1C440] =	vst v63  }
0x77: {  	_ =	swait.ge [sflag:s28], $0x4000  }
0x78: {  	[sflag:s28] =	ssyncset.done $0x0  }
0x79: {  	s6 =	rddreg [dreg:$0x9];
	[sflag:s28] =	ssyncadd.s32 $0xFFFFC000  }
0x7a: {  	[hbm4b:s6+s3] =	stream.linear.scatter [tilespmem:s22], [sflag:$0x5], $0x4000, $0x38;
	[tilespmem:$0x1C440] =	vst v63  }
0x7b: {  	_ =	swait.ge [sflag:s29], $0x4000  }
0x7c: {  	[sflag:s29] =	ssyncset.done $0x0  }
0x7d: {  	s9 =	rddreg [dreg:$0xa];
	[sflag:s29] =	ssyncadd.s32 $0xFFFFC000  }
0x7e: {  	[hbm4b:s9+s3] =	stream.linear.scatter [tilespmem:s23], [sflag:$0x7], $0x4000, $0x38;
	[tilespmem:$0x1C440] =	vst v63  }
0x7f: {  	_ =	swait.ge [sflag:s1], $0x4000  }
0x80: {  	[sflag:s1] =	ssyncset.done $0x0  }
0x81: {  	[sflag:s1] =	ssyncadd.s32 $0xFFFFC000  }
0x82: {  	[hbm4b:s11+s3] =	stream.linear.scatter [tilespmem:s24], [sflag:$0x6], $0x4000, $0x38;
	[tilespmem:$0x1C440] =	vst v63  }
0x83: {  	_ =	swait.ge [sflag:s0], $0x4000  }
0x84: {  	[sflag:s0] =	ssyncset.done $0x0  }
0x85: {  	[sflag:s0] =	ssyncadd.s32 $0xFFFFC000  }
0x86: {  	[hbm4b:s12+s3] =	stream.linear.scatter [tilespmem:s26], [sflag:$0x8], $0x4000, $0x38;
	[tilespmem:$0x1C440] =	vst v63  }
0x87: {  	_ =	swait.ge [sflag:s30], $0x4000  }
0x88: {  	[sflag:s30] =	ssyncset.done $0x0  }
0x89: {  	[sflag:s30] =	ssyncadd.s32 $0xFFFFC000  }
0x8a: {  	_ =	swait.ge [sflag:s31], $0x4000  }
0x8b: {  	[sflag:s31] =	ssyncset.done $0x0  }
0x8c: {  	[sflag:s31] =	ssyncadd.s32 $0xFFFFC000  }
0x8d: {  	_ =	swait.ge [sflag:s25], $0x4000  }
0x8e: {  	[sflag:s25] =	ssyncset.done $0x0  }
0x8f: {  	[sflag:s25] =	ssyncadd.s32 $0xFFFFC000  }
0x90: {  	_ =	swait.ge [sflag:s4], $0x4000  }
0x91: {  	s5 =	sadd.s32 $0x1, s5;
	s10 =	rddreg [dreg:$0x8]  }
0x92: {  	p1 =	sne.s32 s5, s10  }
.Ltmp1:
0x93: {  	_ = 	snop;
	(pc) =	sbr.rel @p1 .LBB2_1-.Ltmp1, $3  }
0x94: {  	_ =	sdelay $0x1  }
0x95: {  	[sflag:s4] =	ssyncset.done $0x0  }
0x96: {  	[sflag:s4] =	ssyncadd.s32 $0xFFFFC000  }
0x97: {  	_ =	sfence.sel $0x180000  }
0x98: {  	[bflag:$0x0] =	sbarrier.arrive $0xFFFF  }
0x99: {  	_ =	strace $0x90000047  }
0x9a: {  	s0 =	stileid.u32;
	[bflag:$0x2] =	sbarrier.arrive $0xFFFF  }
0x9b: {  	p0 =	sne.s32 s0, $0x0;
	s0 =	rddreg [dreg:$0x3]  }
0x9c: {  	s0 =	sadd.s32 @!p0 $0x100000, s0  }
0x9d: {  	[sflag:s0] =	ssyncadd.tile.s32 @!p0 $0x1;
	_ =	shalt  }
.Lfunc_end2:
_tile_overlayer_lowered:
.L_overlay_start_2:
0x9e: {  	(tag) =	ssettag $0x2  }
0x9f: {  	s0 =	rddreg [dreg:$0x0];
	s2 =	stileid.u32  }
0xa0: {  	s1 =	rddreg [dreg:$0x1];
	p0 =	sne.s32 s2, $0x0  }
0xa1: {  	s3 =	rddreg [dreg:$0x2];
	[bflag:$0x3] =	sbarrier.arrive $0xFFFF;
	s2 =	simm.s32 @!p0 $0x1C09  }
0xa2: {  	[timem:s3], [sflag:s2] =	dma.local @!p0 [hbm:s0], s1  }
0xa3: {  	s0 =	simm.s32 @!p0 $0x9  }
0xa4: {  	_ =	swait.ge @!p0 [sflag:s0], s1  }
0xa5: {  	s1 =	ssub.s32 @!p0 $0x0, s1;
	[sflag:s0] =	ssyncset.done @!p0 $0x0  }
0xa6: {  	[sflag:s0] =	ssyncadd.s32 @!p0 s1  }
0xa7: {  	[bflag:$0x3] =	sbarrier.arrive $0xFFFF  }
0xa8: {  	_ =	shalt  }

// kernel: kernel.13.cloned.1.call-start
scs
__scs_entry_jumppad:
0x0: {  	(pc) =	sbr.rel $0x88, $3  }
0x1: {  	(tag) =	ssettag $0x0;
	lr =	simm.s32 $0x1  }
0x2: {  	[smem:$0x3F94] =	sst lr;
	_ =	strace $0xD0000000  }
0x3: {  	_ = 	snop  }
0x4: {  	_ = 	snop  }
0x5: {  	_ = 	snop  }
0x6: {  	_ = 	snop  }
0x7: {  	_ = 	snop  }
__scs_overlays_trampoline_lowered:
0x8: {  	[smem:$0x3FA3] =	sst s0  }
0x9: {  	[smem:$0x3FA4] =	sst s1  }
0xa: {  	[smem:$0x3FA5] =	sst s2  }
0xb: {  	[smem:$0x3FA6] =	sst s3  }
0xc: {  	[smem:$0x3FA7] =	sst s4  }
0xd: {  	[smem:$0x3FA8] =	sst s5  }
0xe: {  	[smem:$0x3FA9] =	sst s6  }
0xf: {  	[smem:$0x3FAA] =	sst s7  }
0x10: {  	[smem:$0x3FAB] =	sst s8  }
0x11: {  	[smem:$0x3FAC] =	sst s9;
	s0 =	simm.s32 @!p0 $0x0  }
0x12: {  	s1 =	sld [smem:$0x3F92];
	s0 =	simm.s32 @p0 $0x1  }
0x13: {  	[smem:$0x3FAD] =	sst s0;
	s0 =	simm.s32 @!p1 $0x0  }
0x14: {  	s2 =	sld [smem:$0x3F91];
	s0 =	simm.s32 @p1 $0x1  }
0x15: {  	[smem:$0x3FAE] =	sst s0;
	s0 =	simm.s32 @!p2 $0x0  }
0x16: {  	s3 =	sld [smem:$0x3FDB];
	s0 =	simm.s32 @p2 $0x1  }
0x17: {  	s4 =	simm.s32 $0x1BF5;
	[smem:$0x3FB0] =	sst s0  }
0x18: {  	s0 =	sld [smem:$0x3F93];
	_ =	swait.ge [sflag:s4], $0x0  }
0x19: {  	s7 =	sld [smem:$0x3F94]  }
0x1a: {  	s8 =	sadd.s32 $0xFFFFE003, lr  }
0x1b: {  	s9 =	sadd.s32 $0xFFFFFEF7, lr;
	s5 =	simm.s32 $0xFFFFFFFF;
	p2 =	slt.u32 s8, $0xFFFFF086  }
0x1c: {  	p1 =	slt.u32 s9, $0xF7A;
	s5 =	simm.s32 @!p2 $0x0  }
0x1d: {  	s5 =	simm.s32 @p1 $0x1;
	p0 =	seq.s32 s7, s2  }
0x1e: {  	s7 =	smul.u32 @!p0 $0xF7A, s2;
	p2 =	seq.s32 @!p0 s5, $0x0  }
0x1f: {  	s9 =	smul.u32 $0xF7A, s1;
	s8 =	simm.s32 @!p0 $0x1BF5;
	p2 =	por !p2, p0  }
0x20: {  	[sflag:s8] =	ssyncset.s32 @!p0 $0xFFFFF086;
	s6 =	sadd.s32 @!p0 s3, s7;
	s7 =	simm.s32 @!p0 $0x108  }
0x21: {  	s3 =	sadd.s32 s3, s9;
	s6 =	sadd.s32 @!p0 $0x88, s6;
	s7 =	simm.s32 @p2 $0x1082  }
0x22: {  	[simem:s7], [sflag:s8] =	dma.local @!p0 [hbm:s6], $0xF7A  }
0x23: {  	s9 =	sor.u32 $0xD0000000, s2;
	s6 =	simm.s32 $0x108;
	_ =	swait.ge @!p0 [sflag:s8], $0x0  }
0x24: {  	s3 =	sadd.s32 $0x88, s3;
	s6 =	simm.s32 @!p1 $0x1082;
	[sflag:s4] =	ssyncset.s32 $0xFFFFF086  }
0x25: {  	[simem:s6], [sflag:s4] =	dma.local [hbm:s3], $0xF7A  }
0x26: {  	[smem:$0x3F94] =	sst s1;
	(tag) =	ssettag s2;
	_ =	strace s9  }
0x27: {  	s1 =	sld [smem:$0x3FA4]  }
0x28: {  	s2 =	sld [smem:$0x3FA5]  }
0x29: {  	s4 =	sld [smem:$0x3FA7]  }
0x2a: {  	p0 =	seq.s32 s5, $0x0;
	s5 =	sld [smem:$0x3FA8]  }
0x2b: {  	s6 =	sld [smem:$0x3FA9]  }
0x2c: {  	s7 =	sld [smem:$0x3FAA]  }
0x2d: {  	s3 =	simm.s32 $0x108;
	s8 =	sld [smem:$0x3FAB]  }
0x2e: {  	s3 =	simm.s32 @!p0 $0x1082;
	s9 =	sld [smem:$0x3FAC]  }
0x2f: {  	lr =	sadd.s32 s0, s3;
	s0 =	sld [smem:$0x3FA3]  }
0x30: {  	s3 =	sld [smem:$0x3FA6]  }
0x31: {  	[smem:$0x3FAF] =	sst s10  }
0x32: {  	s10 =	sld [smem:$0x3FAD];
	_ =	sdelay $0x3  }
0x33: {  	p0 =	seq.s32 s10, $0x1;
	s10 =	sld [smem:$0x3FAF];
	_ =	sdelay $0x3  }
0x34: {  	[smem:$0x3FAF] =	sst s10  }
0x35: {  	s10 =	sld [smem:$0x3FAE];
	_ =	sdelay $0x3  }
0x36: {  	p1 =	seq.s32 s10, $0x1;
	s10 =	sld [smem:$0x3FAF];
	_ =	sdelay $0x3  }
0x37: {  	[smem:$0x3FAF] =	sst s10  }
0x38: {  	s10 =	sld [smem:$0x3FB0]  }
0x39: {  	_ = 	snop;
	(pc) =	sbr.ind lr, $3  }
0x3a: {  	_ = 	snop  }
0x3b: {  	_ = 	snop  }
0x3c: {  	p2 =	seq.s32 s10, $0x1;
	s10 =	sld [smem:$0x3FAF]  }
0x3d: {  	_ =	shalt  }
0x3e: {  	_ =	shalt  }
0x3f: {  	_ =	shalt  }
0x40: {  	_ =	shalt  }
0x41: {  	_ =	shalt  }
0x42: {  	_ =	shalt  }
0x43: {  	_ =	shalt  }
0x44: {  	_ =	shalt  }
0x45: {  	_ =	shalt  }
0x46: {  	_ =	shalt  }
0x47: {  	_ =	shalt  }
0x48: {  	_ =	shalt  }
0x49: {  	_ =	shalt  }
0x4a: {  	_ =	shalt  }
0x4b: {  	_ =	shalt  }
0x4c: {  	_ =	shalt  }
0x4d: {  	_ =	shalt  }
0x4e: {  	_ =	shalt  }
0x4f: {  	_ =	shalt  }
0x50: {  	_ =	shalt  }
0x51: {  	_ =	shalt  }
0x52: {  	_ =	shalt  }
0x53: {  	_ =	shalt  }
0x54: {  	_ =	shalt  }
0x55: {  	_ =	shalt  }
0x56: {  	_ =	shalt  }
0x57: {  	_ =	shalt  }
0x58: {  	_ =	shalt  }
0x59: {  	_ =	shalt  }
0x5a: {  	_ =	shalt  }
0x5b: {  	_ =	shalt  }
0x5c: {  	_ =	shalt  }
0x5d: {  	_ =	shalt  }
0x5e: {  	_ =	shalt  }
0x5f: {  	_ =	shalt  }
0x60: {  	_ =	shalt  }
0x61: {  	_ =	shalt  }
0x62: {  	_ =	shalt  }
0x63: {  	_ =	shalt  }
0x64: {  	_ =	shalt  }
0x65: {  	_ =	shalt  }
0x66: {  	_ =	shalt  }
0x67: {  	_ =	shalt  }
0x68: {  	_ =	shalt  }
0x69: {  	_ =	shalt  }
0x6a: {  	_ =	shalt  }
0x6b: {  	_ =	shalt  }
0x6c: {  	_ =	shalt  }
0x6d: {  	_ =	shalt  }
0x6e: {  	_ =	shalt  }
0x6f: {  	_ =	shalt  }
0x70: {  	_ =	shalt  }
0x71: {  	_ =	shalt  }
0x72: {  	_ =	shalt  }
0x73: {  	_ =	shalt  }
0x74: {  	_ =	shalt  }
0x75: {  	_ =	shalt  }
0x76: {  	_ =	shalt  }
0x77: {  	_ =	shalt  }
0x78: {  	_ =	shalt  }
0x79: {  	_ =	shalt  }
0x7a: {  	_ =	shalt  }
0x7b: {  	_ =	shalt  }
0x7c: {  	_ =	shalt  }
0x7d: {  	_ =	shalt  }
0x7e: {  	_ =	shalt  }
0x7f: {  	_ =	shalt  }
0x80: {  	_ =	shalt  }
0x81: {  	_ =	shalt  }
0x82: {  	_ =	shalt  }
0x83: {  	_ =	shalt  }
0x84: {  	_ =	shalt  }
0x85: {  	_ =	shalt  }
0x86: {  	_ =	shalt  }
0x87: {  	_ =	shalt  }
.Lfunc_end0:
.L_simem_size_0:
called_computation.1_lowered:
.L_overlay_start_0:
0x88: {  	s2 =	sld [smem:$0x3FD9]  }
0x89: {  	s3 =	sld [smem:$0x3FFE];
	_ =	sdelay $0x1  }
0x8a: {  	s1 =	srdreg.scid  }
0x8b: {  	s0 =	sand.u32 $0x1, s1  }
0x8c: {  	s17 =	sshll.u32 s0, $0xA;
	s2 =	sadd.s32 s3, s2  }
0x8d: {  	s2 =	sadd.s32 s2, s17  }
0x8e: {  	[smem:$0x3FBB] =	sst s2  }
0x8f: {  	_ = 	snop  }
0x90: {  	s2 =	sld [smem:$0x3FD0];
	(tm) =	ssettm $0x1  }
0x91: {  	s18 =	sld [smem:$0x3FFB];
	_ =	sdelay $0x3  }
0x92: {  	_ =	strace s18  }
0x93: {  	s3 =	sld [smem:$0x3FFC];
	_ =	sdelay $0x3  }
0x94: {  	_ =	strace s3  }
0x95: {  	s3 =	sld [smem:$0x3FFD];
	_ =	sdelay $0x3  }
0x96: {  	_ =	strace s3  }
0x97: {  	_ =	strace $0x8FFFFFFF  }
0x98: {  	s19 =	sld [smem:$0x3FDB];
	_ =	sdelay $0x1  }
0x99: {  	s4 =	simm.s32 $_scs_section_size  }
0x9a: {  	s5 =	simm.s32 $_size__tile_overlayer_lowered;
	s6 =	simm.s32 $_tile_overlayer_lowered  }
0x9b: {  	s22 =	simm.s32 $0x1BFF;
	s21 =	sshll.u32 s6, $0x1;
	s3 =	sadd.s32 s4, s19  }
0x9c: {  	s7 =	simm.s32 $0x0;
	s20 =	sshll.u32 s5, $0x1;
	s5 =	sadd.s32 s21, s3  }
0x9d: {  	[timem:s7], [sflag:s22] =	dma.local [hbm:s5], s20  }
0x9e: {  	_ =	swait.ge [sflag:s22], s20  }
0x9f: {  	s4 =	ssub.s32 $0x0, s20;
	[sflag:s22] =	ssyncset.done $0x0  }
0xa0: {  	[sflag:s22] =	ssyncadd.s32 s4;
	_ =	sdelay $0x1  }
0xa1: {  	s23 =	simm.s32 $0x1B8B  }
0xa2: {  	_ =	swait.ge [sflag:s23], $0x1  }
0xa3: {  	[sflag:s23] =	ssyncset.done $0x0  }
0xa4: {  	s25 =	simm.s32 $0x1B8E;
	s24 =	sld [smem:$0x3FFE];
	[sflag:s23] =	ssyncadd.s32 $0xFFFFFFFF  }
0xa5: {  	s26 =	simm.s32 $execute0_lowered;
	[smem:$0x3FD2] =	sst s25  }
0xa6: {  	s5 =	sshll.u32 s26, $0x1;
	_ =	strace $0x80000049;
	[dreg:$0x1] =	wrdreg $0xFFFFFFFF  }
0xa7: {  	s28 =	simm.s32 $_size_execute0_lowered;
	s3 =	sadd.s32 s3, s5;
	[dreg:$0x0] =	wrdreg $0x0  }
0xa8: {  	s5 =	sshll.u32 s28, $0x1;
	[dreg:$0x2] =	wrdreg s3  }
0xa9: {  	[dreg:$0x3] =	wrdreg s5  }
0xaa: {  	[dreg:$0x4] =	wrdreg $0xC0  }
0xab: {  	_ =	task [dreg:s7], $0x5FFFF  }
0xac: {  	[dreg:$0x1] =	wrdreg $0xFFFFFFFF  }
0xad: {  	[dreg:$0x0] =	wrdreg $0x60  }
0xae: {  	[dreg:$0x2] =	wrdreg s24  }
0xaf: {  	[dreg:$0x3] =	wrdreg s2  }
0xb0: {  	[dreg:$0x4] =	wrdreg $0x68000  }
0xb1: {  	[dreg:$0x5] =	wrdreg $0x9  }
0xb2: {  	_ =	task.clear_ibuf [dreg:s7], $0x6FFFF;
	_ =	strace $0x90000049  }
0xb3: {  	s29 =	simm.s32 $0x9;
	_ =	strace $0x8000004B  }
0xb4: {  	_ =	swait.ge [sflag:s29], $0x1  }
0xb5: {  	[sflag:s29] =	ssyncadd.s32 $0xFFFFFFFF  }
0xb6: {  	_ =	strace $0x9000004B  }
0xb7: {  	_ =	sfence  }
0xb8: {  	s30 =	sld [smem:$0x0];
	_ =	sdelay $0x2  }
0xb9: {  	s31 =	sshll.u32 s1, $0xD;
	s1 =	sshrl.u32 s1, $0x2  }
0xba: {  	s3 =	sand.u32 $0x4000, s31;
	s1 =	sadd.s32 s1, s30  }
0xbb: {  	s0 =	sor.u32 s3, s0;
	s1 =	sshll.u32 s1, $0x11  }
0xbc: {  	s0 =	sor.u32 s1, s0  }
0xbd: {  	s0 =	sadd.s32 $0x8F2B, s0  }
0xbe: {  	[sflag:s0] =	ssyncadd.remote.s32 $0x1  }
0xbf: {  	_ =	sfence.sel $0xFFFF  }
0xc0: {  	[dreg:$0x0] =	wrdreg $0xFFFFFFFF;
	(pc) =	sbr.abs _section_cstart, $3  }
0xc1: {  	[dreg:$0x1] =	wrdreg $0xFFFFFFFF  }
0xc2: {  	_ =	task.clear_ibuf [dreg:s7], $0x2FFFF;
	_ =	strace $0x9FFFFFFF  }
0xc3: {  	(tm) =	ssettm $0x7FFFFFFF  }
tec
execute0_lowered:
.L_overlay_start_1:
0x0: {  	(tag) =	ssettag $0x1  }
0x1: {  	s4 =	rddreg [dreg:$0x0];
	s0 =	srdreg.scid  }
0x2: {  	s8 =	rddreg [dreg:$0x1];
	s5 =	sand.u32 $0x1, s0  }
0x3: {  	s0 =	stileid.u32;
	s6 =	smul.u32 $0x1400000, s5  }
0x4: {  	s2 =	rddreg [dreg:$0x2];
	s7 =	smul.u32 $0x140000, s0  }
0x5: {  	s1 =	rddreg [dreg:$0x3];
	s24 =	smul.u32 $0x2800, s0  }
0x6: {  	s3 =	simm.s32 $0x0;
	s17 =	simm.s32 $0x0;
	s9 =	smul.u32 $0x13C00, s0  }
0x7: {  	[smem:$0x7FF] =	sst s3;
	s15 =	sadd.s32 $0x128400, s2;
	s26 =	smul.u32 $0x4F000, s0  }
0x8: {  	_ =	strace $0x8000004A;
	s12 =	ssub.s32 $0x2, s5;
	s14 =	smul.u32 $0x138800, s5  }
0x9: {  	s29 =	sshll.u32 s0, $0x6;
	p0 =	seq.s32 s0, $0xF;
	s13 =	sshrl.u32 s12, $0x1  }
0xa: {  	s5 =	sor.u32 $0x1C01, s29;
	s15 =	sshrl.u32 @p0 s15, $0x3;
	s6 =	sadd.s32 s7, s6  }
0xb: {  	s25 =	sshrl.u32 s24, $0x3;
	s11 =	sshrl.u32 s9, $0x3;
	s7 =	sshrl.u32 s26, $0x2  }
0xc: {  	s28 =	ssub.s32 s12, s13;
	s30 =	sadd.s32 s9, s14;
	s31 =	sshrl.u32 s14, $0x3  }
0xd: {  	s12 =	simm.s32 $0x1;
	s13 =	simm.s32 $0x2800;
	s14 =	simm.s32 $0x80  }
0xe: {  	s6 =	sshrl.u32 s6, $0x3;
	s16 =	sadd.s32 s7, s2;
	s7 =	sshrl.u32 s30, $0x3  }
0xf: {  	s9 =	smax.u32 s28, $0x1;
	s10 =	sadd.s32 s6, s4;
	s6 =	sadd.s32 s25, s4  }
0x10: {  	s4 =	sadd.s32 s11, s4;
	s7 =	sadd.s32 s8, s7;
	s8 =	sadd.s32 s8, s31  }
0x11: {  	s11 =	sshrl.u32 s16, $0x3;
	s16 =	sshrl.u32 @!p0 s16, $0x3;
	s4 =	sadd.s32 $0x3D400, s4  }
0x12: {  	s6 =	sadd.s32 $0x38400, s6;
	s8 =	sadd.s32 $0x25080, s8;
	s10 =	sadd.s32 $0x7C5A00, s10  }
.LBB2_1:
0x13: {  	[spmem:s11], [sflag:s5] =	dma.local [hbm:s4], $0x2780  }
0x14: {  	_ =	swait.ge [sflag:s12], $0x2780  }
0x15: {  	[sflag:s12] =	ssyncset.done $0x0  }
0x16: {  	[sflag:s12] =	ssyncadd.s32 $0xFFFFD880  }
0x17: {  	[tilespmem:s3], [sflag:$0x1] =	stream.linear.gather [hbm4b:s6+s3], $0x2800, $0x38;
	[tilespmem:$0x1A400] =	vst v63  }
0x18: {  	_ =	swait.ge [sflag:s12], $0x2800  }
0x19: {  	[sflag:s12] =	ssyncset.done $0x0  }
0x1a: {  	[sflag:s12] =	ssyncadd.s32 $0xFFFFD800  }
0x1b: {  	[bflag:$0x0] =	sbarrier.arrive $0xFFFF  }
0x1c: {  	[tilespmem:s13], [sflag:$0x1] =	stream.linear.gather [hbm4b:s10+s3], $0x4000, $0x38;
	[tilespmem:$0x1A400] =	vst v63  }
0x1d: {  	_ =	swait.ge [sflag:s12], $0x4000  }
0x1e: {  	[sflag:s12] =	ssyncset.done $0x0  }
0x1f: {  	s18 =	simm.s32 $0x0;
	[sflag:s12] =	ssyncadd.s32 $0xFFFFC000  }
0x20: {  	[spmem:s2] =	stream.indirect.scatter.add.f32 [tilespmem:s13], [sflag:$0x1], $0x80, s18, s14, $0xb8;
	[tilespmem:$0x1A400] =	vst v63  }
0x21: {  	_ =	swait.ge [sflag:s12], $0x4000  }
0x22: {  	s19 =	smov.u32 s10;
	s18 =	simm.s32 $0x200;
	[sflag:s12] =	ssyncset.done $0x0  }
.LBB2_2:
0x23: {  	p1 =	sne.s32 s18, $0x9E00;
	[sflag:s12] =	ssyncadd.s32 $0xFFFFC000;
	s19 =	sadd.s32 $0x800, s19  }
0x24: {  	[tilespmem:s13], [sflag:$0x1] =	stream.linear.gather [hbm4b:s19+s3], $0x4000, $0x38;
	[tilespmem:$0x1A400] =	vst v63  }
0x25: {  	s20 =	smov.u32 s18;
	s18 =	sadd.s32 $0x200, s18;
	_ =	swait.ge [sflag:s12], $0x4000  }
.Ltmp0:
0x26: {  	[sflag:s12] =	ssyncset.done $0x0;
	(pc) =	sbr.rel @p1 .LBB2_2-.Ltmp0, $4  }
0x27: {  	s20 =	sshra.s32 s20, $0x2;
	[sflag:s12] =	ssyncadd.s32 $0xFFFFC000  }
0x28: {  	[spmem:s2] =	stream.indirect.scatter.add.f32 [tilespmem:s13], [sflag:$0x1], $0x80, s20, s14, $0xb8;
	[tilespmem:$0x1A400] =	vst v63  }
0x29: {  	_ =	swait.ge [sflag:s12], $0x4000  }
0x2a: {  	[sflag:s12] =	ssyncset.done $0x0  }
0x2b: {  	[sflag:s12] =	ssyncadd.s32 $0xFFFFC000  }
0x2c: {  	s18 =	simm.s32 @p0 $0x1;
	[bflag:$0x0] =	sbarrier.arrive $0xFFFF  }
0x2d: {  	[hbm:s8], [sflag:s5] =	dma.local @p0 [spmem:s15], $0x2080  }
0x2e: {  	s17 =	sadd.s32 $0x1, s17;
	_ =	swait.ge @p0 [sflag:s18], $0x2080  }
0x2f: {  	p1 =	sne.s32 s17, s9;
	[sflag:s18] =	ssyncset.done @p0 $0x0  }
.Ltmp1:
0x30: {  	[sflag:s18] =	ssyncadd.s32 @p0 $0xFFFFDF80;
	s18 =	simm.s32 @!p0 $0x1;
	(pc) =	sbr.rel @p1 .LBB2_1-.Ltmp1, $4  }
0x31: {  	[hbm:s7], [sflag:s5] =	dma.local @!p0 [spmem:s16], $0x2780  }
0x32: {  	_ =	swait.ge @!p0 [sflag:s18], $0x2780  }
0x33: {  	[sflag:s18] =	ssyncset.done @!p0 $0x0  }
0x34: {  	[sflag:s18] =	ssyncadd.s32 @!p0 $0xFFFFD880  }
0x35: {  	_ =	sfence.sel $0x180000  }
0x36: {  	[bflag:$0x0] =	sbarrier.arrive $0xFFFF  }
0x37: {  	p0 =	sne.s32 s0, $0x0;
	_ =	strace $0x9000004A  }
0x38: {  	s0 =	sadd.s32 @!p0 $0x100000, s1;
	[bflag:$0x2] =	sbarrier.arrive $0xFFFF  }
0x39: {  	[sflag:s0] =	ssyncadd.tile.s32 @!p0 $0x1;
	_ =	shalt  }
.Lfunc_end2:
_tile_overlayer_lowered:
.L_overlay_start_2:
0x3a: {  	(tag) =	ssettag $0x2  }
0x3b: {  	s0 =	rddreg [dreg:$0x0];
	s2 =	stileid.u32  }
0x3c: {  	s1 =	rddreg [dreg:$0x1];
	p0 =	sne.s32 s2, $0x0  }
0x3d: {  	s3 =	rddreg [dreg:$0x2];
	[bflag:$0x3] =	sbarrier.arrive $0xFFFF;
	s2 =	simm.s32 @!p0 $0x1C01  }
0x3e: {  	[timem:s3], [sflag:s2] =	dma.local @!p0 [hbm:s0], s1  }
0x3f: {  	s0 =	simm.s32 @!p0 $0x1  }
0x40: {  	_ =	swait.ge @!p0 [sflag:s0], s1  }
0x41: {  	s1 =	ssub.s32 @!p0 $0x0, s1;
	[sflag:s0] =	ssyncset.done @!p0 $0x0  }
0x42: {  	[sflag:s0] =	ssyncadd.s32 @!p0 s1  }
0x43: {  	[bflag:$0x3] =	sbarrier.arrive $0xFFFF  }
0x44: {  	_ =	shalt  }

// kernel: kernel.16.cloned.1.call-start
scs
__scs_entry_jumppad:
0x0: {  	(pc) =	sbr.rel $0x88, $3  }
0x1: {  	(tag) =	ssettag $0x0;
	lr =	simm.s32 $0x1  }
0x2: {  	[smem:$0x3F94] =	sst lr;
	_ =	strace $0xD0000000  }
0x3: {  	_ = 	snop  }
0x4: {  	_ = 	snop  }
0x5: {  	_ = 	snop  }
0x6: {  	_ = 	snop  }
0x7: {  	_ = 	snop  }
__scs_overlays_trampoline_lowered:
0x8: {  	[smem:$0x3FA3] =	sst s0  }
0x9: {  	[smem:$0x3FA4] =	sst s1  }
0xa: {  	[smem:$0x3FA5] =	sst s2  }
0xb: {  	[smem:$0x3FA6] =	sst s3  }
0xc: {  	[smem:$0x3FA7] =	sst s4  }
0xd: {  	[smem:$0x3FA8] =	sst s5  }
0xe: {  	[smem:$0x3FA9] =	sst s6  }
0xf: {  	[smem:$0x3FAA] =	sst s7  }
0x10: {  	[smem:$0x3FAB] =	sst s8  }
0x11: {  	[smem:$0x3FAC] =	sst s9;
	s0 =	simm.s32 @!p0 $0x0  }
0x12: {  	s1 =	sld [smem:$0x3F92];
	s0 =	simm.s32 @p0 $0x1  }
0x13: {  	[smem:$0x3FAD] =	sst s0;
	s0 =	simm.s32 @!p1 $0x0  }
0x14: {  	s2 =	sld [smem:$0x3F91];
	s0 =	simm.s32 @p1 $0x1  }
0x15: {  	[smem:$0x3FAE] =	sst s0;
	s0 =	simm.s32 @!p2 $0x0  }
0x16: {  	s3 =	sld [smem:$0x3FDB];
	s0 =	simm.s32 @p2 $0x1  }
0x17: {  	s4 =	simm.s32 $0x1BF5;
	[smem:$0x3FB0] =	sst s0  }
0x18: {  	s0 =	sld [smem:$0x3F93];
	_ =	swait.ge [sflag:s4], $0x0  }
0x19: {  	s7 =	sld [smem:$0x3F94]  }
0x1a: {  	s8 =	sadd.s32 $0xFFFFE003, lr  }
0x1b: {  	s9 =	sadd.s32 $0xFFFFFEF7, lr;
	s5 =	simm.s32 $0xFFFFFFFF;
	p2 =	slt.u32 s8, $0xFFFFF086  }
0x1c: {  	p1 =	slt.u32 s9, $0xF7A;
	s5 =	simm.s32 @!p2 $0x0  }
0x1d: {  	s5 =	simm.s32 @p1 $0x1;
	p0 =	seq.s32 s7, s2  }
0x1e: {  	s7 =	smul.u32 @!p0 $0xF7A, s2;
	p2 =	seq.s32 @!p0 s5, $0x0  }
0x1f: {  	s9 =	smul.u32 $0xF7A, s1;
	s8 =	simm.s32 @!p0 $0x1BF5;
	p2 =	por !p2, p0  }
0x20: {  	[sflag:s8] =	ssyncset.s32 @!p0 $0xFFFFF086;
	s6 =	sadd.s32 @!p0 s3, s7;
	s7 =	simm.s32 @!p0 $0x108  }
0x21: {  	s3 =	sadd.s32 s3, s9;
	s6 =	sadd.s32 @!p0 $0x88, s6;
	s7 =	simm.s32 @p2 $0x1082  }
0x22: {  	[simem:s7], [sflag:s8] =	dma.local @!p0 [hbm:s6], $0xF7A  }
0x23: {  	s9 =	sor.u32 $0xD0000000, s2;
	s6 =	simm.s32 $0x108;
	_ =	swait.ge @!p0 [sflag:s8], $0x0  }
0x24: {  	s3 =	sadd.s32 $0x88, s3;
	s6 =	simm.s32 @!p1 $0x1082;
	[sflag:s4] =	ssyncset.s32 $0xFFFFF086  }
0x25: {  	[simem:s6], [sflag:s4] =	dma.local [hbm:s3], $0xF7A  }
0x26: {  	[smem:$0x3F94] =	sst s1;
	(tag) =	ssettag s2;
	_ =	strace s9  }
0x27: {  	s1 =	sld [smem:$0x3FA4]  }
0x28: {  	s2 =	sld [smem:$0x3FA5]  }
0x29: {  	s4 =	sld [smem:$0x3FA7]  }
0x2a: {  	p0 =	seq.s32 s5, $0x0;
	s5 =	sld [smem:$0x3FA8]  }
0x2b: {  	s6 =	sld [smem:$0x3FA9]  }
0x2c: {  	s7 =	sld [smem:$0x3FAA]  }
0x2d: {  	s3 =	simm.s32 $0x108;
	s8 =	sld [smem:$0x3FAB]  }
0x2e: {  	s3 =	simm.s32 @!p0 $0x1082;
	s9 =	sld [smem:$0x3FAC]  }
0x2f: {  	lr =	sadd.s32 s0, s3;
	s0 =	sld [smem:$0x3FA3]  }
0x30: {  	s3 =	sld [smem:$0x3FA6]  }
0x31: {  	[smem:$0x3FAF] =	sst s10  }
0x32: {  	s10 =	sld [smem:$0x3FAD];
	_ =	sdelay $0x3  }
0x33: {  	p0 =	seq.s32 s10, $0x1;
	s10 =	sld [smem:$0x3FAF];
	_ =	sdelay $0x3  }
0x34: {  	[smem:$0x3FAF] =	sst s10  }
0x35: {  	s10 =	sld [smem:$0x3FAE];
	_ =	sdelay $0x3  }
0x36: {  	p1 =	seq.s32 s10, $0x1;
	s10 =	sld [smem:$0x3FAF];
	_ =	sdelay $0x3  }
0x37: {  	[smem:$0x3FAF] =	sst s10  }
0x38: {  	s10 =	sld [smem:$0x3FB0]  }
0x39: {  	_ = 	snop;
	(pc) =	sbr.ind lr, $3  }
0x3a: {  	_ = 	snop  }
0x3b: {  	_ = 	snop  }
0x3c: {  	p2 =	seq.s32 s10, $0x1;
	s10 =	sld [smem:$0x3FAF]  }
0x3d: {  	_ =	shalt  }
0x3e: {  	_ =	shalt  }
0x3f: {  	_ =	shalt  }
0x40: {  	_ =	shalt  }
0x41: {  	_ =	shalt  }
0x42: {  	_ =	shalt  }
0x43: {  	_ =	shalt  }
0x44: {  	_ =	shalt  }
0x45: {  	_ =	shalt  }
0x46: {  	_ =	shalt  }
0x47: {  	_ =	shalt  }
0x48: {  	_ =	shalt  }
0x49: {  	_ =	shalt  }
0x4a: {  	_ =	shalt  }
0x4b: {  	_ =	shalt  }
0x4c: {  	_ =	shalt  }
0x4d: {  	_ =	shalt  }
0x4e: {  	_ =	shalt  }
0x4f: {  	_ =	shalt  }
0x50: {  	_ =	shalt  }
0x51: {  	_ =	shalt  }
0x52: {  	_ =	shalt  }
0x53: {  	_ =	shalt  }
0x54: {  	_ =	shalt  }
0x55: {  	_ =	shalt  }
0x56: {  	_ =	shalt  }
0x57: {  	_ =	shalt  }
0x58: {  	_ =	shalt  }
0x59: {  	_ =	shalt  }
0x5a: {  	_ =	shalt  }
0x5b: {  	_ =	shalt  }
0x5c: {  	_ =	shalt  }
0x5d: {  	_ =	shalt  }
0x5e: {  	_ =	shalt  }
0x5f: {  	_ =	shalt  }
0x60: {  	_ =	shalt  }
0x61: {  	_ =	shalt  }
0x62: {  	_ =	shalt  }
0x63: {  	_ =	shalt  }
0x64: {  	_ =	shalt  }
0x65: {  	_ =	shalt  }
0x66: {  	_ =	shalt  }
0x67: {  	_ =	shalt  }
0x68: {  	_ =	shalt  }
0x69: {  	_ =	shalt  }
0x6a: {  	_ =	shalt  }
0x6b: {  	_ =	shalt  }
0x6c: {  	_ =	shalt  }
0x6d: {  	_ =	shalt  }
0x6e: {  	_ =	shalt  }
0x6f: {  	_ =	shalt  }
0x70: {  	_ =	shalt  }
0x71: {  	_ =	shalt  }
0x72: {  	_ =	shalt  }
0x73: {  	_ =	shalt  }
0x74: {  	_ =	shalt  }
0x75: {  	_ =	shalt  }
0x76: {  	_ =	shalt  }
0x77: {  	_ =	shalt  }
0x78: {  	_ =	shalt  }
0x79: {  	_ =	shalt  }
0x7a: {  	_ =	shalt  }
0x7b: {  	_ =	shalt  }
0x7c: {  	_ =	shalt  }
0x7d: {  	_ =	shalt  }
0x7e: {  	_ =	shalt  }
0x7f: {  	_ =	shalt  }
0x80: {  	_ =	shalt  }
0x81: {  	_ =	shalt  }
0x82: {  	_ =	shalt  }
0x83: {  	_ =	shalt  }
0x84: {  	_ =	shalt  }
0x85: {  	_ =	shalt  }
0x86: {  	_ =	shalt  }
0x87: {  	_ =	shalt  }
.Lfunc_end0:
.L_simem_size_0:
called_computation.2_lowered:
.L_overlay_start_0:
0x88: {  	s2 =	sld [smem:$0x3FD9]  }
0x89: {  	s3 =	sld [smem:$0x3FFE];
	_ =	sdelay $0x1  }
0x8a: {  	s1 =	srdreg.scid  }
0x8b: {  	s0 =	sand.u32 $0x1, s1  }
0x8c: {  	s17 =	sshll.u32 s0, $0xA;
	s2 =	sadd.s32 s3, s2  }
0x8d: {  	s2 =	sadd.s32 s2, s17  }
0x8e: {  	[smem:$0x3FBB] =	sst s2  }
0x8f: {  	_ = 	snop  }
0x90: {  	s2 =	sld [smem:$0x3FD0];
	(tm) =	ssettm $0x1  }
0x91: {  	s18 =	sld [smem:$0x3FFB];
	_ =	sdelay $0x3  }
0x92: {  	_ =	strace s18  }
0x93: {  	s3 =	sld [smem:$0x3FFC];
	_ =	sdelay $0x3  }
0x94: {  	_ =	strace s3  }
0x95: {  	s3 =	sld [smem:$0x3FFD];
	_ =	sdelay $0x3  }
0x96: {  	_ =	strace s3  }
0x97: {  	_ =	strace $0x8FFFFFFF  }
0x98: {  	s19 =	sld [smem:$0x3FDB];
	_ =	sdelay $0x1  }
0x99: {  	s4 =	simm.s32 $_scs_section_size  }
0x9a: {  	s5 =	simm.s32 $_size__tile_overlayer_lowered;
	s6 =	simm.s32 $_tile_overlayer_lowered  }
0x9b: {  	s22 =	simm.s32 $0x1BFF;
	s21 =	sshll.u32 s6, $0x1;
	s3 =	sadd.s32 s4, s19  }
0x9c: {  	s7 =	simm.s32 $0x0;
	s20 =	sshll.u32 s5, $0x1;
	s5 =	sadd.s32 s21, s3  }
0x9d: {  	[timem:s7], [sflag:s22] =	dma.local [hbm:s5], s20  }
0x9e: {  	_ =	swait.ge [sflag:s22], s20  }
0x9f: {  	s4 =	ssub.s32 $0x0, s20;
	[sflag:s22] =	ssyncset.done $0x0  }
0xa0: {  	[sflag:s22] =	ssyncadd.s32 s4;
	_ =	sdelay $0x1  }
0xa1: {  	s23 =	simm.s32 $0x1B8B  }
0xa2: {  	_ =	swait.ge [sflag:s23], $0x1  }
0xa3: {  	[sflag:s23] =	ssyncset.done $0x0  }
0xa4: {  	s25 =	simm.s32 $0x1B8E;
	s24 =	sld [smem:$0x3FFE];
	[sflag:s23] =	ssyncadd.s32 $0xFFFFFFFF  }
0xa5: {  	s26 =	simm.s32 $execute0_lowered;
	[smem:$0x3FD2] =	sst s25  }
0xa6: {  	s5 =	sshll.u32 s26, $0x1;
	_ =	strace $0x8000004C;
	[dreg:$0x1] =	wrdreg $0xFFFFFFFF  }
0xa7: {  	s28 =	simm.s32 $_size_execute0_lowered;
	s3 =	sadd.s32 s3, s5;
	[dreg:$0x0] =	wrdreg $0x0  }
0xa8: {  	s5 =	sshll.u32 s28, $0x1;
	[dreg:$0x2] =	wrdreg s3  }
0xa9: {  	[dreg:$0x3] =	wrdreg s5  }
0xaa: {  	[dreg:$0x4] =	wrdreg $0xC0  }
0xab: {  	_ =	task [dreg:s7], $0x5FFFF  }
0xac: {  	[dreg:$0x1] =	wrdreg $0xFFFFFFFF  }
0xad: {  	[dreg:$0x0] =	wrdreg $0x60  }
0xae: {  	[dreg:$0x2] =	wrdreg s2  }
0xaf: {  	[dreg:$0x3] =	wrdreg s24  }
0xb0: {  	[dreg:$0x4] =	wrdreg $0x128000  }
0xb1: {  	[dreg:$0x5] =	wrdreg $0x9  }
0xb2: {  	_ =	task.clear_ibuf [dreg:s7], $0x6FFFF;
	_ =	strace $0x9000004C  }
0xb3: {  	s29 =	simm.s32 $0x9;
	_ =	strace $0x8000004E  }
0xb4: {  	_ =	swait.ge [sflag:s29], $0x1  }
0xb5: {  	[sflag:s29] =	ssyncadd.s32 $0xFFFFFFFF  }
0xb6: {  	_ =	strace $0x9000004E  }
0xb7: {  	_ =	sfence  }
0xb8: {  	s30 =	sld [smem:$0x0];
	_ =	sdelay $0x2  }
0xb9: {  	s31 =	sshll.u32 s1, $0xD;
	s1 =	sshrl.u32 s1, $0x2  }
0xba: {  	s3 =	sand.u32 $0x4000, s31;
	s1 =	sadd.s32 s1, s30  }
0xbb: {  	s0 =	sor.u32 s3, s0;
	s1 =	sshll.u32 s1, $0x11  }
0xbc: {  	s0 =	sor.u32 s1, s0  }
0xbd: {  	s0 =	sadd.s32 $0x8F2B, s0  }
0xbe: {  	[sflag:s0] =	ssyncadd.remote.s32 $0x1  }
0xbf: {  	_ =	sfence.sel $0xFFFF  }
0xc0: {  	[dreg:$0x0] =	wrdreg $0xFFFFFFFF;
	(pc) =	sbr.abs _section_cstart, $3  }
0xc1: {  	[dreg:$0x1] =	wrdreg $0xFFFFFFFF  }
0xc2: {  	_ =	task.clear_ibuf [dreg:s7], $0x2FFFF;
	_ =	strace $0x9FFFFFFF  }
0xc3: {  	(tm) =	ssettm $0x7FFFFFFF  }
tec
execute0_lowered:
.L_overlay_start_1:
0x0: {  	(tag) =	ssettag $0x1  }
0x1: {  	s0 =	srdreg.scid;
	s1 =	rddreg [dreg:$0x0]  }
0x2: {  	s15 =	stileid.u32;
	s4 =	rddreg [dreg:$0x1];
	s3 =	simm.s32 $0x0  }
0x3: {  	s28 =	simm.s32 $0x1;
	s29 =	simm.s32 $0x3;
	s9 =	smul.u32 $0x28000, s15  }
0x4: {  	s30 =	simm.s32 $0x5;
	s31 =	simm.s32 $0x7;
	s11 =	smul.u32 $0x1400, s15  }
0x5: {  	s0 =	sand.u32 $0x1, s0;
	s2 =	sshll.u32 s15, $0x1;
	s19 =	smul.u32 $0x140000, s15  }
0x6: {  	[smem:$0x7FF] =	sst s3;
	s7 =	sadd.s32 $0x67C00, s4;
	s22 =	smul.u32 $0xA0000, s0  }
0x7: {  	s5 =	sor.u32 s0, s2;
	s8 =	ssub.s32 $0x2, s0;
	s0 =	smul.u32 $0x14000, s0  }
0x8: {  	p0 =	seq.s32 s15, $0xF;
	s2 =	rddreg [dreg:$0x2];
	s6 =	smul.u32 $0x1400, s5  }
0x9: {  	_ =	strace $0x8000004D;
	s10 =	sshrl.u32 s8, $0x1;
	s12 =	smul.u32 $0xA0000, s5  }
0xa: {  	s16 =	sshrl.u32 s9, $0x2;
	s17 =	sadd.s32 s1, s11;
	s5 =	smul.u32 $0x14000, s5  }
0xb: {  	s1 =	sadd.s32 $0x12C00, s1;
	s26 =	sadd.s32 s9, s7;
	s8 =	ssub.s32 s8, s10  }
0xc: {  	s18 =	sadd.s32 s16, s2;
	[dreg:$0x4] =	wrdreg s17;
	s17 =	sadd.s32 $0x96000, s2  }
0xd: {  	[dreg:$0x5] =	wrdreg s1;
	s1 =	sadd.s32 s22, s19;
	s19 =	simm.s32 $0x9  }
0xe: {  	s22 =	simm.s32 $0x2800;
	s6 =	sshrl.u32 s6, $0x3;
	s21 =	sshrl.u32 s12, $0x3  }
0xf: {  	s23 =	smax.u32 s8, $0x1;
	s5 =	sadd.s32 $0x13800, s5;
	s1 =	sshrl.u32 s1, $0x3  }
0x10: {  	s17 =	sshrl.u32 @p0 s17, $0x3;
	s18 =	sshrl.u32 @!p0 s18, $0x3;
	s6 =	sadd.s32 s6, s4  }
0x11: {  	s4 =	sadd.s32 $0x7C5A00, s4;
	[dreg:$0x8] =	wrdreg s23;
	s24 =	sadd.s32 $0x13000, s21  }
0x12: {  	s11 =	sadd.s32 s7, s5;
	s14 =	sadd.s32 s1, s7;
	s21 =	simm.s32 $0x80  }
0x13: {  	s23 =	simm.s32 $0xA800;
	s20 =	sadd.s32 $0x2E400, s6;
	s6 =	sadd.s32 $0x33400, s6  }
0x14: {  	s25 =	sadd.s32 s7, s24;
	s12 =	sadd.s32 s4, s5;
	[dreg:$0x6] =	wrdreg s20  }
0x15: {  	s13 =	sadd.s32 s1, s4;
	s1 =	sadd.s32 s0, s26;
	[dreg:$0x7] =	wrdreg s6  }
0x16: {  	s26 =	simm.s32 $0xE800;
	s5 =	simm.s32 $0x0;
	[dreg:$0x9] =	wrdreg s25  }
0x17: {  	s6 =	sadd.s32 s4, s24;
	s4 =	sadd.s32 s9, s4;
	s15 =	sadd.s32 $0x800, s1  }
0x18: {  	s20 =	simm.s32 $0x1400;
	s24 =	simm.s32 $0x6800;
	s1 =	simm.s32 $0x2  }
0x19: {  	s25 =	simm.s32 $0x6;
	[dreg:$0xa] =	wrdreg s6;
	s0 =	sadd.s32 s0, s4  }
0x1a: {  	s4 =	simm.s32 $0x8;
	s16 =	sadd.s32 $0x800, s0;
	s0 =	simm.s32 $0x4  }
.LBB2_1:
0x1b: {  	s6 =	simm.s32 @p0 $0x1FC9;
	s7 =	rddreg [dreg:$0x5]  }
0x1c: {  	[spmem:s17], [sflag:s6] =	dma.local @p0 [hbm:s7], $0xC80  }
0x1d: {  	s6 =	simm.s32 @p0 $0x9  }
0x1e: {  	s7 =	stileid.u32;
	_ =	swait.ge @p0 [sflag:s6], $0xC80  }
0x1f: {  	s7 =	sshll.u32 @!p0 s7, $0x6;
	[sflag:s6] =	ssyncset.done @p0 $0x0  }
0x20: {  	[sflag:s6] =	ssyncadd.s32 @p0 $0xFFFFF380;
	s6 =	sor.u32 @!p0 $0x1C09, s7;
	s7 =	rddreg [dreg:$0x4]  }
0x21: {  	[spmem:s18], [sflag:s6] =	dma.local @!p0 [hbm:s7], $0x1400  }
0x22: {  	s6 =	simm.s32 @!p0 $0x9  }
0x23: {  	_ =	swait.ge @!p0 [sflag:s6], $0x1400  }
0x24: {  	[sflag:s6] =	ssyncset.done @!p0 $0x0  }
0x25: {  	s9 =	rddreg [dreg:$0x6];
	[sflag:s6] =	ssyncadd.s32 @!p0 $0xFFFFEC00  }
0x26: {  	[tilespmem:s3], [sflag:$0x9] =	stream.linear.gather [hbm4b:s9+s3], $0x1400, $0x38;
	[tilespmem:$0x1C440] =	vst v63  }
0x27: {  	_ =	swait.ge [sflag:s19], $0x1400  }
0x28: {  	[sflag:s19] =	ssyncset.done $0x0  }
0x29: {  	s10 =	rddreg [dreg:$0x7];
	[sflag:s19] =	ssyncadd.s32 $0xFFFFEC00  }
0x2a: {  	[tilespmem:s20], [sflag:$0x9] =	stream.linear.gather [hbm4b:s10+s3], $0x1400, $0x38;
	[tilespmem:$0x1C440] =	vst v63  }
0x2b: {  	_ =	swait.ge [sflag:s19], $0x1400  }
0x2c: {  	[sflag:s19] =	ssyncset.done $0x0  }
0x2d: {  	[sflag:s19] =	ssyncadd.s32 $0xFFFFEC00  }
0x2e: {  	[bflag:$0x0] =	sbarrier.arrive $0xFFFF  }
0x2f: {  	[tilespmem:s22], [sflag:$0x1] =	stream.indirect.gather [spmem:s2], $0x80, s3, s21, $0xb8;
	[tilespmem:$0x1C440] =	vst v63  }
0x30: {  	_ = 	snop  }
0x31: {  	[tilespmem:s23], [sflag:$0x3] =	stream.indirect.gather [spmem:s2], $0x80, s20, s21, $0xb8;
	[tilespmem:$0x1C440] =	vst v63  }
0x32: {  	_ = 	snop  }
0x33: {  	[tilespmem:s24], [sflag:$0x2] =	stream.indirect.gather [spmem:s2], $0x80, s21, s21, $0xb8;
	[tilespmem:$0x1C440] =	vst v63  }
0x34: {  	s7 =	simm.s32 $0x1480  }
0x35: {  	[tilespmem:s26], [sflag:$0x4] =	stream.indirect.gather [spmem:s2], $0x80, s7, s21, $0xb8;
	[tilespmem:$0x1C440] =	vst v63  }
0x36: {  	_ =	swait.ge [sflag:s28], $0x4000  }
0x37: {  	[sflag:s28] =	ssyncset.done $0x0  }
0x38: {  	s8 =	sadd.s32 $0x0, s14;
	[sflag:s28] =	ssyncadd.s32 $0xFFFFC000  }
0x39: {  	[hbm4b:s8+s3] =	stream.linear.scatter [tilespmem:s22], [sflag:$0x5], $0x4000, $0x38;
	[tilespmem:$0x1C440] =	vst v63  }
0x3a: {  	_ =	swait.ge [sflag:s29], $0x4000  }
0x3b: {  	[sflag:s29] =	ssyncset.done $0x0  }
0x3c: {  	s9 =	sadd.s32 $0x0, s13;
	[sflag:s29] =	ssyncadd.s32 $0xFFFFC000  }
0x3d: {  	[hbm4b:s9+s3] =	stream.linear.scatter [tilespmem:s23], [sflag:$0x7], $0x4000, $0x38;
	[tilespmem:$0x1C440] =	vst v63  }
0x3e: {  	_ =	swait.ge [sflag:s30], $0x4000  }
0x3f: {  	[sflag:s30] =	ssyncset.done $0x0  }
0x40: {  	s10 =	simm.s32 $0x100;
	[sflag:s30] =	ssyncadd.s32 $0xFFFFC000  }
0x41: {  	[tilespmem:s22], [sflag:$0x1] =	stream.indirect.gather [spmem:s2], $0x80, s10, s21, $0xb8;
	[tilespmem:$0x1C440] =	vst v63  }
0x42: {  	_ =	swait.ge [sflag:s31], $0x4000  }
0x43: {  	[sflag:s31] =	ssyncset.done $0x0  }
0x44: {  	s7 =	simm.s32 $0x1500;
	[sflag:s31] =	ssyncadd.s32 $0xFFFFC000  }
0x45: {  	[tilespmem:s23], [sflag:$0x3] =	stream.indirect.gather [spmem:s2], $0x80, s7, s21, $0xb8;
	[tilespmem:$0x1C440] =	vst v63  }
0x46: {  	_ =	swait.ge [sflag:s1], $0x4000  }
0x47: {  	[sflag:s1] =	ssyncset.done $0x0  }
0x48: {  	s8 =	sadd.s32 $0x0, s15;
	[sflag:s1] =	ssyncadd.s32 $0xFFFFC000  }
0x49: {  	[hbm4b:s8+s3] =	stream.linear.scatter [tilespmem:s24], [sflag:$0x6], $0x4000, $0x38;
	[tilespmem:$0x1C440] =	vst v63  }
0x4a: {  	_ =	swait.ge [sflag:s0], $0x4000  }
0x4b: {  	[sflag:s0] =	ssyncset.done $0x0  }
0x4c: {  	s9 =	sadd.s32 $0x0, s16;
	[sflag:s0] =	ssyncadd.s32 $0xFFFFC000  }
0x4d: {  	[hbm4b:s9+s3] =	stream.linear.scatter [tilespmem:s26], [sflag:$0x8], $0x4000, $0x38;
	[tilespmem:$0x1C440] =	vst v63  }
0x4e: {  	_ =	swait.ge [sflag:s25], $0x4000  }
0x4f: {  	[sflag:s25] =	ssyncset.done $0x0  }
0x50: {  	s10 =	simm.s32 $0x180;
	[sflag:s25] =	ssyncadd.s32 $0xFFFFC000  }
0x51: {  	[tilespmem:s24], [sflag:$0x2] =	stream.indirect.gather [spmem:s2], $0x80, s10, s21, $0xb8;
	[tilespmem:$0x1C440] =	vst v63  }
0x52: {  	_ =	swait.ge [sflag:s4], $0x4000  }
0x53: {  	s6 =	simm.s32 $0x1000;
	s7 =	simm.s32 $0x200;
	[sflag:s4] =	ssyncset.done $0x0  }
0x54: {  	s8 =	simm.s32 $0x1600;
	s9 =	simm.s32 $0x1580;
	[sflag:s4] =	ssyncadd.s32 $0xFFFFC000  }
.LBB2_2:
0x55: {  	[tilespmem:s26], [sflag:$0x4] =	stream.indirect.gather [spmem:s2], $0x80, s9, s21, $0xb8;
	[tilespmem:$0x1C440] =	vst v63  }
0x56: {  	s9 =	smov.u32 s6  }
0x57: {  	p1 =	sne.s32 s6, $0x12000;
	s6 =	sadd.s32 $0x1000, s6;
	_ =	swait.ge [sflag:s28], $0x4000  }
0x58: {  	[sflag:s28] =	ssyncset.done $0x0  }
0x59: {  	s10 =	sadd.s32 s9, s14;
	[sflag:s28] =	ssyncadd.s32 $0xFFFFC000  }
0x5a: {  	[hbm4b:s10+s3] =	stream.linear.scatter [tilespmem:s22], [sflag:$0x5], $0x4000, $0x38;
	[tilespmem:$0x1C440] =	vst v63  }
0x5b: {  	_ =	swait.ge [sflag:s29], $0x4000  }
0x5c: {  	[sflag:s29] =	ssyncset.done $0x0  }
0x5d: {  	s10 =	sadd.s32 s9, s13;
	[sflag:s29] =	ssyncadd.s32 $0xFFFFC000  }
0x5e: {  	[hbm4b:s10+s3] =	stream.linear.scatter [tilespmem:s23], [sflag:$0x7], $0x4000, $0x38;
	[tilespmem:$0x1C440] =	vst v63  }
0x5f: {  	_ =	swait.ge [sflag:s30], $0x4000  }
0x60: {  	[sflag:s30] =	ssyncset.done $0x0  }
0x61: {  	[sflag:s30] =	ssyncadd.s32 $0xFFFFC000  }
0x62: {  	[tilespmem:s22], [sflag:$0x1] =	stream.indirect.gather [spmem:s2], $0x80, s7, s21, $0xb8;
	[tilespmem:$0x1C440] =	vst v63  }
0x63: {  	_ =	swait.ge [sflag:s31], $0x4000  }
0x64: {  	[sflag:s31] =	ssyncset.done $0x0  }
0x65: {  	[sflag:s31] =	ssyncadd.s32 $0xFFFFC000  }
0x66: {  	[tilespmem:s23], [sflag:$0x3] =	stream.indirect.gather [spmem:s2], $0x80, s8, s21, $0xb8;
	[tilespmem:$0x1C440] =	vst v63  }
0x67: {  	_ =	swait.ge [sflag:s1], $0x4000  }
0x68: {  	[sflag:s1] =	ssyncset.done $0x0  }
0x69: {  	s10 =	sadd.s32 s9, s15;
	[sflag:s1] =	ssyncadd.s32 $0xFFFFC000  }
0x6a: {  	[hbm4b:s10+s3] =	stream.linear.scatter [tilespmem:s24], [sflag:$0x6], $0x4000, $0x38;
	[tilespmem:$0x1C440] =	vst v63  }
0x6b: {  	_ =	swait.ge [sflag:s0], $0x4000  }
0x6c: {  	[sflag:s0] =	ssyncset.done $0x0  }
0x6d: {  	s9 =	sadd.s32 s9, s16;
	[sflag:s0] =	ssyncadd.s32 $0xFFFFC000  }
0x6e: {  	[hbm4b:s9+s3] =	stream.linear.scatter [tilespmem:s26], [sflag:$0x8], $0x4000, $0x38;
	[tilespmem:$0x1C440] =	vst v63  }
0x6f: {  	_ =	swait.ge [sflag:s25], $0x4000  }
0x70: {  	[sflag:s25] =	ssyncset.done $0x0  }
.Ltmp0:
0x71: {  	s9 =	sadd.s32 $0x80, s7;
	[sflag:s25] =	ssyncadd.s32 $0xFFFFC000;
	(pc) =	sbr.rel @p1 .LBB2_2-.Ltmp0, $4  }
0x72: {  	[tilespmem:s24], [sflag:$0x2] =	stream.indirect.gather [spmem:s2], $0x80, s9, s21, $0xb8;
	[tilespmem:$0x1C440] =	vst v63  }
0x73: {  	_ =	swait.ge [sflag:s4], $0x4000  }
0x74: {  	s7 =	sadd.s32 $0x100, s7;
	[sflag:s4] =	ssyncset.done $0x0  }
0x75: {  	s9 =	sadd.s32 $0x80, s8;
	s8 =	sadd.s32 $0x100, s8;
	[sflag:s4] =	ssyncadd.s32 $0xFFFFC000  }
0x76: {  	[tilespmem:s26], [sflag:$0x4] =	stream.indirect.gather [spmem:s2], $0x80, s9, s21, $0xb8;
	[tilespmem:$0x1C440] =	vst v63  }
0x77: {  	_ =	swait.ge [sflag:s28], $0x4000  }
0x78: {  	[sflag:s28] =	ssyncset.done $0x0  }
0x79: {  	s6 =	rddreg [dreg:$0x9];
	[sflag:s28] =	ssyncadd.s32 $0xFFFFC000  }
0x7a: {  	[hbm4b:s6+s3] =	stream.linear.scatter [tilespmem:s22], [sflag:$0x5], $0x4000, $0x38;
	[tilespmem:$0x1C440] =	vst v63  }
0x7b: {  	_ =	swait.ge [sflag:s29], $0x4000  }
0x7c: {  	[sflag:s29] =	ssyncset.done $0x0  }
0x7d: {  	s9 =	rddreg [dreg:$0xa];
	[sflag:s29] =	ssyncadd.s32 $0xFFFFC000  }
0x7e: {  	[hbm4b:s9+s3] =	stream.linear.scatter [tilespmem:s23], [sflag:$0x7], $0x4000, $0x38;
	[tilespmem:$0x1C440] =	vst v63  }
0x7f: {  	_ =	swait.ge [sflag:s1], $0x4000  }
0x80: {  	[sflag:s1] =	ssyncset.done $0x0  }
0x81: {  	[sflag:s1] =	ssyncadd.s32 $0xFFFFC000  }
0x82: {  	[hbm4b:s11+s3] =	stream.linear.scatter [tilespmem:s24], [sflag:$0x6], $0x4000, $0x38;
	[tilespmem:$0x1C440] =	vst v63  }
0x83: {  	_ =	swait.ge [sflag:s0], $0x4000  }
0x84: {  	[sflag:s0] =	ssyncset.done $0x0  }
0x85: {  	[sflag:s0] =	ssyncadd.s32 $0xFFFFC000  }
0x86: {  	[hbm4b:s12+s3] =	stream.linear.scatter [tilespmem:s26], [sflag:$0x8], $0x4000, $0x38;
	[tilespmem:$0x1C440] =	vst v63  }
0x87: {  	_ =	swait.ge [sflag:s30], $0x4000  }
0x88: {  	[sflag:s30] =	ssyncset.done $0x0  }
0x89: {  	[sflag:s30] =	ssyncadd.s32 $0xFFFFC000  }
0x8a: {  	_ =	swait.ge [sflag:s31], $0x4000  }
0x8b: {  	[sflag:s31] =	ssyncset.done $0x0  }
0x8c: {  	[sflag:s31] =	ssyncadd.s32 $0xFFFFC000  }
0x8d: {  	_ =	swait.ge [sflag:s25], $0x4000  }
0x8e: {  	[sflag:s25] =	ssyncset.done $0x0  }
0x8f: {  	[sflag:s25] =	ssyncadd.s32 $0xFFFFC000  }
0x90: {  	_ =	swait.ge [sflag:s4], $0x4000  }
0x91: {  	s5 =	sadd.s32 $0x1, s5;
	s10 =	rddreg [dreg:$0x8]  }
0x92: {  	p1 =	sne.s32 s5, s10  }
.Ltmp1:
0x93: {  	_ = 	snop;
	(pc) =	sbr.rel @p1 .LBB2_1-.Ltmp1, $3  }
0x94: {  	_ =	sdelay $0x1  }
0x95: {  	[sflag:s4] =	ssyncset.done $0x0  }
0x96: {  	[sflag:s4] =	ssyncadd.s32 $0xFFFFC000  }
0x97: {  	_ =	sfence.sel $0x180000  }
0x98: {  	[bflag:$0x0] =	sbarrier.arrive $0xFFFF  }
0x99: {  	_ =	strace $0x9000004D  }
0x9a: {  	s0 =	stileid.u32;
	[bflag:$0x2] =	sbarrier.arrive $0xFFFF  }
0x9b: {  	p0 =	sne.s32 s0, $0x0;
	s0 =	rddreg [dreg:$0x3]  }
0x9c: {  	s0 =	sadd.s32 @!p0 $0x100000, s0  }
0x9d: {  	[sflag:s0] =	ssyncadd.tile.s32 @!p0 $0x1;
	_ =	shalt  }
.Lfunc_end2:
_tile_overlayer_lowered:
.L_overlay_start_2:
0x9e: {  	(tag) =	ssettag $0x2  }
0x9f: {  	s0 =	rddreg [dreg:$0x0];
	s2 =	stileid.u32  }
0xa0: {  	s1 =	rddreg [dreg:$0x1];
	p0 =	sne.s32 s2, $0x0  }
0xa1: {  	s3 =	rddreg [dreg:$0x2];
	[bflag:$0x3] =	sbarrier.arrive $0xFFFF;
	s2 =	simm.s32 @!p0 $0x1C09  }
0xa2: {  	[timem:s3], [sflag:s2] =	dma.local @!p0 [hbm:s0], s1  }
0xa3: {  	s0 =	simm.s32 @!p0 $0x9  }
0xa4: {  	_ =	swait.ge @!p0 [sflag:s0], s1  }
0xa5: {  	s1 =	ssub.s32 @!p0 $0x0, s1;
	[sflag:s0] =	ssyncset.done @!p0 $0x0  }
0xa6: {  	[sflag:s0] =	ssyncadd.s32 @!p0 s1  }
0xa7: {  	[bflag:$0x3] =	sbarrier.arrive $0xFFFF  }
0xa8: {  	_ =	shalt  }

// kernel: kernel.19.cloned.1.call-start
scs
__scs_entry_jumppad:
0x0: {  	(pc) =	sbr.rel $0x88, $3  }
0x1: {  	(tag) =	ssettag $0x0;
	lr =	simm.s32 $0x1  }
0x2: {  	[smem:$0x3F94] =	sst lr;
	_ =	strace $0xD0000000  }
0x3: {  	_ = 	snop  }
0x4: {  	_ = 	snop  }
0x5: {  	_ = 	snop  }
0x6: {  	_ = 	snop  }
0x7: {  	_ = 	snop  }
__scs_overlays_trampoline_lowered:
0x8: {  	[smem:$0x3FA3] =	sst s0  }
0x9: {  	[smem:$0x3FA4] =	sst s1  }
0xa: {  	[smem:$0x3FA5] =	sst s2  }
0xb: {  	[smem:$0x3FA6] =	sst s3  }
0xc: {  	[smem:$0x3FA7] =	sst s4  }
0xd: {  	[smem:$0x3FA8] =	sst s5  }
0xe: {  	[smem:$0x3FA9] =	sst s6  }
0xf: {  	[smem:$0x3FAA] =	sst s7  }
0x10: {  	[smem:$0x3FAB] =	sst s8  }
0x11: {  	[smem:$0x3FAC] =	sst s9;
	s0 =	simm.s32 @!p0 $0x0  }
0x12: {  	s1 =	sld [smem:$0x3F92];
	s0 =	simm.s32 @p0 $0x1  }
0x13: {  	[smem:$0x3FAD] =	sst s0;
	s0 =	simm.s32 @!p1 $0x0  }
0x14: {  	s2 =	sld [smem:$0x3F91];
	s0 =	simm.s32 @p1 $0x1  }
0x15: {  	[smem:$0x3FAE] =	sst s0;
	s0 =	simm.s32 @!p2 $0x0  }
0x16: {  	s3 =	sld [smem:$0x3FDB];
	s0 =	simm.s32 @p2 $0x1  }
0x17: {  	s4 =	simm.s32 $0x1BF5;
	[smem:$0x3FB0] =	sst s0  }
0x18: {  	s0 =	sld [smem:$0x3F93];
	_ =	swait.ge [sflag:s4], $0x0  }
0x19: {  	s7 =	sld [smem:$0x3F94]  }
0x1a: {  	s8 =	sadd.s32 $0xFFFFE003, lr  }
0x1b: {  	s9 =	sadd.s32 $0xFFFFFEF7, lr;
	s5 =	simm.s32 $0xFFFFFFFF;
	p2 =	slt.u32 s8, $0xFFFFF086  }
0x1c: {  	p1 =	slt.u32 s9, $0xF7A;
	s5 =	simm.s32 @!p2 $0x0  }
0x1d: {  	s5 =	simm.s32 @p1 $0x1;
	p0 =	seq.s32 s7, s2  }
0x1e: {  	s7 =	smul.u32 @!p0 $0xF7A, s2;
	p2 =	seq.s32 @!p0 s5, $0x0  }
0x1f: {  	s9 =	smul.u32 $0xF7A, s1;
	s8 =	simm.s32 @!p0 $0x1BF5;
	p2 =	por !p2, p0  }
0x20: {  	[sflag:s8] =	ssyncset.s32 @!p0 $0xFFFFF086;
	s6 =	sadd.s32 @!p0 s3, s7;
	s7 =	simm.s32 @!p0 $0x108  }
0x21: {  	s3 =	sadd.s32 s3, s9;
	s6 =	sadd.s32 @!p0 $0x88, s6;
	s7 =	simm.s32 @p2 $0x1082  }
0x22: {  	[simem:s7], [sflag:s8] =	dma.local @!p0 [hbm:s6], $0xF7A  }
0x23: {  	s9 =	sor.u32 $0xD0000000, s2;
	s6 =	simm.s32 $0x108;
	_ =	swait.ge @!p0 [sflag:s8], $0x0  }
0x24: {  	s3 =	sadd.s32 $0x88, s3;
	s6 =	simm.s32 @!p1 $0x1082;
	[sflag:s4] =	ssyncset.s32 $0xFFFFF086  }
0x25: {  	[simem:s6], [sflag:s4] =	dma.local [hbm:s3], $0xF7A  }
0x26: {  	[smem:$0x3F94] =	sst s1;
	(tag) =	ssettag s2;
	_ =	strace s9  }
0x27: {  	s1 =	sld [smem:$0x3FA4]  }
0x28: {  	s2 =	sld [smem:$0x3FA5]  }
0x29: {  	s4 =	sld [smem:$0x3FA7]  }
0x2a: {  	p0 =	seq.s32 s5, $0x0;
	s5 =	sld [smem:$0x3FA8]  }
0x2b: {  	s6 =	sld [smem:$0x3FA9]  }
0x2c: {  	s7 =	sld [smem:$0x3FAA]  }
0x2d: {  	s3 =	simm.s32 $0x108;
	s8 =	sld [smem:$0x3FAB]  }
0x2e: {  	s3 =	simm.s32 @!p0 $0x1082;
	s9 =	sld [smem:$0x3FAC]  }
0x2f: {  	lr =	sadd.s32 s0, s3;
	s0 =	sld [smem:$0x3FA3]  }
0x30: {  	s3 =	sld [smem:$0x3FA6]  }
0x31: {  	[smem:$0x3FAF] =	sst s10  }
0x32: {  	s10 =	sld [smem:$0x3FAD];
	_ =	sdelay $0x3  }
0x33: {  	p0 =	seq.s32 s10, $0x1;
	s10 =	sld [smem:$0x3FAF];
	_ =	sdelay $0x3  }
0x34: {  	[smem:$0x3FAF] =	sst s10  }
0x35: {  	s10 =	sld [smem:$0x3FAE];
	_ =	sdelay $0x3  }
0x36: {  	p1 =	seq.s32 s10, $0x1;
	s10 =	sld [smem:$0x3FAF];
	_ =	sdelay $0x3  }
0x37: {  	[smem:$0x3FAF] =	sst s10  }
0x38: {  	s10 =	sld [smem:$0x3FB0]  }
0x39: {  	_ = 	snop;
	(pc) =	sbr.ind lr, $3  }
0x3a: {  	_ = 	snop  }
0x3b: {  	_ = 	snop  }
0x3c: {  	p2 =	seq.s32 s10, $0x1;
	s10 =	sld [smem:$0x3FAF]  }
0x3d: {  	_ =	shalt  }
0x3e: {  	_ =	shalt  }
0x3f: {  	_ =	shalt  }
0x40: {  	_ =	shalt  }
0x41: {  	_ =	shalt  }
0x42: {  	_ =	shalt  }
0x43: {  	_ =	shalt  }
0x44: {  	_ =	shalt  }
0x45: {  	_ =	shalt  }
0x46: {  	_ =	shalt  }
0x47: {  	_ =	shalt  }
0x48: {  	_ =	shalt  }
0x49: {  	_ =	shalt  }
0x4a: {  	_ =	shalt  }
0x4b: {  	_ =	shalt  }
0x4c: {  	_ =	shalt  }
0x4d: {  	_ =	shalt  }
0x4e: {  	_ =	shalt  }
0x4f: {  	_ =	shalt  }
0x50: {  	_ =	shalt  }
0x51: {  	_ =	shalt  }
0x52: {  	_ =	shalt  }
0x53: {  	_ =	shalt  }
0x54: {  	_ =	shalt  }
0x55: {  	_ =	shalt  }
0x56: {  	_ =	shalt  }
0x57: {  	_ =	shalt  }
0x58: {  	_ =	shalt  }
0x59: {  	_ =	shalt  }
0x5a: {  	_ =	shalt  }
0x5b: {  	_ =	shalt  }
0x5c: {  	_ =	shalt  }
0x5d: {  	_ =	shalt  }
0x5e: {  	_ =	shalt  }
0x5f: {  	_ =	shalt  }
0x60: {  	_ =	shalt  }
0x61: {  	_ =	shalt  }
0x62: {  	_ =	shalt  }
0x63: {  	_ =	shalt  }
0x64: {  	_ =	shalt  }
0x65: {  	_ =	shalt  }
0x66: {  	_ =	shalt  }
0x67: {  	_ =	shalt  }
0x68: {  	_ =	shalt  }
0x69: {  	_ =	shalt  }
0x6a: {  	_ =	shalt  }
0x6b: {  	_ =	shalt  }
0x6c: {  	_ =	shalt  }
0x6d: {  	_ =	shalt  }
0x6e: {  	_ =	shalt  }
0x6f: {  	_ =	shalt  }
0x70: {  	_ =	shalt  }
0x71: {  	_ =	shalt  }
0x72: {  	_ =	shalt  }
0x73: {  	_ =	shalt  }
0x74: {  	_ =	shalt  }
0x75: {  	_ =	shalt  }
0x76: {  	_ =	shalt  }
0x77: {  	_ =	shalt  }
0x78: {  	_ =	shalt  }
0x79: {  	_ =	shalt  }
0x7a: {  	_ =	shalt  }
0x7b: {  	_ =	shalt  }
0x7c: {  	_ =	shalt  }
0x7d: {  	_ =	shalt  }
0x7e: {  	_ =	shalt  }
0x7f: {  	_ =	shalt  }
0x80: {  	_ =	shalt  }
0x81: {  	_ =	shalt  }
0x82: {  	_ =	shalt  }
0x83: {  	_ =	shalt  }
0x84: {  	_ =	shalt  }
0x85: {  	_ =	shalt  }
0x86: {  	_ =	shalt  }
0x87: {  	_ =	shalt  }
.Lfunc_end0:
.L_simem_size_0:
called_computation.3_lowered:
.L_overlay_start_0:
0x88: {  	s2 =	sld [smem:$0x3FD9]  }
0x89: {  	s3 =	sld [smem:$0x3FFE];
	_ =	sdelay $0x1  }
0x8a: {  	s1 =	srdreg.scid  }
0x8b: {  	s0 =	sand.u32 $0x1, s1  }
0x8c: {  	s17 =	sshll.u32 s0, $0xA;
	s2 =	sadd.s32 s3, s2  }
0x8d: {  	s2 =	sadd.s32 s2, s17  }
0x8e: {  	[smem:$0x3FBB] =	sst s2  }
0x8f: {  	_ = 	snop  }
0x90: {  	s2 =	sld [smem:$0x3FD0];
	(tm) =	ssettm $0x1  }
0x91: {  	s18 =	sld [smem:$0x3FFB];
	_ =	sdelay $0x3  }
0x92: {  	_ =	strace s18  }
0x93: {  	s3 =	sld [smem:$0x3FFC];
	_ =	sdelay $0x3  }
0x94: {  	_ =	strace s3  }
0x95: {  	s3 =	sld [smem:$0x3FFD];
	_ =	sdelay $0x3  }
0x96: {  	_ =	strace s3  }
0x97: {  	_ =	strace $0x8FFFFFFF  }
0x98: {  	s19 =	sld [smem:$0x3FDB];
	_ =	sdelay $0x1  }
0x99: {  	s4 =	simm.s32 $_scs_section_size  }
0x9a: {  	s5 =	simm.s32 $_size__tile_overlayer_lowered;
	s6 =	simm.s32 $_tile_overlayer_lowered  }
0x9b: {  	s22 =	simm.s32 $0x1BFF;
	s21 =	sshll.u32 s6, $0x1;
	s3 =	sadd.s32 s4, s19  }
0x9c: {  	s7 =	simm.s32 $0x0;
	s20 =	sshll.u32 s5, $0x1;
	s5 =	sadd.s32 s21, s3  }
0x9d: {  	[timem:s7], [sflag:s22] =	dma.local [hbm:s5], s20  }
0x9e: {  	_ =	swait.ge [sflag:s22], s20  }
0x9f: {  	s4 =	ssub.s32 $0x0, s20;
	[sflag:s22] =	ssyncset.done $0x0  }
0xa0: {  	[sflag:s22] =	ssyncadd.s32 s4;
	_ =	sdelay $0x1  }
0xa1: {  	s23 =	simm.s32 $0x1B8B  }
0xa2: {  	_ =	swait.ge [sflag:s23], $0x1  }
0xa3: {  	[sflag:s23] =	ssyncset.done $0x0  }
0xa4: {  	s25 =	simm.s32 $0x1B8E;
	s24 =	sld [smem:$0x3FFE];
	[sflag:s23] =	ssyncadd.s32 $0xFFFFFFFF  }
0xa5: {  	s26 =	simm.s32 $execute0_lowered;
	[smem:$0x3FD2] =	sst s25  }
0xa6: {  	s5 =	sshll.u32 s26, $0x1;
	_ =	strace $0x8000004F;
	[dreg:$0x1] =	wrdreg $0xFFFFFFFF  }
0xa7: {  	s28 =	simm.s32 $_size_execute0_lowered;
	s3 =	sadd.s32 s3, s5;
	[dreg:$0x0] =	wrdreg $0x0  }
0xa8: {  	s5 =	sshll.u32 s28, $0x1;
	[dreg:$0x2] =	wrdreg s3  }
0xa9: {  	[dreg:$0x3] =	wrdreg s5  }
0xaa: {  	[dreg:$0x4] =	wrdreg $0xC0  }
0xab: {  	_ =	task [dreg:s7], $0x5FFFF  }
0xac: {  	[dreg:$0x1] =	wrdreg $0xFFFFFFFF  }
0xad: {  	[dreg:$0x0] =	wrdreg $0x60  }
0xae: {  	[dreg:$0x2] =	wrdreg s24  }
0xaf: {  	[dreg:$0x3] =	wrdreg s2  }
0xb0: {  	[dreg:$0x4] =	wrdreg $0x68000  }
0xb1: {  	[dreg:$0x5] =	wrdreg $0x9  }
0xb2: {  	_ =	task.clear_ibuf [dreg:s7], $0x6FFFF;
	_ =	strace $0x9000004F  }
0xb3: {  	s29 =	simm.s32 $0x9;
	_ =	strace $0x80000051  }
0xb4: {  	_ =	swait.ge [sflag:s29], $0x1  }
0xb5: {  	[sflag:s29] =	ssyncadd.s32 $0xFFFFFFFF  }
0xb6: {  	_ =	strace $0x90000051  }
0xb7: {  	_ =	sfence  }
0xb8: {  	s30 =	sld [smem:$0x0];
	_ =	sdelay $0x2  }
0xb9: {  	s31 =	sshll.u32 s1, $0xD;
	s1 =	sshrl.u32 s1, $0x2  }
0xba: {  	s3 =	sand.u32 $0x4000, s31;
	s1 =	sadd.s32 s1, s30  }
0xbb: {  	s0 =	sor.u32 s3, s0;
	s1 =	sshll.u32 s1, $0x11  }
0xbc: {  	s0 =	sor.u32 s1, s0  }
0xbd: {  	s0 =	sadd.s32 $0x8F2B, s0  }
0xbe: {  	[sflag:s0] =	ssyncadd.remote.s32 $0x1  }
0xbf: {  	_ =	sfence.sel $0xFFFF  }
0xc0: {  	[dreg:$0x0] =	wrdreg $0xFFFFFFFF;
	(pc) =	sbr.abs _section_cstart, $3  }
0xc1: {  	[dreg:$0x1] =	wrdreg $0xFFFFFFFF  }
0xc2: {  	_ =	task.clear_ibuf [dreg:s7], $0x2FFFF;
	_ =	strace $0x9FFFFFFF  }
0xc3: {  	(tm) =	ssettm $0x7FFFFFFF  }
tec
execute0_lowered:
.L_overlay_start_1:
0x0: {  	(tag) =	ssettag $0x1  }
0x1: {  	s4 =	rddreg [dreg:$0x0];
	s0 =	srdreg.scid  }
0x2: {  	s8 =	rddreg [dreg:$0x1];
	s5 =	sand.u32 $0x1, s0  }
0x3: {  	s0 =	stileid.u32;
	s6 =	smul.u32 $0x1400000, s5  }
0x4: {  	s2 =	rddreg [dreg:$0x2];
	s7 =	smul.u32 $0x140000, s0  }
0x5: {  	s1 =	rddreg [dreg:$0x3];
	s24 =	smul.u32 $0x2800, s0  }
0x6: {  	s3 =	simm.s32 $0x0;
	s17 =	simm.s32 $0x0;
	s9 =	smul.u32 $0x13C00, s0  }
0x7: {  	[smem:$0x7FF] =	sst s3;
	s15 =	sadd.s32 $0x128400, s2;
	s26 =	smul.u32 $0x4F000, s0  }
0x8: {  	_ =	strace $0x80000050;
	s12 =	ssub.s32 $0x2, s5;
	s14 =	smul.u32 $0x138800, s5  }
0x9: {  	s29 =	sshll.u32 s0, $0x6;
	p0 =	seq.s32 s0, $0xF;
	s13 =	sshrl.u32 s12, $0x1  }
0xa: {  	s5 =	sor.u32 $0x1C01, s29;
	s15 =	sshrl.u32 @p0 s15, $0x3;
	s6 =	sadd.s32 s7, s6  }
0xb: {  	s25 =	sshrl.u32 s24, $0x3;
	s11 =	sshrl.u32 s9, $0x3;
	s7 =	sshrl.u32 s26, $0x2  }
0xc: {  	s28 =	ssub.s32 s12, s13;
	s30 =	sadd.s32 s9, s14;
	s31 =	sshrl.u32 s14, $0x3  }
0xd: {  	s12 =	simm.s32 $0x1;
	s13 =	simm.s32 $0x2800;
	s14 =	simm.s32 $0x80  }
0xe: {  	s6 =	sshrl.u32 s6, $0x3;
	s16 =	sadd.s32 s7, s2;
	s7 =	sshrl.u32 s30, $0x3  }
0xf: {  	s9 =	smax.u32 s28, $0x1;
	s10 =	sadd.s32 s6, s4;
	s6 =	sadd.s32 s25, s4  }
0x10: {  	s4 =	sadd.s32 s11, s4;
	s7 =	sadd.s32 s8, s7;
	s8 =	sadd.s32 s8, s31  }
0x11: {  	s11 =	sshrl.u32 s16, $0x3;
	s16 =	sshrl.u32 @!p0 s16, $0x3;
	s4 =	sadd.s32 $0x3D400, s4  }
0x12: {  	s6 =	sadd.s32 $0x38400, s6;
	s8 =	sadd.s32 $0x25080, s8;
	s10 =	sadd.s32 $0xA45A00, s10  }
.LBB2_1:
0x13: {  	[spmem:s11], [sflag:s5] =	dma.local [hbm:s4], $0x2780  }
0x14: {  	_ =	swait.ge [sflag:s12], $0x2780  }
0x15: {  	[sflag:s12] =	ssyncset.done $0x0  }
0x16: {  	[sflag:s12] =	ssyncadd.s32 $0xFFFFD880  }
0x17: {  	[tilespmem:s3], [sflag:$0x1] =	stream.linear.gather [hbm4b:s6+s3], $0x2800, $0x38;
	[tilespmem:$0x1A400] =	vst v63  }
0x18: {  	_ =	swait.ge [sflag:s12], $0x2800  }
0x19: {  	[sflag:s12] =	ssyncset.done $0x0  }
0x1a: {  	[sflag:s12] =	ssyncadd.s32 $0xFFFFD800  }
0x1b: {  	[bflag:$0x0] =	sbarrier.arrive $0xFFFF  }
0x1c: {  	[tilespmem:s13], [sflag:$0x1] =	stream.linear.gather [hbm4b:s10+s3], $0x4000, $0x38;
	[tilespmem:$0x1A400] =	vst v63  }
0x1d: {  	_ =	swait.ge [sflag:s12], $0x4000  }
0x1e: {  	[sflag:s12] =	ssyncset.done $0x0  }
0x1f: {  	s18 =	simm.s32 $0x0;
	[sflag:s12] =	ssyncadd.s32 $0xFFFFC000  }
0x20: {  	[spmem:s2] =	stream.indirect.scatter.add.f32 [tilespmem:s13], [sflag:$0x1], $0x80, s18, s14, $0xb8;
	[tilespmem:$0x1A400] =	vst v63  }
0x21: {  	_ =	swait.ge [sflag:s12], $0x4000  }
0x22: {  	s19 =	smov.u32 s10;
	s18 =	simm.s32 $0x200;
	[sflag:s12] =	ssyncset.done $0x0  }
.LBB2_2:
0x23: {  	p1 =	sne.s32 s18, $0x9E00;
	[sflag:s12] =	ssyncadd.s32 $0xFFFFC000;
	s19 =	sadd.s32 $0x800, s19  }
0x24: {  	[tilespmem:s13], [sflag:$0x1] =	stream.linear.gather [hbm4b:s19+s3], $0x4000, $0x38;
	[tilespmem:$0x1A400] =	vst v63  }
0x25: {  	s20 =	smov.u32 s18;
	s18 =	sadd.s32 $0x200, s18;
	_ =	swait.ge [sflag:s12], $0x4000  }
.Ltmp0:
0x26: {  	[sflag:s12] =	ssyncset.done $0x0;
	(pc) =	sbr.rel @p1 .LBB2_2-.Ltmp0, $4  }
0x27: {  	s20 =	sshra.s32 s20, $0x2;
	[sflag:s12] =	ssyncadd.s32 $0xFFFFC000  }
0x28: {  	[spmem:s2] =	stream.indirect.scatter.add.f32 [tilespmem:s13], [sflag:$0x1], $0x80, s20, s14, $0xb8;
	[tilespmem:$0x1A400] =	vst v63  }
0x29: {  	_ =	swait.ge [sflag:s12], $0x4000  }
0x2a: {  	[sflag:s12] =	ssyncset.done $0x0  }
0x2b: {  	[sflag:s12] =	ssyncadd.s32 $0xFFFFC000  }
0x2c: {  	s18 =	simm.s32 @p0 $0x1;
	[bflag:$0x0] =	sbarrier.arrive $0xFFFF  }
0x2d: {  	[hbm:s8], [sflag:s5] =	dma.local @p0 [spmem:s15], $0x2080  }
0x2e: {  	s17 =	sadd.s32 $0x1, s17;
	_ =	swait.ge @p0 [sflag:s18], $0x2080  }
0x2f: {  	p1 =	sne.s32 s17, s9;
	[sflag:s18] =	ssyncset.done @p0 $0x0  }
.Ltmp1:
0x30: {  	[sflag:s18] =	ssyncadd.s32 @p0 $0xFFFFDF80;
	s18 =	simm.s32 @!p0 $0x1;
	(pc) =	sbr.rel @p1 .LBB2_1-.Ltmp1, $4  }
0x31: {  	[hbm:s7], [sflag:s5] =	dma.local @!p0 [spmem:s16], $0x2780  }
0x32: {  	_ =	swait.ge @!p0 [sflag:s18], $0x2780  }
0x33: {  	[sflag:s18] =	ssyncset.done @!p0 $0x0  }
0x34: {  	[sflag:s18] =	ssyncadd.s32 @!p0 $0xFFFFD880  }
0x35: {  	_ =	sfence.sel $0x180000  }
0x36: {  	[bflag:$0x0] =	sbarrier.arrive $0xFFFF  }
0x37: {  	p0 =	sne.s32 s0, $0x0;
	_ =	strace $0x90000050  }
0x38: {  	s0 =	sadd.s32 @!p0 $0x100000, s1;
	[bflag:$0x2] =	sbarrier.arrive $0xFFFF  }
0x39: {  	[sflag:s0] =	ssyncadd.tile.s32 @!p0 $0x1;
	_ =	shalt  }
.Lfunc_end2:
_tile_overlayer_lowered:
.L_overlay_start_2:
0x3a: {  	(tag) =	ssettag $0x2  }
0x3b: {  	s0 =	rddreg [dreg:$0x0];
	s2 =	stileid.u32  }
0x3c: {  	s1 =	rddreg [dreg:$0x1];
	p0 =	sne.s32 s2, $0x0  }
0x3d: {  	s3 =	rddreg [dreg:$0x2];
	[bflag:$0x3] =	sbarrier.arrive $0xFFFF;
	s2 =	simm.s32 @!p0 $0x1C01  }
0x3e: {  	[timem:s3], [sflag:s2] =	dma.local @!p0 [hbm:s0], s1  }
0x3f: {  	s0 =	simm.s32 @!p0 $0x1  }
0x40: {  	_ =	swait.ge @!p0 [sflag:s0], s1  }
0x41: {  	s1 =	ssub.s32 @!p0 $0x0, s1;
	[sflag:s0] =	ssyncset.done @!p0 $0x0  }
0x42: {  	[sflag:s0] =	ssyncadd.s32 @!p0 s1  }
0x43: {  	[bflag:$0x3] =	sbarrier.arrive $0xFFFF  }
0x44: {  	_ =	shalt  }

</sc_bundles>
